<compile_context>
chip_gen: v7x
topology: tpu7x:2x2x1
jax: 0.10.2.dev20260603
libtpu: 0.0.44.dev20260713+nightly
codegen_flags: <defaults>
</compile_context>

<pallas_src>
import functools

import jax
import jax.numpy as jnp
from jax import lax
from jax.experimental import pallas as pl
from jax.experimental.pallas import tpu as pltpu
from jax.experimental.pallas import tpu_sc as plsc

N = 10000
E = 320000
D = 128

CHUNK = 128
NC = 2
NS = 16
NW = NC * NS
CHUNKS_TOTAL = -(-E // (CHUNK * NW)) * NW
CPW = CHUNKS_TOTAL // NW
E_PAD = CHUNKS_TOTAL * CHUNK
ACC_ROWS = 10240
RPT = ACC_ROWS // NS


def _sc_aggregate(x, src2d, dst2d, w2d):
    mesh = plsc.VectorSubcoreMesh(core_axis_name="c", subcore_axis_name="s")

    @functools.partial(
        pl.kernel,
        out_type=jax.ShapeDtypeStruct((NC, ACC_ROWS, D), jnp.float32),
        mesh=mesh,
        scratch_types=[
            pltpu.VMEM((CHUNK,), jnp.int32),
            pltpu.VMEM((CHUNK,), jnp.int32),
            pltpu.VMEM((CHUNK,), jnp.float32),
            pltpu.VMEM((CHUNK, D), jnp.float32),
            pltpu.VMEM((CHUNK, D), jnp.float32),
            pltpu.VMEM_SHARED((ACC_ROWS, D), jnp.float32),
            pltpu.SemaphoreType.DMA,
            pltpu.SemaphoreType.DMA,
        ],
    )
    def k(x_hbm, src_hbm, dst_hbm, w_hbm, out_hbm,
          src_v, dst_v, w_v, rows_v, zbuf, acc, sem, sem2):
        cid = lax.axis_index("c")
        sid = lax.axis_index("s")
        wid = cid * NS + sid

        def zrow(r, carry):
            for c in range(D // 16):
                zbuf[r, pl.ds(c * 16, 16)] = jnp.zeros((16,), jnp.float32)
            return carry

        lax.fori_loop(0, CHUNK, zrow, 0)
        for q in range(RPT // CHUNK):
            pltpu.sync_copy(zbuf, acc.at[pl.ds(sid * RPT + q * CHUNK, CHUNK)])
        plsc.subcore_barrier()

        def chunk_body(j, carry):
            row = wid * CPW + j
            pltpu.sync_copy(src_hbm.at[row], src_v)
            pltpu.sync_copy(dst_hbm.at[row], dst_v)
            pltpu.sync_copy(w_hbm.at[row], w_v)
            h0 = pltpu.async_copy(x_hbm.at[src_v.at[pl.ds(0, CHUNK // 2)]],
                                  rows_v.at[pl.ds(0, CHUNK // 2)], sem)
            h1 = pltpu.async_copy(
                x_hbm.at[src_v.at[pl.ds(CHUNK // 2, CHUNK // 2)]],
                rows_v.at[pl.ds(CHUNK // 2, CHUNK // 2)], sem2)
            h0.wait()
            h1.wait()

            def group_body(g, c2):
                wv = w_v[pl.ds(g * 16, 16)]
                for e2 in range(16):
                    ws = wv[e2]
                    row_e = g * 16 + e2
                    for c in range(D // 16):
                        sl = pl.ds(c * 16, 16)
                        rows_v[row_e, sl] = rows_v[row_e, sl] * ws
                return c2

            lax.fori_loop(0, CHUNK // 16, group_body, 0)
            pltpu.sync_copy(rows_v, acc.at[dst_v], add=True)
            return carry

        lax.fori_loop(0, CPW, chunk_body, 0)
        plsc.subcore_barrier()
        pltpu.sync_copy(acc.at[pl.ds(sid * RPT, RPT)],
                        out_hbm.at[cid, pl.ds(sid * RPT, RPT)])

    return k(x, src2d, dst2d, w2d)


def _tc_combine(p0, p1, W):
    BM = 2000

    def body(p0_ref, p1_ref, w_ref, o_ref):
        s = p0_ref[...] + p1_ref[...]
        o_ref[...] = jnp.maximum(
            jnp.dot(s, w_ref[...], preferred_element_type=jnp.float32), 0.0)

    return pl.pallas_call(
        body,
        grid=(N // BM,),
        in_specs=[
            pl.BlockSpec((BM, D), lambda i: (i, 0)),
            pl.BlockSpec((BM, D), lambda i: (i, 0)),
            pl.BlockSpec((D, D), lambda i: (0, 0)),
        ],
        out_specs=pl.BlockSpec((BM, D), lambda i: (i, 0)),
        out_shape=jax.ShapeDtypeStruct((N, D), jnp.float32),
    )(p0, p1, W)


@jax.jit
def kernel(x, edge_index, edge_weight, W):
    pad = E_PAD - E
    src = jnp.concatenate([edge_index[1], jnp.zeros((pad,), jnp.int32)])
    dst = jnp.concatenate(
        [edge_index[0],
         N + (jnp.arange(pad, dtype=jnp.int32) % (ACC_ROWS - N))])
    w = jnp.concatenate([edge_weight, jnp.zeros((pad,), jnp.float32)])
    src2d = src.reshape(CHUNKS_TOTAL, CHUNK)
    dst2d = dst.reshape(CHUNKS_TOTAL, CHUNK)
    w2d = w.reshape(CHUNKS_TOTAL, CHUNK)
    partials = _sc_aggregate(x, src2d, dst2d, w2d)
    return _tc_combine(partials[0, :N], partials[1, :N], W)

# --- scband reference (transcript-rebuilt; emitter-appended) ---
"""Pipeline reference for scband-graph-convolution-27315992003075 (READ-ONLY COPY).

The authoritative reference and input builder live on the scoring server;
editing this copy changes nothing except your own understanding.
"""

import jax, jax.numpy as jnp
import numpy as np

N = 10000
E = 320000
D_IN = 128
D_OUT = 128


def setup_inputs(seed: int = 0) -> dict:
    key = jax.random.key(seed)
    k1, k2, k3, k4 = jax.random.split(key, 4)
    x = jax.random.normal(k1, (N, D_IN), dtype=jnp.float32)
    edge_index = jax.random.randint(k2, (2, E), 0, N, dtype=jnp.int32)
    edge_weight = jax.random.uniform(k3, (E,), dtype=jnp.float32)
    # learned parameter: weight [input_dim, output_dim], kaiming-normal-like init
    W = jax.random.normal(k4, (D_IN, D_OUT), dtype=jnp.float32) * np.sqrt(2.0 / D_IN)
    return {"x": x, "edge_index": edge_index, "edge_weight": edge_weight, "W": W}


def reference(x, edge_index, edge_weight, W):
    # eval mode: no dropout. sparse_input=False, featureless=False -> dense mm
    prod = x @ W  # [N, D_OUT]
    # sparse adj @ prod, adj given in COO form: row=edge_index[0] (dst), col=edge_index[1] (src)
    dst = edge_index[0]
    src = edge_index[1]
    msgs = jnp.take(prod, src, axis=0) * edge_weight[:, None]  # gather [E, D_OUT]
    out = jax.ops.segment_sum(msgs, dst, num_segments=N)  # scatter-add [N, D_OUT]
    # bias=False; active=relu
    return jax.nn.relu(out)

if __name__ == "__main__":
    import jax
    _d = setup_inputs()
    print(jax.jit(kernel)(*tuple(_d.values())))

</pallas_src>

<mosaic_0001>
#map = affine_map<(d0, d1) -> (0, 0)>
#map1 = affine_map<(d0, d1) -> (0, 0, 0)>
module attributes {stable_mosaic.version = 14 : i64} {
  func.func @k(%arg0: i32, %arg1: i32, %arg2: memref<10000x128xf32, #tpu.memory_space<hbm>>, %arg3: memref<2528x128xi32, #tpu.memory_space<hbm>>, %arg4: memref<2528x128xi32, #tpu.memory_space<hbm>>, %arg5: memref<2528x128xf32, #tpu.memory_space<hbm>>, %arg6: memref<2x10240x128xf32, #tpu.memory_space<hbm>>, %arg7: memref<128xi32, #tpu.memory_space<vmem>>, %arg8: memref<128xi32, #tpu.memory_space<vmem>>, %arg9: memref<128xf32, #tpu.memory_space<vmem>>, %arg10: memref<128x128xf32, #tpu.memory_space<vmem>>, %arg11: memref<128x128xf32, #tpu.memory_space<vmem>>, %arg12: memref<10240x128xf32, #tpu.memory_space<vmem_shared>>, %arg13: memref<!tpu.dma_semaphore, #tpu.memory_space<semaphore_mem>>, %arg14: memref<!tpu.dma_semaphore, #tpu.memory_space<semaphore_mem>>) attributes {dimension_semantics = [#tpu.dimension_semantics<core_parallel>, #tpu.dimension_semantics<subcore_parallel>], iteration_bounds = array<i64: 2, 16>, scalar_prefetch = 0 : i64, scratch_operands = 8 : i64, tpu.core_type = #tpu.core_type<sc_vector_subcore>, window_params = [{transform_indices = #map}, {transform_indices = #map}, {transform_indices = #map}, {transform_indices = #map}, {transform_indices = #map1}]} {
    %mul3A = arith.constant 16 : i32
    %mul3A_0 = arith.muli %arg0, %mul3A : i32
    %add3A = arith.addi %mul3A_0, %arg1 : i32
    %scan3A = arith.constant 0 : i32
    %scan3A_1 = arith.constant 0 : i32
    %scan3A_2 = arith.constant 128 : i32
    %scan3A_3 = arith.addi %scan3A_1, %scan3A_2 : i32
    %scan3A_4 = arith.constant 1 : i32
    scf.for %scan3A_37 = %scan3A_1 to %scan3A_3 step %scan3A_4  : i32 {
      %broadcast_in_dim3A = arith.constant 0.000000e+00 : f32
      %broadcast_in_dim3A_38 = vector.broadcast %broadcast_in_dim3A : f32 to vector<16xf32>
      %swap3A = arith.index_cast %scan3A_37 : i32 to index
      %swap3A_39 = arith.constant 0 : index
      %swap3A_40 = tpu.vector_load %arg11[%swap3A, %swap3A_39] {strides = array<i32>} : memref<128x128xf32, #tpu.memory_space<vmem>>, vector<1x16xf32>,
      %swap3A_41 = vector.shape_cast %swap3A_40 : vector<1x16xf32> to vector<16xf32>
      %swap3A_42 = vector.shape_cast %broadcast_in_dim3A_38 : vector<16xf32> to vector<1x16xf32>
      tpu.vector_store %arg11[%swap3A, %swap3A_39], %swap3A_42 {strides = array<i32>} : memref<128x128xf32, #tpu.memory_space<vmem>>, vector<1x16xf32>,
      %broadcast_in_dim3A_43 = arith.constant 0.000000e+00 : f32
      %broadcast_in_dim3A_44 = vector.broadcast %broadcast_in_dim3A_43 : f32 to vector<16xf32>
      %swap3A_45 = arith.index_cast %scan3A_37 : i32 to index
      %swap3A_46 = arith.constant 16 : index
      %swap3A_47 = tpu.vector_load %arg11[%swap3A_45, %swap3A_46] {strides = array<i32>} : memref<128x128xf32, #tpu.memory_space<vmem>>, vector<1x16xf32>,
      %swap3A_48 = vector.shape_cast %swap3A_47 : vector<1x16xf32> to vector<16xf32>
      %swap3A_49 = vector.shape_cast %broadcast_in_dim3A_44 : vector<16xf32> to vector<1x16xf32>
      tpu.vector_store %arg11[%swap3A_45, %swap3A_46], %swap3A_49 {strides = array<i32>} : memref<128x128xf32, #tpu.memory_space<vmem>>, vector<1x16xf32>,
      %broadcast_in_dim3A_50 = arith.constant 0.000000e+00 : f32
      %broadcast_in_dim3A_51 = vector.broadcast %broadcast_in_dim3A_50 : f32 to vector<16xf32>
      %swap3A_52 = arith.index_cast %scan3A_37 : i32 to index
      %swap3A_53 = arith.constant 32 : index
      %swap3A_54 = tpu.vector_load %arg11[%swap3A_52, %swap3A_53] {strides = array<i32>} : memref<128x128xf32, #tpu.memory_space<vmem>>, vector<1x16xf32>,
      %swap3A_55 = vector.shape_cast %swap3A_54 : vector<1x16xf32> to vector<16xf32>
      %swap3A_56 = vector.shape_cast %broadcast_in_dim3A_51 : vector<16xf32> to vector<1x16xf32>
      tpu.vector_store %arg11[%swap3A_52, %swap3A_53], %swap3A_56 {strides = array<i32>} : memref<128x128xf32, #tpu.memory_space<vmem>>, vector<1x16xf32>,
      %broadcast_in_dim3A_57 = arith.constant 0.000000e+00 : f32
      %broadcast_in_dim3A_58 = vector.broadcast %broadcast_in_dim3A_57 : f32 to vector<16xf32>
      %swap3A_59 = arith.index_cast %scan3A_37 : i32 to index
      %swap3A_60 = arith.constant 48 : index
      %swap3A_61 = tpu.vector_load %arg11[%swap3A_59, %swap3A_60] {strides = array<i32>} : memref<128x128xf32, #tpu.memory_space<vmem>>, vector<1x16xf32>,
      %swap3A_62 = vector.shape_cast %swap3A_61 : vector<1x16xf32> to vector<16xf32>
      %swap3A_63 = vector.shape_cast %broadcast_in_dim3A_58 : vector<16xf32> to vector<1x16xf32>
      tpu.vector_store %arg11[%swap3A_59, %swap3A_60], %swap3A_63 {strides = array<i32>} : memref<128x128xf32, #tpu.memory_space<vmem>>, vector<1x16xf32>,
      %broadcast_in_dim3A_64 = arith.constant 0.000000e+00 : f32
      %broadcast_in_dim3A_65 = vector.broadcast %broadcast_in_dim3A_64 : f32 to vector<16xf32>
      %swap3A_66 = arith.index_cast %scan3A_37 : i32 to index
      %swap3A_67 = arith.constant 64 : index
      %swap3A_68 = tpu.vector_load %arg11[%swap3A_66, %swap3A_67] {strides = array<i32>} : memref<128x128xf32, #tpu.memory_space<vmem>>, vector<1x16xf32>,
      %swap3A_69 = vector.shape_cast %swap3A_68 : vector<1x16xf32> to vector<16xf32>
      %swap3A_70 = vector.shape_cast %broadcast_in_dim3A_65 : vector<16xf32> to vector<1x16xf32>
      tpu.vector_store %arg11[%swap3A_66, %swap3A_67], %swap3A_70 {strides = array<i32>} : memref<128x128xf32, #tpu.memory_space<vmem>>, vector<1x16xf32>,
      %broadcast_in_dim3A_71 = arith.constant 0.000000e+00 : f32
      %broadcast_in_dim3A_72 = vector.broadcast %broadcast_in_dim3A_71 : f32 to vector<16xf32>
      %swap3A_73 = arith.index_cast %scan3A_37 : i32 to index
      %swap3A_74 = arith.constant 80 : index
      %swap3A_75 = tpu.vector_load %arg11[%swap3A_73, %swap3A_74] {strides = array<i32>} : memref<128x128xf32, #tpu.memory_space<vmem>>, vector<1x16xf32>,
      %swap3A_76 = vector.shape_cast %swap3A_75 : vector<1x16xf32> to vector<16xf32>
      %swap3A_77 = vector.shape_cast %broadcast_in_dim3A_72 : vector<16xf32> to vector<1x16xf32>
      tpu.vector_store %arg11[%swap3A_73, %swap3A_74], %swap3A_77 {strides = array<i32>} : memref<128x128xf32, #tpu.memory_space<vmem>>, vector<1x16xf32>,
      %broadcast_in_dim3A_78 = arith.constant 0.000000e+00 : f32
      %broadcast_in_dim3A_79 = vector.broadcast %broadcast_in_dim3A_78 : f32 to vector<16xf32>
      %swap3A_80 = arith.index_cast %scan3A_37 : i32 to index
      %swap3A_81 = arith.constant 96 : index
      %swap3A_82 = tpu.vector_load %arg11[%swap3A_80, %swap3A_81] {strides = array<i32>} : memref<128x128xf32, #tpu.memory_space<vmem>>, vector<1x16xf32>,
      %swap3A_83 = vector.shape_cast %swap3A_82 : vector<1x16xf32> to vector<16xf32>
      %swap3A_84 = vector.shape_cast %broadcast_in_dim3A_79 : vector<16xf32> to vector<1x16xf32>
      tpu.vector_store %arg11[%swap3A_80, %swap3A_81], %swap3A_84 {strides = array<i32>} : memref<128x128xf32, #tpu.memory_space<vmem>>, vector<1x16xf32>,
      %broadcast_in_dim3A_85 = arith.constant 0.000000e+00 : f32
      %broadcast_in_dim3A_86 = vector.broadcast %broadcast_in_dim3A_85 : f32 to vector<16xf32>
      %swap3A_87 = arith.index_cast %scan3A_37 : i32 to index
      %swap3A_88 = arith.constant 112 : index
      %swap3A_89 = tpu.vector_load %arg11[%swap3A_87, %swap3A_88] {strides = array<i32>} : memref<128x128xf32, #tpu.memory_space<vmem>>, vector<1x16xf32>,
      %swap3A_90 = vector.shape_cast %swap3A_89 : vector<1x16xf32> to vector<16xf32>
      %swap3A_91 = vector.shape_cast %broadcast_in_dim3A_86 : vector<16xf32> to vector<1x16xf32>
      tpu.vector_store %arg11[%swap3A_87, %swap3A_88], %swap3A_91 {strides = array<i32>} : memref<128x128xf32, #tpu.memory_space<vmem>>, vector<1x16xf32>,
    }
    %scan3A_5 = arith.constant 128 : i32
    %mul3A_6 = arith.constant 640 : i32
    %mul3A_7 = arith.muli %arg1, %mul3A_6 : i32
    %add3A_8 = arith.constant 0 : i32
    %add3A_9 = arith.addi %mul3A_7, %add3A_8 : i32
    "tpu.region"() ({
      %run_scoped3A = tpu.sem_alloc : memref<!tpu.dma_semaphore, #tpu.memory_space<semaphore_mem>>
      %dma_start3A = arith.constant 0 : i32
      %dma_start3A_37 = tpu.memref_slice %arg12[%add3A_9, %dma_start3A] : memref<10240x128xf32, #tpu.memory_space<vmem_shared>> -> memref<128x128xf32, #tpu.memory_space<vmem_shared>>
      %dma_start3A_38 = arith.constant 0 : i32
      %dma_start3A_39 = tpu.memref_slice %arg12[%add3A_9, %dma_start3A_38] : memref<10240x128xf32, #tpu.memory_space<vmem_shared>> -> memref<128x128xf32, #tpu.memory_space<vmem_shared>>
      tpu.enqueue_dma source(%arg11 : memref<128x128xf32, #tpu.memory_space<vmem>>) target(%dma_start3A_39 : memref<128x128xf32, #tpu.memory_space<vmem_shared>>) target_semaphore(%run_scoped3A : memref<!tpu.dma_semaphore, #tpu.memory_space<semaphore_mem>>)
      %dma_wait3A = arith.constant 0 : i32
      %dma_wait3A_40 = tpu.memref_slice %arg12[%add3A_9, %dma_wait3A] : memref<10240x128xf32, #tpu.memory_space<vmem_shared>> -> memref<128x128xf32, #tpu.memory_space<vmem_shared>>
      %dma_wait3A_41 = arith.constant 0 : i32
      %dma_wait3A_42 = tpu.memref_slice %arg12[%add3A_9, %dma_wait3A_41] : memref<10240x128xf32, #tpu.memory_space<vmem_shared>> -> memref<128x128xf32, #tpu.memory_space<vmem_shared>>
      tpu.wait_dma2 semaphore(%run_scoped3A : memref<!tpu.dma_semaphore, #tpu.memory_space<semaphore_mem>>) src(%arg11 : memref<128x128xf32, #tpu.memory_space<vmem>>) dst(%dma_wait3A_42 : memref<128x128xf32, #tpu.memory_space<vmem_shared>>)
      tpu.yield
    }) : () -> ()
    %mul3A_10 = arith.constant 640 : i32
    %mul3A_11 = arith.muli %arg1, %mul3A_10 : i32
    %add3A_12 = arith.constant 128 : i32
    %add3A_13 = arith.addi %mul3A_11, %add3A_12 : i32
    "tpu.region"() ({
      %run_scoped3A = tpu.sem_alloc : memref<!tpu.dma_semaphore, #tpu.memory_space<semaphore_mem>>
      %dma_start3A = arith.constant 0 : i32
      %dma_start3A_37 = tpu.memref_slice %arg12[%add3A_13, %dma_start3A] : memref<10240x128xf32, #tpu.memory_space<vmem_shared>> -> memref<128x128xf32, #tpu.memory_space<vmem_shared>>
      %dma_start3A_38 = arith.constant 0 : i32
      %dma_start3A_39 = tpu.memref_slice %arg12[%add3A_13, %dma_start3A_38] : memref<10240x128xf32, #tpu.memory_space<vmem_shared>> -> memref<128x128xf32, #tpu.memory_space<vmem_shared>>
      tpu.enqueue_dma source(%arg11 : memref<128x128xf32, #tpu.memory_space<vmem>>) target(%dma_start3A_39 : memref<128x128xf32, #tpu.memory_space<vmem_shared>>) target_semaphore(%run_scoped3A : memref<!tpu.dma_semaphore, #tpu.memory_space<semaphore_mem>>)
      %dma_wait3A = arith.constant 0 : i32
      %dma_wait3A_40 = tpu.memref_slice %arg12[%add3A_13, %dma_wait3A] : memref<10240x128xf32, #tpu.memory_space<vmem_shared>> -> memref<128x128xf32, #tpu.memory_space<vmem_shared>>
      %dma_wait3A_41 = arith.constant 0 : i32
      %dma_wait3A_42 = tpu.memref_slice %arg12[%add3A_13, %dma_wait3A_41] : memref<10240x128xf32, #tpu.memory_space<vmem_shared>> -> memref<128x128xf32, #tpu.memory_space<vmem_shared>>
      tpu.wait_dma2 semaphore(%run_scoped3A : memref<!tpu.dma_semaphore, #tpu.memory_space<semaphore_mem>>) src(%arg11 : memref<128x128xf32, #tpu.memory_space<vmem>>) dst(%dma_wait3A_42 : memref<128x128xf32, #tpu.memory_space<vmem_shared>>)
      tpu.yield
    }) : () -> ()
    %mul3A_14 = arith.constant 640 : i32
    %mul3A_15 = arith.muli %arg1, %mul3A_14 : i32
    %add3A_16 = arith.constant 256 : i32
    %add3A_17 = arith.addi %mul3A_15, %add3A_16 : i32
    "tpu.region"() ({
      %run_scoped3A = tpu.sem_alloc : memref<!tpu.dma_semaphore, #tpu.memory_space<semaphore_mem>>
      %dma_start3A = arith.constant 0 : i32
      %dma_start3A_37 = tpu.memref_slice %arg12[%add3A_17, %dma_start3A] : memref<10240x128xf32, #tpu.memory_space<vmem_shared>> -> memref<128x128xf32, #tpu.memory_space<vmem_shared>>
      %dma_start3A_38 = arith.constant 0 : i32
      %dma_start3A_39 = tpu.memref_slice %arg12[%add3A_17, %dma_start3A_38] : memref<10240x128xf32, #tpu.memory_space<vmem_shared>> -> memref<128x128xf32, #tpu.memory_space<vmem_shared>>
      tpu.enqueue_dma source(%arg11 : memref<128x128xf32, #tpu.memory_space<vmem>>) target(%dma_start3A_39 : memref<128x128xf32, #tpu.memory_space<vmem_shared>>) target_semaphore(%run_scoped3A : memref<!tpu.dma_semaphore, #tpu.memory_space<semaphore_mem>>)
      %dma_wait3A = arith.constant 0 : i32
      %dma_wait3A_40 = tpu.memref_slice %arg12[%add3A_17, %dma_wait3A] : memref<10240x128xf32, #tpu.memory_space<vmem_shared>> -> memref<128x128xf32, #tpu.memory_space<vmem_shared>>
      %dma_wait3A_41 = arith.constant 0 : i32
      %dma_wait3A_42 = tpu.memref_slice %arg12[%add3A_17, %dma_wait3A_41] : memref<10240x128xf32, #tpu.memory_space<vmem_shared>> -> memref<128x128xf32, #tpu.memory_space<vmem_shared>>
      tpu.wait_dma2 semaphore(%run_scoped3A : memref<!tpu.dma_semaphore, #tpu.memory_space<semaphore_mem>>) src(%arg11 : memref<128x128xf32, #tpu.memory_space<vmem>>) dst(%dma_wait3A_42 : memref<128x128xf32, #tpu.memory_space<vmem_shared>>)
      tpu.yield
    }) : () -> ()
    %mul3A_18 = arith.constant 640 : i32
    %mul3A_19 = arith.muli %arg1, %mul3A_18 : i32
    %add3A_20 = arith.constant 384 : i32
    %add3A_21 = arith.addi %mul3A_19, %add3A_20 : i32
    "tpu.region"() ({
      %run_scoped3A = tpu.sem_alloc : memref<!tpu.dma_semaphore, #tpu.memory_space<semaphore_mem>>
      %dma_start3A = arith.constant 0 : i32
      %dma_start3A_37 = tpu.memref_slice %arg12[%add3A_21, %dma_start3A] : memref<10240x128xf32, #tpu.memory_space<vmem_shared>> -> memref<128x128xf32, #tpu.memory_space<vmem_shared>>
      %dma_start3A_38 = arith.constant 0 : i32
      %dma_start3A_39 = tpu.memref_slice %arg12[%add3A_21, %dma_start3A_38] : memref<10240x128xf32, #tpu.memory_space<vmem_shared>> -> memref<128x128xf32, #tpu.memory_space<vmem_shared>>
      tpu.enqueue_dma source(%arg11 : memref<128x128xf32, #tpu.memory_space<vmem>>) target(%dma_start3A_39 : memref<128x128xf32, #tpu.memory_space<vmem_shared>>) target_semaphore(%run_scoped3A : memref<!tpu.dma_semaphore, #tpu.memory_space<semaphore_mem>>)
      %dma_wait3A = arith.constant 0 : i32
      %dma_wait3A_40 = tpu.memref_slice %arg12[%add3A_21, %dma_wait3A] : memref<10240x128xf32, #tpu.memory_space<vmem_shared>> -> memref<128x128xf32, #tpu.memory_space<vmem_shared>>
      %dma_wait3A_41 = arith.constant 0 : i32
      %dma_wait3A_42 = tpu.memref_slice %arg12[%add3A_21, %dma_wait3A_41] : memref<10240x128xf32, #tpu.memory_space<vmem_shared>> -> memref<128x128xf32, #tpu.memory_space<vmem_shared>>
      tpu.wait_dma2 semaphore(%run_scoped3A : memref<!tpu.dma_semaphore, #tpu.memory_space<semaphore_mem>>) src(%arg11 : memref<128x128xf32, #tpu.memory_space<vmem>>) dst(%dma_wait3A_42 : memref<128x128xf32, #tpu.memory_space<vmem_shared>>)
      tpu.yield
    }) : () -> ()
    %mul3A_22 = arith.constant 640 : i32
    %mul3A_23 = arith.muli %arg1, %mul3A_22 : i32
    %add3A_24 = arith.constant 512 : i32
    %add3A_25 = arith.addi %mul3A_23, %add3A_24 : i32
    "tpu.region"() ({
      %run_scoped3A = tpu.sem_alloc : memref<!tpu.dma_semaphore, #tpu.memory_space<semaphore_mem>>
      %dma_start3A = arith.constant 0 : i32
      %dma_start3A_37 = tpu.memref_slice %arg12[%add3A_25, %dma_start3A] : memref<10240x128xf32, #tpu.memory_space<vmem_shared>> -> memref<128x128xf32, #tpu.memory_space<vmem_shared>>
      %dma_start3A_38 = arith.constant 0 : i32
      %dma_start3A_39 = tpu.memref_slice %arg12[%add3A_25, %dma_start3A_38] : memref<10240x128xf32, #tpu.memory_space<vmem_shared>> -> memref<128x128xf32, #tpu.memory_space<vmem_shared>>
      tpu.enqueue_dma source(%arg11 : memref<128x128xf32, #tpu.memory_space<vmem>>) target(%dma_start3A_39 : memref<128x128xf32, #tpu.memory_space<vmem_shared>>) target_semaphore(%run_scoped3A : memref<!tpu.dma_semaphore, #tpu.memory_space<semaphore_mem>>)
      %dma_wait3A = arith.constant 0 : i32
      %dma_wait3A_40 = tpu.memref_slice %arg12[%add3A_25, %dma_wait3A] : memref<10240x128xf32, #tpu.memory_space<vmem_shared>> -> memref<128x128xf32, #tpu.memory_space<vmem_shared>>
      %dma_wait3A_41 = arith.constant 0 : i32
      %dma_wait3A_42 = tpu.memref_slice %arg12[%add3A_25, %dma_wait3A_41] : memref<10240x128xf32, #tpu.memory_space<vmem_shared>> -> memref<128x128xf32, #tpu.memory_space<vmem_shared>>
      tpu.wait_dma2 semaphore(%run_scoped3A : memref<!tpu.dma_semaphore, #tpu.memory_space<semaphore_mem>>) src(%arg11 : memref<128x128xf32, #tpu.memory_space<vmem>>) dst(%dma_wait3A_42 : memref<128x128xf32, #tpu.memory_space<vmem_shared>>)
      tpu.yield
    }) : () -> ()
    %barrier3A = arith.constant 0 : index
    tpu.barrier barrier_id(%barrier3A)
    %scan3A_26 = arith.constant 0 : i32
    %scan3A_27 = arith.constant 0 : i32
    %scan3A_28 = arith.constant 79 : i32
    %scan3A_29 = arith.addi %scan3A_27, %scan3A_28 : i32
    %scan3A_30 = arith.constant 1 : i32
    scf.for %scan3A_37 = %scan3A_27 to %scan3A_29 step %scan3A_30  : i32 {
      %mul3A_38 = arith.constant 79 : i32
      %mul3A_39 = arith.muli %add3A, %mul3A_38 : i32
      %add3A_40 = arith.addi %mul3A_39, %scan3A_37 : i32
      "tpu.region"() ({
        %run_scoped3A = tpu.sem_alloc : memref<!tpu.dma_semaphore, #tpu.memory_space<semaphore_mem>>
        %dma_start3A_77 = arith.constant 0 : i32
        %dma_start3A_78 = tpu.memref_slice %arg3[%add3A_40, %dma_start3A_77] : memref<2528x128xi32, #tpu.memory_space<hbm>> -> memref<1x128xi32, #tpu.memory_space<hbm>>
        %dma_start3A_79 = tpu.memref_squeeze %dma_start3A_78 : memref<1x128xi32, #tpu.memory_space<hbm>> -> memref<128xi32, #tpu.memory_space<hbm>>
        %dma_start3A_80 = arith.constant 0 : i32
        %dma_start3A_81 = tpu.memref_slice %arg3[%add3A_40, %dma_start3A_80] : memref<2528x128xi32, #tpu.memory_space<hbm>> -> memref<1x128xi32, #tpu.memory_space<hbm>>
        %dma_start3A_82 = tpu.memref_squeeze %dma_start3A_81 : memref<1x128xi32, #tpu.memory_space<hbm>> -> memref<128xi32, #tpu.memory_space<hbm>>
        tpu.enqueue_dma source(%dma_start3A_82 : memref<128xi32, #tpu.memory_space<hbm>>) target(%arg7 : memref<128xi32, #tpu.memory_space<vmem>>) target_semaphore(%run_scoped3A : memref<!tpu.dma_semaphore, #tpu.memory_space<semaphore_mem>>)
        %dma_wait3A_83 = arith.constant 0 : i32
        %dma_wait3A_84 = tpu.memref_slice %arg3[%add3A_40, %dma_wait3A_83] : memref<2528x128xi32, #tpu.memory_space<hbm>> -> memref<1x128xi32, #tpu.memory_space<hbm>>
        %dma_wait3A_85 = tpu.memref_squeeze %dma_wait3A_84 : memref<1x128xi32, #tpu.memory_space<hbm>> -> memref<128xi32, #tpu.memory_space<hbm>>
        %dma_wait3A_86 = arith.constant 0 : i32
        %dma_wait3A_87 = tpu.memref_slice %arg3[%add3A_40, %dma_wait3A_86] : memref<2528x128xi32, #tpu.memory_space<hbm>> -> memref<1x128xi32, #tpu.memory_space<hbm>>
        %dma_wait3A_88 = tpu.memref_squeeze %dma_wait3A_87 : memref<1x128xi32, #tpu.memory_space<hbm>> -> memref<128xi32, #tpu.memory_space<hbm>>
        tpu.wait_dma2 semaphore(%run_scoped3A : memref<!tpu.dma_semaphore, #tpu.memory_space<semaphore_mem>>) src(%dma_wait3A_88 : memref<128xi32, #tpu.memory_space<hbm>>) dst(%arg7 : memref<128xi32, #tpu.memory_space<vmem>>)
        tpu.yield
      }) : () -> ()
      "tpu.region"() ({
        %run_scoped3A = tpu.sem_alloc : memref<!tpu.dma_semaphore, #tpu.memory_space<semaphore_mem>>
        %dma_start3A_77 = arith.constant 0 : i32
        %dma_start3A_78 = tpu.memref_slice %arg4[%add3A_40, %dma_start3A_77] : memref<2528x128xi32, #tpu.memory_space<hbm>> -> memref<1x128xi32, #tpu.memory_space<hbm>>
        %dma_start3A_79 = tpu.memref_squeeze %dma_start3A_78 : memref<1x128xi32, #tpu.memory_space<hbm>> -> memref<128xi32, #tpu.memory_space<hbm>>
        %dma_start3A_80 = arith.constant 0 : i32
        %dma_start3A_81 = tpu.memref_slice %arg4[%add3A_40, %dma_start3A_80] : memref<2528x128xi32, #tpu.memory_space<hbm>> -> memref<1x128xi32, #tpu.memory_space<hbm>>
        %dma_start3A_82 = tpu.memref_squeeze %dma_start3A_81 : memref<1x128xi32, #tpu.memory_space<hbm>> -> memref<128xi32, #tpu.memory_space<hbm>>
        tpu.enqueue_dma source(%dma_start3A_82 : memref<128xi32, #tpu.memory_space<hbm>>) target(%arg8 : memref<128xi32, #tpu.memory_space<vmem>>) target_semaphore(%run_scoped3A : memref<!tpu.dma_semaphore, #tpu.memory_space<semaphore_mem>>)
        %dma_wait3A_83 = arith.constant 0 : i32
        %dma_wait3A_84 = tpu.memref_slice %arg4[%add3A_40, %dma_wait3A_83] : memref<2528x128xi32, #tpu.memory_space<hbm>> -> memref<1x128xi32, #tpu.memory_space<hbm>>
        %dma_wait3A_85 = tpu.memref_squeeze %dma_wait3A_84 : memref<1x128xi32, #tpu.memory_space<hbm>> -> memref<128xi32, #tpu.memory_space<hbm>>
        %dma_wait3A_86 = arith.constant 0 : i32
        %dma_wait3A_87 = tpu.memref_slice %arg4[%add3A_40, %dma_wait3A_86] : memref<2528x128xi32, #tpu.memory_space<hbm>> -> memref<1x128xi32, #tpu.memory_space<hbm>>
        %dma_wait3A_88 = tpu.memref_squeeze %dma_wait3A_87 : memref<1x128xi32, #tpu.memory_space<hbm>> -> memref<128xi32, #tpu.memory_space<hbm>>
        tpu.wait_dma2 semaphore(%run_scoped3A : memref<!tpu.dma_semaphore, #tpu.memory_space<semaphore_mem>>) src(%dma_wait3A_88 : memref<128xi32, #tpu.memory_space<hbm>>) dst(%arg8 : memref<128xi32, #tpu.memory_space<vmem>>)
        tpu.yield
      }) : () -> ()
      "tpu.region"() ({
        %run_scoped3A = tpu.sem_alloc : memref<!tpu.dma_semaphore, #tpu.memory_space<semaphore_mem>>
        %dma_start3A_77 = arith.constant 0 : i32
        %dma_start3A_78 = tpu.memref_slice %arg5[%add3A_40, %dma_start3A_77] : memref<2528x128xf32, #tpu.memory_space<hbm>> -> memref<1x128xf32, #tpu.memory_space<hbm>>
        %dma_start3A_79 = tpu.memref_squeeze %dma_start3A_78 : memref<1x128xf32, #tpu.memory_space<hbm>> -> memref<128xf32, #tpu.memory_space<hbm>>
        %dma_start3A_80 = arith.constant 0 : i32
        %dma_start3A_81 = tpu.memref_slice %arg5[%add3A_40, %dma_start3A_80] : memref<2528x128xf32, #tpu.memory_space<hbm>> -> memref<1x128xf32, #tpu.memory_space<hbm>>
        %dma_start3A_82 = tpu.memref_squeeze %dma_start3A_81 : memref<1x128xf32, #tpu.memory_space<hbm>> -> memref<128xf32, #tpu.memory_space<hbm>>
        tpu.enqueue_dma source(%dma_start3A_82 : memref<128xf32, #tpu.memory_space<hbm>>) target(%arg9 : memref<128xf32, #tpu.memory_space<vmem>>) target_semaphore(%run_scoped3A : memref<!tpu.dma_semaphore, #tpu.memory_space<semaphore_mem>>)
        %dma_wait3A_83 = arith.constant 0 : i32
        %dma_wait3A_84 = tpu.memref_slice %arg5[%add3A_40, %dma_wait3A_83] : memref<2528x128xf32, #tpu.memory_space<hbm>> -> memref<1x128xf32, #tpu.memory_space<hbm>>
        %dma_wait3A_85 = tpu.memref_squeeze %dma_wait3A_84 : memref<1x128xf32, #tpu.memory_space<hbm>> -> memref<128xf32, #tpu.memory_space<hbm>>
        %dma_wait3A_86 = arith.constant 0 : i32
        %dma_wait3A_87 = tpu.memref_slice %arg5[%add3A_40, %dma_wait3A_86] : memref<2528x128xf32, #tpu.memory_space<hbm>> -> memref<1x128xf32, #tpu.memory_space<hbm>>
        %dma_wait3A_88 = tpu.memref_squeeze %dma_wait3A_87 : memref<1x128xf32, #tpu.memory_space<hbm>> -> memref<128xf32, #tpu.memory_space<hbm>>
        tpu.wait_dma2 semaphore(%run_scoped3A : memref<!tpu.dma_semaphore, #tpu.memory_space<semaphore_mem>>) src(%dma_wait3A_88 : memref<128xf32, #tpu.memory_space<hbm>>) dst(%arg9 : memref<128xf32, #tpu.memory_space<vmem>>)
        tpu.yield
      }) : () -> ()
      %dma_start3A = arith.constant 0 : i32
      %dma_start3A_41 = arith.constant 0 : i32
      %dma_start3A_42 = tpu.memref_slice %arg10[%dma_start3A, %dma_start3A_41] : memref<128x128xf32, #tpu.memory_space<vmem>> -> memref<64x128xf32, #tpu.memory_space<vmem>>
      %dma_start3A_43 = arith.constant 0 : i32
      %dma_start3A_44 = tpu.memref_slice %arg7[%dma_start3A_43] : memref<128xi32, #tpu.memory_space<vmem>> -> memref<64xi32, #tpu.memory_space<vmem>>
      %dma_start3A_45 = arith.constant 0 : i32
      %dma_start3A_46 = arith.constant 0 : i32
      %dma_start3A_47 = tpu.memref_slice %arg2[%dma_start3A_45, %dma_start3A_46] : memref<10000x128xf32, #tpu.memory_space<hbm>> -> memref<10000x128xf32, #tpu.memory_space<hbm>>
      tpu.enqueue_indirect_dma source(%dma_start3A_47 : memref<10000x128xf32, #tpu.memory_space<hbm>>) target(%dma_start3A_42 : memref<64x128xf32, #tpu.memory_space<vmem>>) offsets(%dma_start3A_44 : memref<64xi32, #tpu.memory_space<vmem>>) semaphore(%arg13 : memref<!tpu.dma_semaphore, #tpu.memory_space<semaphore_mem>>)
      %dma_start3A_48 = arith.constant 64 : i32
      %dma_start3A_49 = arith.constant 0 : i32
      %dma_start3A_50 = tpu.memref_slice %arg10[%dma_start3A_48, %dma_start3A_49] : memref<128x128xf32, #tpu.memory_space<vmem>> -> memref<64x128xf32, #tpu.memory_space<vmem>>
      %dma_start3A_51 = arith.constant 64 : i32
      %dma_start3A_52 = tpu.memref_slice %arg7[%dma_start3A_51] : memref<128xi32, #tpu.memory_space<vmem>> -> memref<64xi32, #tpu.memory_space<vmem>>
      %dma_start3A_53 = arith.constant 0 : i32
      %dma_start3A_54 = arith.constant 0 : i32
      %dma_start3A_55 = tpu.memref_slice %arg2[%dma_start3A_53, %dma_start3A_54] : memref<10000x128xf32, #tpu.memory_space<hbm>> -> memref<10000x128xf32, #tpu.memory_space<hbm>>
      tpu.enqueue_indirect_dma source(%dma_start3A_55 : memref<10000x128xf32, #tpu.memory_space<hbm>>) target(%dma_start3A_50 : memref<64x128xf32, #tpu.memory_space<vmem>>) offsets(%dma_start3A_52 : memref<64xi32, #tpu.memory_space<vmem>>) semaphore(%arg14 : memref<!tpu.dma_semaphore, #tpu.memory_space<semaphore_mem>>)
      %dma_wait3A = arith.constant 0 : i32
      %dma_wait3A_56 = arith.constant 0 : i32
      %dma_wait3A_57 = tpu.memref_slice %arg10[%dma_wait3A, %dma_wait3A_56] : memref<128x128xf32, #tpu.memory_space<vmem>> -> memref<64x128xf32, #tpu.memory_space<vmem>>
      %dma_wait3A_58 = arith.constant 0 : i32
      %dma_wait3A_59 = tpu.memref_slice %arg7[%dma_wait3A_58] : memref<128xi32, #tpu.memory_space<vmem>> -> memref<64xi32, #tpu.memory_space<vmem>>
      %dma_wait3A_60 = arith.constant 0 : i32
      %dma_wait3A_61 = arith.constant 0 : i32
      %dma_wait3A_62 = tpu.memref_slice %arg2[%dma_wait3A_60, %dma_wait3A_61] : memref<10000x128xf32, #tpu.memory_space<hbm>> -> memref<10000x128xf32, #tpu.memory_space<hbm>>
      tpu.wait_indirect_dma semaphore(%arg13 : memref<!tpu.dma_semaphore, #tpu.memory_space<semaphore_mem>>) src(%dma_wait3A_62 : memref<10000x128xf32, #tpu.memory_space<hbm>>) dst(%dma_wait3A_57 : memref<64x128xf32, #tpu.memory_space<vmem>>)
      %dma_wait3A_63 = arith.constant 64 : i32
      %dma_wait3A_64 = arith.constant 0 : i32
      %dma_wait3A_65 = tpu.memref_slice %arg10[%dma_wait3A_63, %dma_wait3A_64] : memref<128x128xf32, #tpu.memory_space<vmem>> -> memref<64x128xf32, #tpu.memory_space<vmem>>
      %dma_wait3A_66 = arith.constant 64 : i32
      %dma_wait3A_67 = tpu.memref_slice %arg7[%dma_wait3A_66] : memref<128xi32, #tpu.memory_space<vmem>> -> memref<64xi32, #tpu.memory_space<vmem>>
      %dma_wait3A_68 = arith.constant 0 : i32
      %dma_wait3A_69 = arith.constant 0 : i32
      %dma_wait3A_70 = tpu.memref_slice %arg2[%dma_wait3A_68, %dma_wait3A_69] : memref<10000x128xf32, #tpu.memory_space<hbm>> -> memref<10000x128xf32, #tpu.memory_space<hbm>>
      tpu.wait_indirect_dma semaphore(%arg14 : memref<!tpu.dma_semaphore, #tpu.memory_space<semaphore_mem>>) src(%dma_wait3A_70 : memref<10000x128xf32, #tpu.memory_space<hbm>>) dst(%dma_wait3A_65 : memref<64x128xf32, #tpu.memory_space<vmem>>)
      %scan3A_71 = arith.constant 0 : i32
      %scan3A_72 = arith.constant 0 : i32
      %scan3A_73 = arith.constant 8 : i32
      %scan3A_74 = arith.addi %scan3A_72, %scan3A_73 : i32
      %scan3A_75 = arith.constant 1 : i32
      scf.for %scan3A_77 = %scan3A_72 to %scan3A_74 step %scan3A_75  : i32 {
        %mul3A_78 = arith.constant 16 : i32
        %mul3A_79 = arith.muli %scan3A_77, %mul3A_78 : i32
        %get3A = arith.index_cast %mul3A_79 : i32 to index
        %get3A_80 = tpu.vector_load %arg9[%get3A] {strides = array<i32>} : memref<128xf32, #tpu.memory_space<vmem>>, vector<16xf32>,
        %get3A_81 = vector.shape_cast %get3A_80 : vector<16xf32> to vector<16xf32>
        %slice3A = vector.extract_strided_slice %get3A_81 {offsets = [0], sizes = [1], strides = [1]} : vector<16xf32> to vector<1xf32>
        %squeeze3A = vector.extract %slice3A[0] : f32 from vector<1xf32>
        %mul3A_82 = arith.constant 16 : i32
        %mul3A_83 = arith.muli %scan3A_77, %mul3A_82 : i32
        %add3A_84 = arith.constant 0 : i32
        %add3A_85 = arith.addi %mul3A_83, %add3A_84 : i32
        %get3A_86 = arith.index_cast %add3A_85 : i32 to index
        %get3A_87 = arith.constant 0 : index
        %get3A_88 = tpu.vector_load %arg10[%get3A_86, %get3A_87] {strides = array<i32>} : memref<128x128xf32, #tpu.memory_space<vmem>>, vector<1x16xf32>,
        %get3A_89 = vector.shape_cast %get3A_88 : vector<1x16xf32> to vector<16xf32>
        %mul3A_90 = vector.broadcast %squeeze3A : f32 to vector<16xf32>
        %mul3A_91 = arith.mulf %get3A_89, %mul3A_90 : vector<16xf32>
        %swap3A = arith.index_cast %add3A_85 : i32 to index
        %swap3A_92 = arith.constant 0 : index
        %swap3A_93 = tpu.vector_load %arg10[%swap3A, %swap3A_92] {strides = array<i32>} : memref<128x128xf32, #tpu.memory_space<vmem>>, vector<1x16xf32>,
        %swap3A_94 = vector.shape_cast %swap3A_93 : vector<1x16xf32> to vector<16xf32>
        %swap3A_95 = vector.shape_cast %mul3A_91 : vector<16xf32> to vector<1x16xf32>
        tpu.vector_store %arg10[%swap3A, %swap3A_92], %swap3A_95 {strides = array<i32>} : memref<128x128xf32, #tpu.memory_space<vmem>>, vector<1x16xf32>,
        %get3A_96 = arith.index_cast %add3A_85 : i32 to index
        %get3A_97 = arith.constant 16 : index
        %get3A_98 = tpu.vector_load %arg10[%get3A_96, %get3A_97] {strides = array<i32>} : memref<128x128xf32, #tpu.memory_space<vmem>>, vector<1x16xf32>,
        %get3A_99 = vector.shape_cast %get3A_98 : vector<1x16xf32> to vector<16xf32>
        %mul3A_100 = vector.broadcast %squeeze3A : f32 to vector<16xf32>
        %mul3A_101 = arith.mulf %get3A_99, %mul3A_100 : vector<16xf32>
        %swap3A_102 = arith.index_cast %add3A_85 : i32 to index
        %swap3A_103 = arith.constant 16 : index
        %swap3A_104 = tpu.vector_load %arg10[%swap3A_102, %swap3A_103] {strides = array<i32>} : memref<128x128xf32, #tpu.memory_space<vmem>>, vector<1x16xf32>,
        %swap3A_105 = vector.shape_cast %swap3A_104 : vector<1x16xf32> to vector<16xf32>
        %swap3A_106 = vector.shape_cast %mul3A_101 : vector<16xf32> to vector<1x16xf32>
        tpu.vector_store %arg10[%swap3A_102, %swap3A_103], %swap3A_106 {strides = array<i32>} : memref<128x128xf32, #tpu.memory_space<vmem>>, vector<1x16xf32>,
        %get3A_107 = arith.index_cast %add3A_85 : i32 to index
        %get3A_108 = arith.constant 32 : index
        %get3A_109 = tpu.vector_load %arg10[%get3A_107, %get3A_108] {strides = array<i32>} : memref<128x128xf32, #tpu.memory_space<vmem>>, vector<1x16xf32>,
        %get3A_110 = vector.shape_cast %get3A_109 : vector<1x16xf32> to vector<16xf32>
        %mul3A_111 = vector.broadcast %squeeze3A : f32 to vector<16xf32>
        %mul3A_112 = arith.mulf %get3A_110, %mul3A_111 : vector<16xf32>
        %swap3A_113 = arith.index_cast %add3A_85 : i32 to index
        %swap3A_114 = arith.constant 32 : index
        %swap3A_115 = tpu.vector_load %arg10[%swap3A_113, %swap3A_114] {strides = array<i32>} : memref<128x128xf32, #tpu.memory_space<vmem>>, vector<1x16xf32>,
        %swap3A_116 = vector.shape_cast %swap3A_115 : vector<1x16xf32> to vector<16xf32>
        %swap3A_117 = vector.shape_cast %mul3A_112 : vector<16xf32> to vector<1x16xf32>
        tpu.vector_store %arg10[%swap3A_113, %swap3A_114], %swap3A_117 {strides = array<i32>} : memref<128x128xf32, #tpu.memory_space<vmem>>, vector<1x16xf32>,
        %get3A_118 = arith.index_cast %add3A_85 : i32 to index
        %get3A_119 = arith.constant 48 : index
        %get3A_120 = tpu.vector_load %arg10[%get3A_118, %get3A_119] {strides = array<i32>} : memref<128x128xf32, #tpu.memory_space<vmem>>, vector<1x16xf32>,
        %get3A_121 = vector.shape_cast %get3A_120 : vector<1x16xf32> to vector<16xf32>
        %mul3A_122 = vector.broadcast %squeeze3A : f32 to vector<16xf32>
        %mul3A_123 = arith.mulf %get3A_121, %mul3A_122 : vector<16xf32>
        %swap3A_124 = arith.index_cast %add3A_85 : i32 to index
        %swap3A_125 = arith.constant 48 : index
        %swap3A_126 = tpu.vector_load %arg10[%swap3A_124, %swap3A_125] {strides = array<i32>} : memref<128x128xf32, #tpu.memory_space<vmem>>, vector<1x16xf32>,
        %swap3A_127 = vector.shape_cast %swap3A_126 : vector<1x16xf32> to vector<16xf32>
        %swap3A_128 = vector.shape_cast %mul3A_123 : vector<16xf32> to vector<1x16xf32>
        tpu.vector_store %arg10[%swap3A_124, %swap3A_125], %swap3A_128 {strides = array<i32>} : memref<128x128xf32, #tpu.memory_space<vmem>>, vector<1x16xf32>,
        %get3A_129 = arith.index_cast %add3A_85 : i32 to index
        %get3A_130 = arith.constant 64 : index
        %get3A_131 = tpu.vector_load %arg10[%get3A_129, %get3A_130] {strides = array<i32>} : memref<128x128xf32, #tpu.memory_space<vmem>>, vector<1x16xf32>,
        %get3A_132 = vector.shape_cast %get3A_131 : vector<1x16xf32> to vector<16xf32>
        %mul3A_133 = vector.broadcast %squeeze3A : f32 to vector<16xf32>
        %mul3A_134 = arith.mulf %get3A_132, %mul3A_133 : vector<16xf32>
        %swap3A_135 = arith.index_cast %add3A_85 : i32 to index
        %swap3A_136 = arith.constant 64 : index
        %swap3A_137 = tpu.vector_load %arg10[%swap3A_135, %swap3A_136] {strides = array<i32>} : memref<128x128xf32, #tpu.memory_space<vmem>>, vector<1x16xf32>,
        %swap3A_138 = vector.shape_cast %swap3A_137 : vector<1x16xf32> to vector<16xf32>
        %swap3A_139 = vector.shape_cast %mul3A_134 : vector<16xf32> to vector<1x16xf32>
        tpu.vector_store %arg10[%swap3A_135, %swap3A_136], %swap3A_139 {strides = array<i32>} : memref<128x128xf32, #tpu.memory_space<vmem>>, vector<1x16xf32>,
        %get3A_140 = arith.index_cast %add3A_85 : i32 to index
        %get3A_141 = arith.constant 80 : index
        %get3A_142 = tpu.vector_load %arg10[%get3A_140, %get3A_141] {strides = array<i32>} : memref<128x128xf32, #tpu.memory_space<vmem>>, vector<1x16xf32>,
        %get3A_143 = vector.shape_cast %get3A_142 : vector<1x16xf32> to vector<16xf32>
        %mul3A_144 = vector.broadcast %squeeze3A : f32 to vector<16xf32>
        %mul3A_145 = arith.mulf %get3A_143, %mul3A_144 : vector<16xf32>
        %swap3A_146 = arith.index_cast %add3A_85 : i32 to index
        %swap3A_147 = arith.constant 80 : index
        %swap3A_148 = tpu.vector_load %arg10[%swap3A_146, %swap3A_147] {strides = array<i32>} : memref<128x128xf32, #tpu.memory_space<vmem>>, vector<1x16xf32>,
        %swap3A_149 = vector.shape_cast %swap3A_148 : vector<1x16xf32> to vector<16xf32>
        %swap3A_150 = vector.shape_cast %mul3A_145 : vector<16xf32> to vector<1x16xf32>
        tpu.vector_store %arg10[%swap3A_146, %swap3A_147], %swap3A_150 {strides = array<i32>} : memref<128x128xf32, #tpu.memory_space<vmem>>, vector<1x16xf32>,
        %get3A_151 = arith.index_cast %add3A_85 : i32 to index
        %get3A_152 = arith.constant 96 : index
        %get3A_153 = tpu.vector_load %arg10[%get3A_151, %get3A_152] {strides = array<i32>} : memref<128x128xf32, #tpu.memory_space<vmem>>, vector<1x16xf32>,
        %get3A_154 = vector.shape_cast %get3A_153 : vector<1x16xf32> to vector<16xf32>
        %mul3A_155 = vector.broadcast %squeeze3A : f32 to vector<16xf32>
        %mul3A_156 = arith.mulf %get3A_154, %mul3A_155 : vector<16xf32>
        %swap3A_157 = arith.index_cast %add3A_85 : i32 to index
        %swap3A_158 = arith.constant 96 : index
        %swap3A_159 = tpu.vector_load %arg10[%swap3A_157, %swap3A_158] {strides = array<i32>} : memref<128x128xf32, #tpu.memory_space<vmem>>, vector<1x16xf32>,
        %swap3A_160 = vector.shape_cast %swap3A_159 : vector<1x16xf32> to vector<16xf32>
        %swap3A_161 = vector.shape_cast %mul3A_156 : vector<16xf32> to vector<1x16xf32>
        tpu.vector_store %arg10[%swap3A_157, %swap3A_158], %swap3A_161 {strides = array<i32>} : memref<128x128xf32, #tpu.memory_space<vmem>>, vector<1x16xf32>,
        %get3A_162 = arith.index_cast %add3A_85 : i32 to index
        %get3A_163 = arith.constant 112 : index
        %get3A_164 = tpu.vector_load %arg10[%get3A_162, %get3A_163] {strides = array<i32>} : memref<128x128xf32, #tpu.memory_space<vmem>>, vector<1x16xf32>,
        %get3A_165 = vector.shape_cast %get3A_164 : vector<1x16xf32> to vector<16xf32>
        %mul3A_166 = vector.broadcast %squeeze3A : f32 to vector<16xf32>
        %mul3A_167 = arith.mulf %get3A_165, %mul3A_166 : vector<16xf32>
        %swap3A_168 = arith.index_cast %add3A_85 : i32 to index
        %swap3A_169 = arith.constant 112 : index
        %swap3A_170 = tpu.vector_load %arg10[%swap3A_168, %swap3A_169] {strides = array<i32>} : memref<128x128xf32, #tpu.memory_space<vmem>>, vector<1x16xf32>,
        %swap3A_171 = vector.shape_cast %swap3A_170 : vector<1x16xf32> to vector<16xf32>
        %swap3A_172 = vector.shape_cast %mul3A_167 : vector<16xf32> to vector<1x16xf32>
        tpu.vector_store %arg10[%swap3A_168, %swap3A_169], %swap3A_172 {strides = array<i32>} : memref<128x128xf32, #tpu.memory_space<vmem>>, vector<1x16xf32>,
        %slice3A_173 = vector.extract_strided_slice %get3A_81 {offsets = [1], sizes = [1], strides = [1]} : vector<16xf32> to vector<1xf32>
        %squeeze3A_174 = vector.extract %slice3A_173[0] : f32 from vector<1xf32>
        %mul3A_175 = arith.constant 16 : i32
        %mul3A_176 = arith.muli %scan3A_77, %mul3A_175 : i32
        %add3A_177 = arith.constant 1 : i32
        %add3A_178 = arith.addi %mul3A_176, %add3A_177 : i32
        %get3A_179 = arith.index_cast %add3A_178 : i32 to index
        %get3A_180 = arith.constant 0 : index
        %get3A_181 = tpu.vector_load %arg10[%get3A_179, %get3A_180] {strides = array<i32>} : memref<128x128xf32, #tpu.memory_space<vmem>>, vector<1x16xf32>,
        %get3A_182 = vector.shape_cast %get3A_181 : vector<1x16xf32> to vector<16xf32>
        %mul3A_183 = vector.broadcast %squeeze3A_174 : f32 to vector<16xf32>
        %mul3A_184 = arith.mulf %get3A_182, %mul3A_183 : vector<16xf32>
        %swap3A_185 = arith.index_cast %add3A_178 : i32 to index
        %swap3A_186 = arith.constant 0 : index
        %swap3A_187 = tpu.vector_load %arg10[%swap3A_185, %swap3A_186] {strides = array<i32>} : memref<128x128xf32, #tpu.memory_space<vmem>>, vector<1x16xf32>,
        %swap3A_188 = vector.shape_cast %swap3A_187 : vector<1x16xf32> to vector<16xf32>
        %swap3A_189 = vector.shape_cast %mul3A_184 : vector<16xf32> to vector<1x16xf32>
        tpu.vector_store %arg10[%swap3A_185, %swap3A_186], %swap3A_189 {strides = array<i32>} : memref<128x128xf32, #tpu.memory_space<vmem>>, vector<1x16xf32>,
        %get3A_190 = arith.index_cast %add3A_178 : i32 to index
        %get3A_191 = arith.constant 16 : index
        %get3A_192 = tpu.vector_load %arg10[%get3A_190, %get3A_191] {strides = array<i32>} : memref<128x128xf32, #tpu.memory_space<vmem>>, vector<1x16xf32>,
        %get3A_193 = vector.shape_cast %get3A_192 : vector<1x16xf32> to vector<16xf32>
        %mul3A_194 = vector.broadcast %squeeze3A_174 : f32 to vector<16xf32>
        %mul3A_195 = arith.mulf %get3A_193, %mul3A_194 : vector<16xf32>
        %swap3A_196 = arith.index_cast %add3A_178 : i32 to index
        %swap3A_197 = arith.constant 16 : index
        %swap3A_198 = tpu.vector_load %arg10[%swap3A_196, %swap3A_197] {strides = array<i32>} : memref<128x128xf32, #tpu.memory_space<vmem>>, vector<1x16xf32>,
        %swap3A_199 = vector.shape_cast %swap3A_198 : vector<1x16xf32> to vector<16xf32>
        %swap3A_200 = vector.shape_cast %mul3A_195 : vector<16xf32> to vector<1x16xf32>
        tpu.vector_store %arg10[%swap3A_196, %swap3A_197], %swap3A_200 {strides = array<i32>} : memref<128x128xf32, #tpu.memory_space<vmem>>, vector<1x16xf32>,
        %get3A_201 = arith.index_cast %add3A_178 : i32 to index
        %get3A_202 = arith.constant 32 : index
        %get3A_203 = tpu.vector_load %arg10[%get3A_201, %get3A_202] {strides = array<i32>} : memref<128x128xf32, #tpu.memory_space<vmem>>, vector<1x16xf32>,
        %get3A_204 = vector.shape_cast %get3A_203 : vector<1x16xf32> to vector<16xf32>
        %mul3A_205 = vector.broadcast %squeeze3A_174 : f32 to vector<16xf32>
        %mul3A_206 = arith.mulf %get3A_204, %mul3A_205 : vector<16xf32>
        %swap3A_207 = arith.index_cast %add3A_178 : i32 to index
        %swap3A_208 = arith.constant 32 : index
        %swap3A_209 = tpu.vector_load %arg10[%swap3A_207, %swap3A_208] {strides = array<i32>} : memref<128x128xf32, #tpu.memory_space<vmem>>, vector<1x16xf32>,
        %swap3A_210 = vector.shape_cast %swap3A_209 : vector<1x16xf32> to vector<16xf32>
        %swap3A_211 = vector.shape_cast %mul3A_206 : vector<16xf32> to vector<1x16xf32>
        tpu.vector_store %arg10[%swap3A_207, %swap3A_208], %swap3A_211 {strides = array<i32>} : memref<128x128xf32, #tpu.memory_space<vmem>>, vector<1x16xf32>,
        %get3A_212 = arith.index_cast %add3A_178 : i32 to index
        %get3A_213 = arith.constant 48 : index
        %get3A_214 = tpu.vector_load %arg10[%get3A_212, %get3A_213] {strides = array<i32>} : memref<128x128xf32, #tpu.memory_space<vmem>>, vector<1x16xf32>,
        %get3A_215 = vector.shape_cast %get3A_214 : vector<1x16xf32> to vector<16xf32>
        %mul3A_216 = vector.broadcast %squeeze3A_174 : f32 to vector<16xf32>
        %mul3A_217 = arith.mulf %get3A_215, %mul3A_216 : vector<16xf32>
        %swap3A_218 = arith.index_cast %add3A_178 : i32 to index
        %swap3A_219 = arith.constant 48 : index
        %swap3A_220 = tpu.vector_load %arg10[%swap3A_218, %swap3A_219] {strides = array<i32>} : memref<128x128xf32, #tpu.memory_space<vmem>>, vector<1x16xf32>,
        %swap3A_221 = vector.shape_cast %swap3A_220 : vector<1x16xf32> to vector<16xf32>
        %swap3A_222 = vector.shape_cast %mul3A_217 : vector<16xf32> to vector<1x16xf32>
        tpu.vector_store %arg10[%swap3A_218, %swap3A_219], %swap3A_222 {strides = array<i32>} : memref<128x128xf32, #tpu.memory_space<vmem>>, vector<1x16xf32>,
        %get3A_223 = arith.index_cast %add3A_178 : i32 to index
        %get3A_224 = arith.constant 64 : index
        %get3A_225 = tpu.vector_load %arg10[%get3A_223, %get3A_224] {strides = array<i32>} : memref<128x128xf32, #tpu.memory_space<vmem>>, vector<1x16xf32>,
        %get3A_226 = vector.shape_cast %get3A_225 : vector<1x16xf32> to vector<16xf32>
        %mul3A_227 = vector.broadcast %squeeze3A_174 : f32 to vector<16xf32>
        %mul3A_228 = arith.mulf %get3A_226, %mul3A_227 : vector<16xf32>
        %swap3A_229 = arith.index_cast %add3A_178 : i32 to index
        %swap3A_230 = arith.constant 64 : index
        %swap3A_231 = tpu.vector_load %arg10[%swap3A_229, %swap3A_230] {strides = array<i32>} : memref<128x128xf32, #tpu.memory_space<vmem>>, vector<1x16xf32>,
        %swap3A_232 = vector.shape_cast %swap3A_231 : vector<1x16xf32> to vector<16xf32>
        %swap3A_233 = vector.shape_cast %mul3A_228 : vector<16xf32> to vector<1x16xf32>
        tpu.vector_store %arg10[%swap3A_229, %swap3A_230], %swap3A_233 {strides = array<i32>} : memref<128x128xf32, #tpu.memory_space<vmem>>, vector<1x16xf32>,
        %get3A_234 = arith.index_cast %add3A_178 : i32 to index
        %get3A_235 = arith.constant 80 : index
        %get3A_236 = tpu.vector_load %arg10[%get3A_234, %get3A_235] {strides = array<i32>} : memref<128x128xf32, #tpu.memory_space<vmem>>, vector<1x16xf32>,
        %get3A_237 = vector.shape_cast %get3A_236 : vector<1x16xf32> to vector<16xf32>
        %mul3A_238 = vector.broadcast %squeeze3A_174 : f32 to vector<16xf32>
        %mul3A_239 = arith.mulf %get3A_237, %mul3A_238 : vector<16xf32>
        %swap3A_240 = arith.index_cast %add3A_178 : i32 to index
        %swap3A_241 = arith.constant 80 : index
        %swap3A_242 = tpu.vector_load %arg10[%swap3A_240, %swap3A_241] {strides = array<i32>} : memref<128x128xf32, #tpu.memory_space<vmem>>, vector<1x16xf32>,
        %swap3A_243 = vector.shape_cast %swap3A_242 : vector<1x16xf32> to vector<16xf32>
        %swap3A_244 = vector.shape_cast %mul3A_239 : vector<16xf32> to vector<1x16xf32>
        tpu.vector_store %arg10[%swap3A_240, %swap3A_241], %swap3A_244 {strides = array<i32>} : memref<128x128xf32, #tpu.memory_space<vmem>>, vector<1x16xf32>,
        %get3A_245 = arith.index_cast %add3A_178 : i32 to index
        %get3A_246 = arith.constant 96 : index
        %get3A_247 = tpu.vector_load %arg10[%get3A_245, %get3A_246] {strides = array<i32>} : memref<128x128xf32, #tpu.memory_space<vmem>>, vector<1x16xf32>,
        %get3A_248 = vector.shape_cast %get3A_247 : vector<1x16xf32> to vector<16xf32>
        %mul3A_249 = vector.broadcast %squeeze3A_174 : f32 to vector<16xf32>
        %mul3A_250 = arith.mulf %get3A_248, %mul3A_249 : vector<16xf32>
        %swap3A_251 = arith.index_cast %add3A_178 : i32 to index
        %swap3A_252 = arith.constant 96 : index
        %swap3A_253 = tpu.vector_load %arg10[%swap3A_251, %swap3A_252] {strides = array<i32>} : memref<128x128xf32, #tpu.memory_space<vmem>>, vector<1x16xf32>,
        %swap3A_254 = vector.shape_cast %swap3A_253 : vector<1x16xf32> to vector<16xf32>
        %swap3A_255 = vector.shape_cast %mul3A_250 : vector<16xf32> to vector<1x16xf32>
        tpu.vector_store %arg10[%swap3A_251, %swap3A_252], %swap3A_255 {strides = array<i32>} : memref<128x128xf32, #tpu.memory_space<vmem>>, vector<1x16xf32>,
        %get3A_256 = arith.index_cast %add3A_178 : i32 to index
        %get3A_257 = arith.constant 112 : index
        %get3A_258 = tpu.vector_load %arg10[%get3A_256, %get3A_257] {strides = array<i32>} : memref<128x128xf32, #tpu.memory_space<vmem>>, vector<1x16xf32>,
        %get3A_259 = vector.shape_cast %get3A_258 : vector<1x16xf32> to vector<16xf32>
        %mul3A_260 = vector.broadcast %squeeze3A_174 : f32 to vector<16xf32>
        %mul3A_261 = arith.mulf %get3A_259, %mul3A_260 : vector<16xf32>
        %swap3A_262 = arith.index_cast %add3A_178 : i32 to index
        %swap3A_263 = arith.constant 112 : index
        %swap3A_264 = tpu.vector_load %arg10[%swap3A_262, %swap3A_263] {strides = array<i32>} : memref<128x128xf32, #tpu.memory_space<vmem>>, vector<1x16xf32>,
        %swap3A_265 = vector.shape_cast %swap3A_264 : vector<1x16xf32> to vector<16xf32>
        %swap3A_266 = vector.shape_cast %mul3A_261 : vector<16xf32> to vector<1x16xf32>
        tpu.vector_store %arg10[%swap3A_262, %swap3A_263], %swap3A_266 {strides = array<i32>} : memref<128x128xf32, #tpu.memory_space<vmem>>, vector<1x16xf32>,
        %slice3A_267 = vector.extract_strided_slice %get3A_81 {offsets = [2], sizes = [1], strides = [1]} : vector<16xf32> to vector<1xf32>
        %squeeze3A_268 = vector.extract %slice3A_267[0] : f32 from vector<1xf32>
        %mul3A_269 = arith.constant 16 : i32
        %mul3A_270 = arith.muli %scan3A_77, %mul3A_269 : i32
        %add3A_271 = arith.constant 2 : i32
        %add3A_272 = arith.addi %mul3A_270, %add3A_271 : i32
        %get3A_273 = arith.index_cast %add3A_272 : i32 to index
        %get3A_274 = arith.constant 0 : index
        %get3A_275 = tpu.vector_load %arg10[%get3A_273, %get3A_274] {strides = array<i32>} : memref<128x128xf32, #tpu.memory_space<vmem>>, vector<1x16xf32>,
        %get3A_276 = vector.shape_cast %get3A_275 : vector<1x16xf32> to vector<16xf32>
        %mul3A_277 = vector.broadcast %squeeze3A_268 : f32 to vector<16xf32>
        %mul3A_278 = arith.mulf %get3A_276, %mul3A_277 : vector<16xf32>
        %swap3A_279 = arith.index_cast %add3A_272 : i32 to index
        %swap3A_280 = arith.constant 0 : index
        %swap3A_281 = tpu.vector_load %arg10[%swap3A_279, %swap3A_280] {strides = array<i32>} : memref<128x128xf32, #tpu.memory_space<vmem>>, vector<1x16xf32>,
        %swap3A_282 = vector.shape_cast %swap3A_281 : vector<1x16xf32> to vector<16xf32>
        %swap3A_283 = vector.shape_cast %mul3A_278 : vector<16xf32> to vector<1x16xf32>
        tpu.vector_store %arg10[%swap3A_279, %swap3A_280], %swap3A_283 {strides = array<i32>} : memref<128x128xf32, #tpu.memory_space<vmem>>, vector<1x16xf32>,
        %get3A_284 = arith.index_cast %add3A_272 : i32 to index
        %get3A_285 = arith.constant 16 : index
        %get3A_286 = tpu.vector_load %arg10[%get3A_284, %get3A_285] {strides = array<i32>} : memref<128x128xf32, #tpu.memory_space<vmem>>, vector<1x16xf32>,
        %get3A_287 = vector.shape_cast %get3A_286 : vector<1x16xf32> to vector<16xf32>
        %mul3A_288 = vector.broadcast %squeeze3A_268 : f32 to vector<16xf32>
        %mul3A_289 = arith.mulf %get3A_287, %mul3A_288 : vector<16xf32>
        %swap3A_290 = arith.index_cast %add3A_272 : i32 to index
        %swap3A_291 = arith.constant 16 : index
        %swap3A_292 = tpu.vector_load %arg10[%swap3A_290, %swap3A_291] {strides = array<i32>} : memref<128x128xf32, #tpu.memory_space<vmem>>, vector<1x16xf32>,
        %swap3A_293 = vector.shape_cast %swap3A_292 : vector<1x16xf32> to vector<16xf32>
        %swap3A_294 = vector.shape_cast %mul3A_289 : vector<16xf32> to vector<1x16xf32>
        tpu.vector_store %arg10[%swap3A_290, %swap3A_291], %swap3A_294 {strides = array<i32>} : memref<128x128xf32, #tpu.memory_space<vmem>>, vector<1x16xf32>,
        %get3A_295 = arith.index_cast %add3A_272 : i32 to index
        %get3A_296 = arith.constant 32 : index
        %get3A_297 = tpu.vector_load %arg10[%get3A_295, %get3A_296] {strides = array<i32>} : memref<128x128xf32, #tpu.memory_space<vmem>>, vector<1x16xf32>,
        %get3A_298 = vector.shape_cast %get3A_297 : vector<1x16xf32> to vector<16xf32>
        %mul3A_299 = vector.broadcast %squeeze3A_268 : f32 to vector<16xf32>
        %mul3A_300 = arith.mulf %get3A_298, %mul3A_299 : vector<16xf32>
        %swap3A_301 = arith.index_cast %add3A_272 : i32 to index
        %swap3A_302 = arith.constant 32 : index
        %swap3A_303 = tpu.vector_load %arg10[%swap3A_301, %swap3A_302] {strides = array<i32>} : memref<128x128xf32, #tpu.memory_space<vmem>>, vector<1x16xf32>,
        %swap3A_304 = vector.shape_cast %swap3A_303 : vector<1x16xf32> to vector<16xf32>
        %swap3A_305 = vector.shape_cast %mul3A_300 : vector<16xf32> to vector<1x16xf32>
        tpu.vector_store %arg10[%swap3A_301, %swap3A_302], %swap3A_305 {strides = array<i32>} : memref<128x128xf32, #tpu.memory_space<vmem>>, vector<1x16xf32>,
        %get3A_306 = arith.index_cast %add3A_272 : i32 to index
        %get3A_307 = arith.constant 48 : index
        %get3A_308 = tpu.vector_load %arg10[%get3A_306, %get3A_307] {strides = array<i32>} : memref<128x128xf32, #tpu.memory_space<vmem>>, vector<1x16xf32>,
        %get3A_309 = vector.shape_cast %get3A_308 : vector<1x16xf32> to vector<16xf32>
        %mul3A_310 = vector.broadcast %squeeze3A_268 : f32 to vector<16xf32>
        %mul3A_311 = arith.mulf %get3A_309, %mul3A_310 : vector<16xf32>
        %swap3A_312 = arith.index_cast %add3A_272 : i32 to index
        %swap3A_313 = arith.constant 48 : index
        %swap3A_314 = tpu.vector_load %arg10[%swap3A_312, %swap3A_313] {strides = array<i32>} : memref<128x128xf32, #tpu.memory_space<vmem>>, vector<1x16xf32>,
        %swap3A_315 = vector.shape_cast %swap3A_314 : vector<1x16xf32> to vector<16xf32>
        %swap3A_316 = vector.shape_cast %mul3A_311 : vector<16xf32> to vector<1x16xf32>
        tpu.vector_store %arg10[%swap3A_312, %swap3A_313], %swap3A_316 {strides = array<i32>} : memref<128x128xf32, #tpu.memory_space<vmem>>, vector<1x16xf32>,
        %get3A_317 = arith.index_cast %add3A_272 : i32 to index
        %get3A_318 = arith.constant 64 : index
        %get3A_319 = tpu.vector_load %arg10[%get3A_317, %get3A_318] {strides = array<i32>} : memref<128x128xf32, #tpu.memory_space<vmem>>, vector<1x16xf32>,
        %get3A_320 = vector.shape_cast %get3A_319 : vector<1x16xf32> to vector<16xf32>
        %mul3A_321 = vector.broadcast %squeeze3A_268 : f32 to vector<16xf32>
        %mul3A_322 = arith.mulf %get3A_320, %mul3A_321 : vector<16xf32>
        %swap3A_323 = arith.index_cast %add3A_272 : i32 to index
        %swap3A_324 = arith.constant 64 : index
        %swap3A_325 = tpu.vector_load %arg10[%swap3A_323, %swap3A_324] {strides = array<i32>} : memref<128x128xf32, #tpu.memory_space<vmem>>, vector<1x16xf32>,
        %swap3A_326 = vector.shape_cast %swap3A_325 : vector<1x16xf32> to vector<16xf32>
        %swap3A_327 = vector.shape_cast %mul3A_322 : vector<16xf32> to vector<1x16xf32>
        tpu.vector_store %arg10[%swap3A_323, %swap3A_324], %swap3A_327 {strides = array<i32>} : memref<128x128xf32, #tpu.memory_space<vmem>>, vector<1x16xf32>,
        %get3A_328 = arith.index_cast %add3A_272 : i32 to index
        %get3A_329 = arith.constant 80 : index
        %get3A_330 = tpu.vector_load %arg10[%get3A_328, %get3A_329] {strides = array<i32>} : memref<128x128xf32, #tpu.memory_space<vmem>>, vector<1x16xf32>,
        %get3A_331 = vector.shape_cast %get3A_330 : vector<1x16xf32> to vector<16xf32>
        %mul3A_332 = vector.broadcast %squeeze3A_268 : f32 to vector<16xf32>
        %mul3A_333 = arith.mulf %get3A_331, %mul3A_332 : vector<16xf32>
        %swap3A_334 = arith.index_cast %add3A_272 : i32 to index
        %swap3A_335 = arith.constant 80 : index
        %swap3A_336 = tpu.vector_load %arg10[%swap3A_334, %swap3A_335] {strides = array<i32>} : memref<128x128xf32, #tpu.memory_space<vmem>>, vector<1x16xf32>,
        %swap3A_337 = vector.shape_cast %swap3A_336 : vector<1x16xf32> to vector<16xf32>
        %swap3A_338 = vector.shape_cast %mul3A_333 : vector<16xf32> to vector<1x16xf32>
        tpu.vector_store %arg10[%swap3A_334, %swap3A_335], %swap3A_338 {strides = array<i32>} : memref<128x128xf32, #tpu.memory_space<vmem>>, vector<1x16xf32>,
        %get3A_339 = arith.index_cast %add3A_272 : i32 to index
        %get3A_340 = arith.constant 96 : index
        %get3A_341 = tpu.vector_load %arg10[%get3A_339, %get3A_340] {strides = array<i32>} : memref<128x128xf32, #tpu.memory_space<vmem>>, vector<1x16xf32>,
        %get3A_342 = vector.shape_cast %get3A_341 : vector<1x16xf32> to vector<16xf32>
        %mul3A_343 = vector.broadcast %squeeze3A_268 : f32 to vector<16xf32>
        %mul3A_344 = arith.mulf %get3A_342, %mul3A_343 : vector<16xf32>
        %swap3A_345 = arith.index_cast %add3A_272 : i32 to index
        %swap3A_346 = arith.constant 96 : index
        %swap3A_347 = tpu.vector_load %arg10[%swap3A_345, %swap3A_346] {strides = array<i32>} : memref<128x128xf32, #tpu.memory_space<vmem>>, vector<1x16xf32>,
        %swap3A_348 = vector.shape_cast %swap3A_347 : vector<1x16xf32> to vector<16xf32>
        %swap3A_349 = vector.shape_cast %mul3A_344 : vector<16xf32> to vector<1x16xf32>
        tpu.vector_store %arg10[%swap3A_345, %swap3A_346], %swap3A_349 {strides = array<i32>} : memref<128x128xf32, #tpu.memory_space<vmem>>, vector<1x16xf32>,
        %get3A_350 = arith.index_cast %add3A_272 : i32 to index
        %get3A_351 = arith.constant 112 : index
        %get3A_352 = tpu.vector_load %arg10[%get3A_350, %get3A_351] {strides = array<i32>} : memref<128x128xf32, #tpu.memory_space<vmem>>, vector<1x16xf32>,
        %get3A_353 = vector.shape_cast %get3A_352 : vector<1x16xf32> to vector<16xf32>
        %mul3A_354 = vector.broadcast %squeeze3A_268 : f32 to vector<16xf32>
        %mul3A_355 = arith.mulf %get3A_353, %mul3A_354 : vector<16xf32>
        %swap3A_356 = arith.index_cast %add3A_272 : i32 to index
        %swap3A_357 = arith.constant 112 : index
        %swap3A_358 = tpu.vector_load %arg10[%swap3A_356, %swap3A_357] {strides = array<i32>} : memref<128x128xf32, #tpu.memory_space<vmem>>, vector<1x16xf32>,
        %swap3A_359 = vector.shape_cast %swap3A_358 : vector<1x16xf32> to vector<16xf32>
        %swap3A_360 = vector.shape_cast %mul3A_355 : vector<16xf32> to vector<1x16xf32>
        tpu.vector_store %arg10[%swap3A_356, %swap3A_357], %swap3A_360 {strides = array<i32>} : memref<128x128xf32, #tpu.memory_space<vmem>>, vector<1x16xf32>,
        %slice3A_361 = vector.extract_strided_slice %get3A_81 {offsets = [3], sizes = [1], strides = [1]} : vector<16xf32> to vector<1xf32>
        %squeeze3A_362 = vector.extract %slice3A_361[0] : f32 from vector<1xf32>
        %mul3A_363 = arith.constant 16 : i32
        %mul3A_364 = arith.muli %scan3A_77, %mul3A_363 : i32
        %add3A_365 = arith.constant 3 : i32
        %add3A_366 = arith.addi %mul3A_364, %add3A_365 : i32
        %get3A_367 = arith.index_cast %add3A_366 : i32 to index
        %get3A_368 = arith.constant 0 : index
        %get3A_369 = tpu.vector_load %arg10[%get3A_367, %get3A_368] {strides = array<i32>} : memref<128x128xf32, #tpu.memory_space<vmem>>, vector<1x16xf32>,
        %get3A_370 = vector.shape_cast %get3A_369 : vector<1x16xf32> to vector<16xf32>
        %mul3A_371 = vector.broadcast %squeeze3A_362 : f32 to vector<16xf32>
        %mul3A_372 = arith.mulf %get3A_370, %mul3A_371 : vector<16xf32>
        %swap3A_373 = arith.index_cast %add3A_366 : i32 to index
        %swap3A_374 = arith.constant 0 : index
        %swap3A_375 = tpu.vector_load %arg10[%swap3A_373, %swap3A_374] {strides = array<i32>} : memref<128x128xf32, #tpu.memory_space<vmem>>, vector<1x16xf32>,
        %swap3A_376 = vector.shape_cast %swap3A_375 : vector<1x16xf32> to vector<16xf32>
        %swap3A_377 = vector.shape_cast %mul3A_372 : vector<16xf32> to vector<1x16xf32>
        tpu.vector_store %arg10[%swap3A_373, %swap3A_374], %swap3A_377 {strides = array<i32>} : memref<128x128xf32, #tpu.memory_space<vmem>>, vector<1x16xf32>,
        %get3A_378 = arith.index_cast %add3A_366 : i32 to index
        %get3A_379 = arith.constant 16 : index
        %get3A_380 = tpu.vector_load %arg10[%get3A_378, %get3A_379] {strides = array<i32>} : memref<128x128xf32, #tpu.memory_space<vmem>>, vector<1x16xf32>,
        %get3A_381 = vector.shape_cast %get3A_380 : vector<1x16xf32> to vector<16xf32>
        %mul3A_382 = vector.broadcast %squeeze3A_362 : f32 to vector<16xf32>
        %mul3A_383 = arith.mulf %get3A_381, %mul3A_382 : vector<16xf32>
        %swap3A_384 = arith.index_cast %add3A_366 : i32 to index
        %swap3A_385 = arith.constant 16 : index
        %swap3A_386 = tpu.vector_load %arg10[%swap3A_384, %swap3A_385] {strides = array<i32>} : memref<128x128xf32, #tpu.memory_space<vmem>>, vector<1x16xf32>,
        %swap3A_387 = vector.shape_cast %swap3A_386 : vector<1x16xf32> to vector<16xf32>
        %swap3A_388 = vector.shape_cast %mul3A_383 : vector<16xf32> to vector<1x16xf32>
        tpu.vector_store %arg10[%swap3A_384, %swap3A_385], %swap3A_388 {strides = array<i32>} : memref<128x128xf32, #tpu.memory_space<vmem>>, vector<1x16xf32>,
        %get3A_389 = arith.index_cast %add3A_366 : i32 to index
        %get3A_390 = arith.constant 32 : index
        %get3A_391 = tpu.vector_load %arg10[%get3A_389, %get3A_390] {strides = array<i32>} : memref<128x128xf32, #tpu.memory_space<vmem>>, vector<1x16xf32>,
        %get3A_392 = vector.shape_cast %get3A_391 : vector<1x16xf32> to vector<16xf32>
        %mul3A_393 = vector.broadcast %squeeze3A_362 : f32 to vector<16xf32>
        %mul3A_394 = arith.mulf %get3A_392, %mul3A_393 : vector<16xf32>
        %swap3A_395 = arith.index_cast %add3A_366 : i32 to index
        %swap3A_396 = arith.constant 32 : index
        %swap3A_397 = tpu.vector_load %arg10[%swap3A_395, %swap3A_396] {strides = array<i32>} : memref<128x128xf32, #tpu.memory_space<vmem>>, vector<1x16xf32>,
        %swap3A_398 = vector.shape_cast %swap3A_397 : vector<1x16xf32> to vector<16xf32>
        %swap3A_399 = vector.shape_cast %mul3A_394 : vector<16xf32> to vector<1x16xf32>
        tpu.vector_store %arg10[%swap3A_395, %swap3A_396], %swap3A_399 {strides = array<i32>} : memref<128x128xf32, #tpu.memory_space<vmem>>, vector<1x16xf32>,
        %get3A_400 = arith.index_cast %add3A_366 : i32 to index
        %get3A_401 = arith.constant 48 : index
        %get3A_402 = tpu.vector_load %arg10[%get3A_400, %get3A_401] {strides = array<i32>} : memref<128x128xf32, #tpu.memory_space<vmem>>, vector<1x16xf32>,
        %get3A_403 = vector.shape_cast %get3A_402 : vector<1x16xf32> to vector<16xf32>
        %mul3A_404 = vector.broadcast %squeeze3A_362 : f32 to vector<16xf32>
        %mul3A_405 = arith.mulf %get3A_403, %mul3A_404 : vector<16xf32>
        %swap3A_406 = arith.index_cast %add3A_366 : i32 to index
        %swap3A_407 = arith.constant 48 : index
        %swap3A_408 = tpu.vector_load %arg10[%swap3A_406, %swap3A_407] {strides = array<i32>} : memref<128x128xf32, #tpu.memory_space<vmem>>, vector<1x16xf32>,
        %swap3A_409 = vector.shape_cast %swap3A_408 : vector<1x16xf32> to vector<16xf32>
        %swap3A_410 = vector.shape_cast %mul3A_405 : vector<16xf32> to vector<1x16xf32>
        tpu.vector_store %arg10[%swap3A_406, %swap3A_407], %swap3A_410 {strides = array<i32>} : memref<128x128xf32, #tpu.memory_space<vmem>>, vector<1x16xf32>,
        %get3A_411 = arith.index_cast %add3A_366 : i32 to index
        %get3A_412 = arith.constant 64 : index
        %get3A_413 = tpu.vector_load %arg10[%get3A_411, %get3A_412] {strides = array<i32>} : memref<128x128xf32, #tpu.memory_space<vmem>>, vector<1x16xf32>,
        %get3A_414 = vector.shape_cast %get3A_413 : vector<1x16xf32> to vector<16xf32>
        %mul3A_415 = vector.broadcast %squeeze3A_362 : f32 to vector<16xf32>
        %mul3A_416 = arith.mulf %get3A_414, %mul3A_415 : vector<16xf32>
        %swap3A_417 = arith.index_cast %add3A_366 : i32 to index
        %swap3A_418 = arith.constant 64 : index
        %swap3A_419 = tpu.vector_load %arg10[%swap3A_417, %swap3A_418] {strides = array<i32>} : memref<128x128xf32, #tpu.memory_space<vmem>>, vector<1x16xf32>,
        %swap3A_420 = vector.shape_cast %swap3A_419 : vector<1x16xf32> to vector<16xf32>
        %swap3A_421 = vector.shape_cast %mul3A_416 : vector<16xf32> to vector<1x16xf32>
        tpu.vector_store %arg10[%swap3A_417, %swap3A_418], %swap3A_421 {strides = array<i32>} : memref<128x128xf32, #tpu.memory_space<vmem>>, vector<1x16xf32>,
        %get3A_422 = arith.index_cast %add3A_366 : i32 to index
        %get3A_423 = arith.constant 80 : index
        %get3A_424 = tpu.vector_load %arg10[%get3A_422, %get3A_423] {strides = array<i32>} : memref<128x128xf32, #tpu.memory_space<vmem>>, vector<1x16xf32>,
        %get3A_425 = vector.shape_cast %get3A_424 : vector<1x16xf32> to vector<16xf32>
        %mul3A_426 = vector.broadcast %squeeze3A_362 : f32 to vector<16xf32>
        %mul3A_427 = arith.mulf %get3A_425, %mul3A_426 : vector<16xf32>
        %swap3A_428 = arith.index_cast %add3A_366 : i32 to index
        %swap3A_429 = arith.constant 80 : index
        %swap3A_430 = tpu.vector_load %arg10[%swap3A_428, %swap3A_429] {strides = array<i32>} : memref<128x128xf32, #tpu.memory_space<vmem>>, vector<1x16xf32>,
        %swap3A_431 = vector.shape_cast %swap3A_430 : vector<1x16xf32> to vector<16xf32>
        %swap3A_432 = vector.shape_cast %mul3A_427 : vector<16xf32> to vector<1x16xf32>
        tpu.vector_store %arg10[%swap3A_428, %swap3A_429], %swap3A_432 {strides = array<i32>} : memref<128x128xf32, #tpu.memory_space<vmem>>, vector<1x16xf32>,
        %get3A_433 = arith.index_cast %add3A_366 : i32 to index
        %get3A_434 = arith.constant 96 : index
        %get3A_435 = tpu.vector_load %arg10[%get3A_433, %get3A_434] {strides = array<i32>} : memref<128x128xf32, #tpu.memory_space<vmem>>, vector<1x16xf32>,
        %get3A_436 = vector.shape_cast %get3A_435 : vector<1x16xf32> to vector<16xf32>
        %mul3A_437 = vector.broadcast %squeeze3A_362 : f32 to vector<16xf32>
        %mul3A_438 = arith.mulf %get3A_436, %mul3A_437 : vector<16xf32>
        %swap3A_439 = arith.index_cast %add3A_366 : i32 to index
        %swap3A_440 = arith.constant 96 : index
        %swap3A_441 = tpu.vector_load %arg10[%swap3A_439, %swap3A_440] {strides = array<i32>} : memref<128x128xf32, #tpu.memory_space<vmem>>, vector<1x16xf32>,
        %swap3A_442 = vector.shape_cast %swap3A_441 : vector<1x16xf32> to vector<16xf32>
        %swap3A_443 = vector.shape_cast %mul3A_438 : vector<16xf32> to vector<1x16xf32>
        tpu.vector_store %arg10[%swap3A_439, %swap3A_440], %swap3A_443 {strides = array<i32>} : memref<128x128xf32, #tpu.memory_space<vmem>>, vector<1x16xf32>,
        %get3A_444 = arith.index_cast %add3A_366 : i32 to index
        %get3A_445 = arith.constant 112 : index
        %get3A_446 = tpu.vector_load %arg10[%get3A_444, %get3A_445] {strides = array<i32>} : memref<128x128xf32, #tpu.memory_space<vmem>>, vector<1x16xf32>,
        %get3A_447 = vector.shape_cast %get3A_446 : vector<1x16xf32> to vector<16xf32>
        %mul3A_448 = vector.broadcast %squeeze3A_362 : f32 to vector<16xf32>
        %mul3A_449 = arith.mulf %get3A_447, %mul3A_448 : vector<16xf32>
        %swap3A_450 = arith.index_cast %add3A_366 : i32 to index
        %swap3A_451 = arith.constant 112 : index
        %swap3A_452 = tpu.vector_load %arg10[%swap3A_450, %swap3A_451] {strides = array<i32>} : memref<128x128xf32, #tpu.memory_space<vmem>>, vector<1x16xf32>,
        %swap3A_453 = vector.shape_cast %swap3A_452 : vector<1x16xf32> to vector<16xf32>
        %swap3A_454 = vector.shape_cast %mul3A_449 : vector<16xf32> to vector<1x16xf32>
        tpu.vector_store %arg10[%swap3A_450, %swap3A_451], %swap3A_454 {strides = array<i32>} : memref<128x128xf32, #tpu.memory_space<vmem>>, vector<1x16xf32>,
        %slice3A_455 = vector.extract_strided_slice %get3A_81 {offsets = [4], sizes = [1], strides = [1]} : vector<16xf32> to vector<1xf32>
        %squeeze3A_456 = vector.extract %slice3A_455[0] : f32 from vector<1xf32>
        %mul3A_457 = arith.constant 16 : i32
        %mul3A_458 = arith.muli %scan3A_77, %mul3A_457 : i32
        %add3A_459 = arith.constant 4 : i32
        %add3A_460 = arith.addi %mul3A_458, %add3A_459 : i32
        %get3A_461 = arith.index_cast %add3A_460 : i32 to index
        %get3A_462 = arith.constant 0 : index
        %get3A_463 = tpu.vector_load %arg10[%get3A_461, %get3A_462] {strides = array<i32>} : memref<128x128xf32, #tpu.memory_space<vmem>>, vector<1x16xf32>,
        %get3A_464 = vector.shape_cast %get3A_463 : vector<1x16xf32> to vector<16xf32>
        %mul3A_465 = vector.broadcast %squeeze3A_456 : f32 to vector<16xf32>
        %mul3A_466 = arith.mulf %get3A_464, %mul3A_465 : vector<16xf32>
        %swap3A_467 = arith.index_cast %add3A_460 : i32 to index
        %swap3A_468 = arith.constant 0 : index
        %swap3A_469 = tpu.vector_load %arg10[%swap3A_467, %swap3A_468] {strides = array<i32>} : memref<128x128xf32, #tpu.memory_space<vmem>>, vector<1x16xf32>,
        %swap3A_470 = vector.shape_cast %swap3A_469 : vector<1x16xf32> to vector<16xf32>
        %swap3A_471 = vector.shape_cast %mul3A_466 : vector<16xf32> to vector<1x16xf32>
        tpu.vector_store %arg10[%swap3A_467, %swap3A_468], %swap3A_471 {strides = array<i32>} : memref<128x128xf32, #tpu.memory_space<vmem>>, vector<1x16xf32>,
        %get3A_472 = arith.index_cast %add3A_460 : i32 to index
        %get3A_473 = arith.constant 16 : index
        %get3A_474 = tpu.vector_load %arg10[%get3A_472, %get3A_473] {strides = array<i32>} : memref<128x128xf32, #tpu.memory_space<vmem>>, vector<1x16xf32>,
        %get3A_475 = vector.shape_cast %get3A_474 : vector<1x16xf32> to vector<16xf32>
        %mul3A_476 = vector.broadcast %squeeze3A_456 : f32 to vector<16xf32>
        %mul3A_477 = arith.mulf %get3A_475, %mul3A_476 : vector<16xf32>
        %swap3A_478 = arith.index_cast %add3A_460 : i32 to index
        %swap3A_479 = arith.constant 16 : index
        %swap3A_480 = tpu.vector_load %arg10[%swap3A_478, %swap3A_479] {strides = array<i32>} : memref<128x128xf32, #tpu.memory_space<vmem>>, vector<1x16xf32>,
        %swap3A_481 = vector.shape_cast %swap3A_480 : vector<1x16xf32> to vector<16xf32>
        %swap3A_482 = vector.shape_cast %mul3A_477 : vector<16xf32> to vector<1x16xf32>
        tpu.vector_store %arg10[%swap3A_478, %swap3A_479], %swap3A_482 {strides = array<i32>} : memref<128x128xf32, #tpu.memory_space<vmem>>, vector<1x16xf32>,
        %get3A_483 = arith.index_cast %add3A_460 : i32 to index
        %get3A_484 = arith.constant 32 : index
        %get3A_485 = tpu.vector_load %arg10[%get3A_483, %get3A_484] {strides = array<i32>} : memref<128x128xf32, #tpu.memory_space<vmem>>, vector<1x16xf32>,
        %get3A_486 = vector.shape_cast %get3A_485 : vector<1x16xf32> to vector<16xf32>
        %mul3A_487 = vector.broadcast %squeeze3A_456 : f32 to vector<16xf32>
        %mul3A_488 = arith.mulf %get3A_486, %mul3A_487 : vector<16xf32>
        %swap3A_489 = arith.index_cast %add3A_460 : i32 to index
        %swap3A_490 = arith.constant 32 : index
        %swap3A_491 = tpu.vector_load %arg10[%swap3A_489, %swap3A_490] {strides = array<i32>} : memref<128x128xf32, #tpu.memory_space<vmem>>, vector<1x16xf32>,
        %swap3A_492 = vector.shape_cast %swap3A_491 : vector<1x16xf32> to vector<16xf32>
        %swap3A_493 = vector.shape_cast %mul3A_488 : vector<16xf32> to vector<1x16xf32>
        tpu.vector_store %arg10[%swap3A_489, %swap3A_490], %swap3A_493 {strides = array<i32>} : memref<128x128xf32, #tpu.memory_space<vmem>>, vector<1x16xf32>,
        %get3A_494 = arith.index_cast %add3A_460 : i32 to index
        %get3A_495 = arith.constant 48 : index
        %get3A_496 = tpu.vector_load %arg10[%get3A_494, %get3A_495] {strides = array<i32>} : memref<128x128xf32, #tpu.memory_space<vmem>>, vector<1x16xf32>,
        %get3A_497 = vector.shape_cast %get3A_496 : vector<1x16xf32> to vector<16xf32>
        %mul3A_498 = vector.broadcast %squeeze3A_456 : f32 to vector<16xf32>
        %mul3A_499 = arith.mulf %get3A_497, %mul3A_498 : vector<16xf32>
        %swap3A_500 = arith.index_cast %add3A_460 : i32 to index
        %swap3A_501 = arith.constant 48 : index
        %swap3A_502 = tpu.vector_load %arg10[%swap3A_500, %swap3A_501] {strides = array<i32>} : memref<128x128xf32, #tpu.memory_space<vmem>>, vector<1x16xf32>,
        %swap3A_503 = vector.shape_cast %swap3A_502 : vector<1x16xf32> to vector<16xf32>
        %swap3A_504 = vector.shape_cast %mul3A_499 : vector<16xf32> to vector<1x16xf32>
        tpu.vector_store %arg10[%swap3A_500, %swap3A_501], %swap3A_504 {strides = array<i32>} : memref<128x128xf32, #tpu.memory_space<vmem>>, vector<1x16xf32>,
        %get3A_505 = arith.index_cast %add3A_460 : i32 to index
        %get3A_506 = arith.constant 64 : index
        %get3A_507 = tpu.vector_load %arg10[%get3A_505, %get3A_506] {strides = array<i32>} : memref<128x128xf32, #tpu.memory_space<vmem>>, vector<1x16xf32>,
        %get3A_508 = vector.shape_cast %get3A_507 : vector<1x16xf32> to vector<16xf32>
        %mul3A_509 = vector.broadcast %squeeze3A_456 : f32 to vector<16xf32>
        %mul3A_510 = arith.mulf %get3A_508, %mul3A_509 : vector<16xf32>
        %swap3A_511 = arith.index_cast %add3A_460 : i32 to index
        %swap3A_512 = arith.constant 64 : index
        %swap3A_513 = tpu.vector_load %arg10[%swap3A_511, %swap3A_512] {strides = array<i32>} : memref<128x128xf32, #tpu.memory_space<vmem>>, vector<1x16xf32>,
        %swap3A_514 = vector.shape_cast %swap3A_513 : vector<1x16xf32> to vector<16xf32>
        %swap3A_515 = vector.shape_cast %mul3A_510 : vector<16xf32> to vector<1x16xf32>
        tpu.vector_store %arg10[%swap3A_511, %swap3A_512], %swap3A_515 {strides = array<i32>} : memref<128x128xf32, #tpu.memory_space<vmem>>, vector<1x16xf32>,
        %get3A_516 = arith.index_cast %add3A_460 : i32 to index
        %get3A_517 = arith.constant 80 : index
        %get3A_518 = tpu.vector_load %arg10[%get3A_516, %get3A_517] {strides = array<i32>} : memref<128x128xf32, #tpu.memory_space<vmem>>, vector<1x16xf32>,
        %get3A_519 = vector.shape_cast %get3A_518 : vector<1x16xf32> to vector<16xf32>
        %mul3A_520 = vector.broadcast %squeeze3A_456 : f32 to vector<16xf32>
        %mul3A_521 = arith.mulf %get3A_519, %mul3A_520 : vector<16xf32>
        %swap3A_522 = arith.index_cast %add3A_460 : i32 to index
        %swap3A_523 = arith.constant 80 : index
        %swap3A_524 = tpu.vector_load %arg10[%swap3A_522, %swap3A_523] {strides = array<i32>} : memref<128x128xf32, #tpu.memory_space<vmem>>, vector<1x16xf32>,
        %swap3A_525 = vector.shape_cast %swap3A_524 : vector<1x16xf32> to vector<16xf32>
        %swap3A_526 = vector.shape_cast %mul3A_521 : vector<16xf32> to vector<1x16xf32>
        tpu.vector_store %arg10[%swap3A_522, %swap3A_523], %swap3A_526 {strides = array<i32>} : memref<128x128xf32, #tpu.memory_space<vmem>>, vector<1x16xf32>,
        %get3A_527 = arith.index_cast %add3A_460 : i32 to index
        %get3A_528 = arith.constant 96 : index
        %get3A_529 = tpu.vector_load %arg10[%get3A_527, %get3A_528] {strides = array<i32>} : memref<128x128xf32, #tpu.memory_space<vmem>>, vector<1x16xf32>,
        %get3A_530 = vector.shape_cast %get3A_529 : vector<1x16xf32> to vector<16xf32>
        %mul3A_531 = vector.broadcast %squeeze3A_456 : f32 to vector<16xf32>
        %mul3A_532 = arith.mulf %get3A_530, %mul3A_531 : vector<16xf32>
        %swap3A_533 = arith.index_cast %add3A_460 : i32 to index
        %swap3A_534 = arith.constant 96 : index
        %swap3A_535 = tpu.vector_load %arg10[%swap3A_533, %swap3A_534] {strides = array<i32>} : memref<128x128xf32, #tpu.memory_space<vmem>>, vector<1x16xf32>,
        %swap3A_536 = vector.shape_cast %swap3A_535 : vector<1x16xf32> to vector<16xf32>
        %swap3A_537 = vector.shape_cast %mul3A_532 : vector<16xf32> to vector<1x16xf32>
        tpu.vector_store %arg10[%swap3A_533, %swap3A_534], %swap3A_537 {strides = array<i32>} : memref<128x128xf32, #tpu.memory_space<vmem>>, vector<1x16xf32>,
        %get3A_538 = arith.index_cast %add3A_460 : i32 to index
        %get3A_539 = arith.constant 112 : index
        %get3A_540 = tpu.vector_load %arg10[%get3A_538, %get3A_539] {strides = array<i32>} : memref<128x128xf32, #tpu.memory_space<vmem>>, vector<1x16xf32>,
        %get3A_541 = vector.shape_cast %get3A_540 : vector<1x16xf32> to vector<16xf32>
        %mul3A_542 = vector.broadcast %squeeze3A_456 : f32 to vector<16xf32>
        %mul3A_543 = arith.mulf %get3A_541, %mul3A_542 : vector<16xf32>
        %swap3A_544 = arith.index_cast %add3A_460 : i32 to index
        %swap3A_545 = arith.constant 112 : index
        %swap3A_546 = tpu.vector_load %arg10[%swap3A_544, %swap3A_545] {strides = array<i32>} : memref<128x128xf32, #tpu.memory_space<vmem>>, vector<1x16xf32>,
        %swap3A_547 = vector.shape_cast %swap3A_546 : vector<1x16xf32> to vector<16xf32>
        %swap3A_548 = vector.shape_cast %mul3A_543 : vector<16xf32> to vector<1x16xf32>
        tpu.vector_store %arg10[%swap3A_544, %swap3A_545], %swap3A_548 {strides = array<i32>} : memref<128x128xf32, #tpu.memory_space<vmem>>, vector<1x16xf32>,
        %slice3A_549 = vector.extract_strided_slice %get3A_81 {offsets = [5], sizes = [1], strides = [1]} : vector<16xf32> to vector<1xf32>
        %squeeze3A_550 = vector.extract %slice3A_549[0] : f32 from vector<1xf32>
        %mul3A_551 = arith.constant 16 : i32
        %mul3A_552 = arith.muli %scan3A_77, %mul3A_551 : i32
        %add3A_553 = arith.constant 5 : i32
        %add3A_554 = arith.addi %mul3A_552, %add3A_553 : i32
        %get3A_555 = arith.index_cast %add3A_554 : i32 to index
        %get3A_556 = arith.constant 0 : index
        %get3A_557 = tpu.vector_load %arg10[%get3A_555, %get3A_556] {strides = array<i32>} : memref<128x128xf32, #tpu.memory_space<vmem>>, vector<1x16xf32>,
        %get3A_558 = vector.shape_cast %get3A_557 : vector<1x16xf32> to vector<16xf32>
        %mul3A_559 = vector.broadcast %squeeze3A_550 : f32 to vector<16xf32>
        %mul3A_560 = arith.mulf %get3A_558, %mul3A_559 : vector<16xf32>
        %swap3A_561 = arith.index_cast %add3A_554 : i32 to index
        %swap3A_562 = arith.constant 0 : index
        %swap3A_563 = tpu.vector_load %arg10[%swap3A_561, %swap3A_562] {strides = array<i32>} : memref<128x128xf32, #tpu.memory_space<vmem>>, vector<1x16xf32>,
        %swap3A_564 = vector.shape_cast %swap3A_563 : vector<1x16xf32> to vector<16xf32>
        %swap3A_565 = vector.shape_cast %mul3A_560 : vector<16xf32> to vector<1x16xf32>
        tpu.vector_store %arg10[%swap3A_561, %swap3A_562], %swap3A_565 {strides = array<i32>} : memref<128x128xf32, #tpu.memory_space<vmem>>, vector<1x16xf32>,
        %get3A_566 = arith.index_cast %add3A_554 : i32 to index
        %get3A_567 = arith.constant 16 : index
        %get3A_568 = tpu.vector_load %arg10[%get3A_566, %get3A_567] {strides = array<i32>} : memref<128x128xf32, #tpu.memory_space<vmem>>, vector<1x16xf32>,
        %get3A_569 = vector.shape_cast %get3A_568 : vector<1x16xf32> to vector<16xf32>
        %mul3A_570 = vector.broadcast %squeeze3A_550 : f32 to vector<16xf32>
        %mul3A_571 = arith.mulf %get3A_569, %mul3A_570 : vector<16xf32>
        %swap3A_572 = arith.index_cast %add3A_554 : i32 to index
        %swap3A_573 = arith.constant 16 : index
        %swap3A_574 = tpu.vector_load %arg10[%swap3A_572, %swap3A_573] {strides = array<i32>} : memref<128x128xf32, #tpu.memory_space<vmem>>, vector<1x16xf32>,
        %swap3A_575 = vector.shape_cast %swap3A_574 : vector<1x16xf32> to vector<16xf32>
        %swap3A_576 = vector.shape_cast %mul3A_571 : vector<16xf32> to vector<1x16xf32>
        tpu.vector_store %arg10[%swap3A_572, %swap3A_573], %swap3A_576 {strides = array<i32>} : memref<128x128xf32, #tpu.memory_space<vmem>>, vector<1x16xf32>,
        %get3A_577 = arith.index_cast %add3A_554 : i32 to index
        %get3A_578 = arith.constant 32 : index
        %get3A_579 = tpu.vector_load %arg10[%get3A_577, %get3A_578] {strides = array<i32>} : memref<128x128xf32, #tpu.memory_space<vmem>>, vector<1x16xf32>,
        %get3A_580 = vector.shape_cast %get3A_579 : vector<1x16xf32> to vector<16xf32>
        %mul3A_581 = vector.broadcast %squeeze3A_550 : f32 to vector<16xf32>
        %mul3A_582 = arith.mulf %get3A_580, %mul3A_581 : vector<16xf32>
        %swap3A_583 = arith.index_cast %add3A_554 : i32 to index
        %swap3A_584 = arith.constant 32 : index
        %swap3A_585 = tpu.vector_load %arg10[%swap3A_583, %swap3A_584] {strides = array<i32>} : memref<128x128xf32, #tpu.memory_space<vmem>>, vector<1x16xf32>,
        %swap3A_586 = vector.shape_cast %swap3A_585 : vector<1x16xf32> to vector<16xf32>
        %swap3A_587 = vector.shape_cast %mul3A_582 : vector<16xf32> to vector<1x16xf32>
        tpu.vector_store %arg10[%swap3A_583, %swap3A_584], %swap3A_587 {strides = array<i32>} : memref<128x128xf32, #tpu.memory_space<vmem>>, vector<1x16xf32>,
        %get3A_588 = arith.index_cast %add3A_554 : i32 to index
        %get3A_589 = arith.constant 48 : index
        %get3A_590 = tpu.vector_load %arg10[%get3A_588, %get3A_589] {strides = array<i32>} : memref<128x128xf32, #tpu.memory_space<vmem>>, vector<1x16xf32>,
        %get3A_591 = vector.shape_cast %get3A_590 : vector<1x16xf32> to vector<16xf32>
        %mul3A_592 = vector.broadcast %squeeze3A_550 : f32 to vector<16xf32>
        %mul3A_593 = arith.mulf %get3A_591, %mul3A_592 : vector<16xf32>
        %swap3A_594 = arith.index_cast %add3A_554 : i32 to index
        %swap3A_595 = arith.constant 48 : index
        %swap3A_596 = tpu.vector_load %arg10[%swap3A_594, %swap3A_595] {strides = array<i32>} : memref<128x128xf32, #tpu.memory_space<vmem>>, vector<1x16xf32>,
        %swap3A_597 = vector.shape_cast %swap3A_596 : vector<1x16xf32> to vector<16xf32>
        %swap3A_598 = vector.shape_cast %mul3A_593 : vector<16xf32> to vector<1x16xf32>
        tpu.vector_store %arg10[%swap3A_594, %swap3A_595], %swap3A_598 {strides = array<i32>} : memref<128x128xf32, #tpu.memory_space<vmem>>, vector<1x16xf32>,
        %get3A_599 = arith.index_cast %add3A_554 : i32 to index
        %get3A_600 = arith.constant 64 : index
        %get3A_601 = tpu.vector_load %arg10[%get3A_599, %get3A_600] {strides = array<i32>} : memref<128x128xf32, #tpu.memory_space<vmem>>, vector<1x16xf32>,
        %get3A_602 = vector.shape_cast %get3A_601 : vector<1x16xf32> to vector<16xf32>
        %mul3A_603 = vector.broadcast %squeeze3A_550 : f32 to vector<16xf32>
        %mul3A_604 = arith.mulf %get3A_602, %mul3A_603 : vector<16xf32>
        %swap3A_605 = arith.index_cast %add3A_554 : i32 to index
        %swap3A_606 = arith.constant 64 : index
        %swap3A_607 = tpu.vector_load %arg10[%swap3A_605, %swap3A_606] {strides = array<i32>} : memref<128x128xf32, #tpu.memory_space<vmem>>, vector<1x16xf32>,
        %swap3A_608 = vector.shape_cast %swap3A_607 : vector<1x16xf32> to vector<16xf32>
        %swap3A_609 = vector.shape_cast %mul3A_604 : vector<16xf32> to vector<1x16xf32>
        tpu.vector_store %arg10[%swap3A_605, %swap3A_606], %swap3A_609 {strides = array<i32>} : memref<128x128xf32, #tpu.memory_space<vmem>>, vector<1x16xf32>,
        %get3A_610 = arith.index_cast %add3A_554 : i32 to index
        %get3A_611 = arith.constant 80 : index
        %get3A_612 = tpu.vector_load %arg10[%get3A_610, %get3A_611] {strides = array<i32>} : memref<128x128xf32, #tpu.memory_space<vmem>>, vector<1x16xf32>,
        %get3A_613 = vector.shape_cast %get3A_612 : vector<1x16xf32> to vector<16xf32>
        %mul3A_614 = vector.broadcast %squeeze3A_550 : f32 to vector<16xf32>
        %mul3A_615 = arith.mulf %get3A_613, %mul3A_614 : vector<16xf32>
        %swap3A_616 = arith.index_cast %add3A_554 : i32 to index
        %swap3A_617 = arith.constant 80 : index
        %swap3A_618 = tpu.vector_load %arg10[%swap3A_616, %swap3A_617] {strides = array<i32>} : memref<128x128xf32, #tpu.memory_space<vmem>>, vector<1x16xf32>,
        %swap3A_619 = vector.shape_cast %swap3A_618 : vector<1x16xf32> to vector<16xf32>
        %swap3A_620 = vector.shape_cast %mul3A_615 : vector<16xf32> to vector<1x16xf32>
        tpu.vector_store %arg10[%swap3A_616, %swap3A_617], %swap3A_620 {strides = array<i32>} : memref<128x128xf32, #tpu.memory_space<vmem>>, vector<1x16xf32>,
        %get3A_621 = arith.index_cast %add3A_554 : i32 to index
        %get3A_622 = arith.constant 96 : index
        %get3A_623 = tpu.vector_load %arg10[%get3A_621, %get3A_622] {strides = array<i32>} : memref<128x128xf32, #tpu.memory_space<vmem>>, vector<1x16xf32>,
        %get3A_624 = vector.shape_cast %get3A_623 : vector<1x16xf32> to vector<16xf32>
        %mul3A_625 = vector.broadcast %squeeze3A_550 : f32 to vector<16xf32>
        %mul3A_626 = arith.mulf %get3A_624, %mul3A_625 : vector<16xf32>
        %swap3A_627 = arith.index_cast %add3A_554 : i32 to index
        %swap3A_628 = arith.constant 96 : index
        %swap3A_629 = tpu.vector_load %arg10[%swap3A_627, %swap3A_628] {strides = array<i32>} : memref<128x128xf32, #tpu.memory_space<vmem>>, vector<1x16xf32>,
        %swap3A_630 = vector.shape_cast %swap3A_629 : vector<1x16xf32> to vector<16xf32>
        %swap3A_631 = vector.shape_cast %mul3A_626 : vector<16xf32> to vector<1x16xf32>
        tpu.vector_store %arg10[%swap3A_627, %swap3A_628], %swap3A_631 {strides = array<i32>} : memref<128x128xf32, #tpu.memory_space<vmem>>, vector<1x16xf32>,
        %get3A_632 = arith.index_cast %add3A_554 : i32 to index
        %get3A_633 = arith.constant 112 : index
        %get3A_634 = tpu.vector_load %arg10[%get3A_632, %get3A_633] {strides = array<i32>} : memref<128x128xf32, #tpu.memory_space<vmem>>, vector<1x16xf32>,
        %get3A_635 = vector.shape_cast %get3A_634 : vector<1x16xf32> to vector<16xf32>
        %mul3A_636 = vector.broadcast %squeeze3A_550 : f32 to vector<16xf32>
        %mul3A_637 = arith.mulf %get3A_635, %mul3A_636 : vector<16xf32>
        %swap3A_638 = arith.index_cast %add3A_554 : i32 to index
        %swap3A_639 = arith.constant 112 : index
        %swap3A_640 = tpu.vector_load %arg10[%swap3A_638, %swap3A_639] {strides = array<i32>} : memref<128x128xf32, #tpu.memory_space<vmem>>, vector<1x16xf32>,
        %swap3A_641 = vector.shape_cast %swap3A_640 : vector<1x16xf32> to vector<16xf32>
        %swap3A_642 = vector.shape_cast %mul3A_637 : vector<16xf32> to vector<1x16xf32>
        tpu.vector_store %arg10[%swap3A_638, %swap3A_639], %swap3A_642 {strides = array<i32>} : memref<128x128xf32, #tpu.memory_space<vmem>>, vector<1x16xf32>,
        %slice3A_643 = vector.extract_strided_slice %get3A_81 {offsets = [6], sizes = [1], strides = [1]} : vector<16xf32> to vector<1xf32>
        %squeeze3A_644 = vector.extract %slice3A_643[0] : f32 from vector<1xf32>
        %mul3A_645 = arith.constant 16 : i32
        %mul3A_646 = arith.muli %scan3A_77, %mul3A_645 : i32
        %add3A_647 = arith.constant 6 : i32
        %add3A_648 = arith.addi %mul3A_646, %add3A_647 : i32
        %get3A_649 = arith.index_cast %add3A_648 : i32 to index
        %get3A_650 = arith.constant 0 : index
        %get3A_651 = tpu.vector_load %arg10[%get3A_649, %get3A_650] {strides = array<i32>} : memref<128x128xf32, #tpu.memory_space<vmem>>, vector<1x16xf32>,
        %get3A_652 = vector.shape_cast %get3A_651 : vector<1x16xf32> to vector<16xf32>
        %mul3A_653 = vector.broadcast %squeeze3A_644 : f32 to vector<16xf32>
        %mul3A_654 = arith.mulf %get3A_652, %mul3A_653 : vector<16xf32>
        %swap3A_655 = arith.index_cast %add3A_648 : i32 to index
        %swap3A_656 = arith.constant 0 : index
        %swap3A_657 = tpu.vector_load %arg10[%swap3A_655, %swap3A_656] {strides = array<i32>} : memref<128x128xf32, #tpu.memory_space<vmem>>, vector<1x16xf32>,
        %swap3A_658 = vector.shape_cast %swap3A_657 : vector<1x16xf32> to vector<16xf32>
        %swap3A_659 = vector.shape_cast %mul3A_654 : vector<16xf32> to vector<1x16xf32>
        tpu.vector_store %arg10[%swap3A_655, %swap3A_656], %swap3A_659 {strides = array<i32>} : memref<128x128xf32, #tpu.memory_space<vmem>>, vector<1x16xf32>,
        %get3A_660 = arith.index_cast %add3A_648 : i32 to index
        %get3A_661 = arith.constant 16 : index
        %get3A_662 = tpu.vector_load %arg10[%get3A_660, %get3A_661] {strides = array<i32>} : memref<128x128xf32, #tpu.memory_space<vmem>>, vector<1x16xf32>,
        %get3A_663 = vector.shape_cast %get3A_662 : vector<1x16xf32> to vector<16xf32>
        %mul3A_664 = vector.broadcast %squeeze3A_644 : f32 to vector<16xf32>
        %mul3A_665 = arith.mulf %get3A_663, %mul3A_664 : vector<16xf32>
        %swap3A_666 = arith.index_cast %add3A_648 : i32 to index
        %swap3A_667 = arith.constant 16 : index
        %swap3A_668 = tpu.vector_load %arg10[%swap3A_666, %swap3A_667] {strides = array<i32>} : memref<128x128xf32, #tpu.memory_space<vmem>>, vector<1x16xf32>,
        %swap3A_669 = vector.shape_cast %swap3A_668 : vector<1x16xf32> to vector<16xf32>
        %swap3A_670 = vector.shape_cast %mul3A_665 : vector<16xf32> to vector<1x16xf32>
        tpu.vector_store %arg10[%swap3A_666, %swap3A_667], %swap3A_670 {strides = array<i32>} : memref<128x128xf32, #tpu.memory_space<vmem>>, vector<1x16xf32>,
        %get3A_671 = arith.index_cast %add3A_648 : i32 to index
        %get3A_672 = arith.constant 32 : index
        %get3A_673 = tpu.vector_load %arg10[%get3A_671, %get3A_672] {strides = array<i32>} : memref<128x128xf32, #tpu.memory_space<vmem>>, vector<1x16xf32>,
        %get3A_674 = vector.shape_cast %get3A_673 : vector<1x16xf32> to vector<16xf32>
        %mul3A_675 = vector.broadcast %squeeze3A_644 : f32 to vector<16xf32>
        %mul3A_676 = arith.mulf %get3A_674, %mul3A_675 : vector<16xf32>
        %swap3A_677 = arith.index_cast %add3A_648 : i32 to index
        %swap3A_678 = arith.constant 32 : index
        %swap3A_679 = tpu.vector_load %arg10[%swap3A_677, %swap3A_678] {strides = array<i32>} : memref<128x128xf32, #tpu.memory_space<vmem>>, vector<1x16xf32>,
        %swap3A_680 = vector.shape_cast %swap3A_679 : vector<1x16xf32> to vector<16xf32>
        %swap3A_681 = vector.shape_cast %mul3A_676 : vector<16xf32> to vector<1x16xf32>
        tpu.vector_store %arg10[%swap3A_677, %swap3A_678], %swap3A_681 {strides = array<i32>} : memref<128x128xf32, #tpu.memory_space<vmem>>, vector<1x16xf32>,
        %get3A_682 = arith.index_cast %add3A_648 : i32 to index
        %get3A_683 = arith.constant 48 : index
        %get3A_684 = tpu.vector_load %arg10[%get3A_682, %get3A_683] {strides = array<i32>} : memref<128x128xf32, #tpu.memory_space<vmem>>, vector<1x16xf32>,
        %get3A_685 = vector.shape_cast %get3A_684 : vector<1x16xf32> to vector<16xf32>
        %mul3A_686 = vector.broadcast %squeeze3A_644 : f32 to vector<16xf32>
        %mul3A_687 = arith.mulf %get3A_685, %mul3A_686 : vector<16xf32>
        %swap3A_688 = arith.index_cast %add3A_648 : i32 to index
        %swap3A_689 = arith.constant 48 : index
        %swap3A_690 = tpu.vector_load %arg10[%swap3A_688, %swap3A_689] {strides = array<i32>} : memref<128x128xf32, #tpu.memory_space<vmem>>, vector<1x16xf32>,
        %swap3A_691 = vector.shape_cast %swap3A_690 : vector<1x16xf32> to vector<16xf32>
        %swap3A_692 = vector.shape_cast %mul3A_687 : vector<16xf32> to vector<1x16xf32>
        tpu.vector_store %arg10[%swap3A_688, %swap3A_689], %swap3A_692 {strides = array<i32>} : memref<128x128xf32, #tpu.memory_space<vmem>>, vector<1x16xf32>,
        %get3A_693 = arith.index_cast %add3A_648 : i32 to index
        %get3A_694 = arith.constant 64 : index
        %get3A_695 = tpu.vector_load %arg10[%get3A_693, %get3A_694] {strides = array<i32>} : memref<128x128xf32, #tpu.memory_space<vmem>>, vector<1x16xf32>,
        %get3A_696 = vector.shape_cast %get3A_695 : vector<1x16xf32> to vector<16xf32>
        %mul3A_697 = vector.broadcast %squeeze3A_644 : f32 to vector<16xf32>
        %mul3A_698 = arith.mulf %get3A_696, %mul3A_697 : vector<16xf32>
        %swap3A_699 = arith.index_cast %add3A_648 : i32 to index
        %swap3A_700 = arith.constant 64 : index
        %swap3A_701 = tpu.vector_load %arg10[%swap3A_699, %swap3A_700] {strides = array<i32>} : memref<128x128xf32, #tpu.memory_space<vmem>>, vector<1x16xf32>,
        %swap3A_702 = vector.shape_cast %swap3A_701 : vector<1x16xf32> to vector<16xf32>
        %swap3A_703 = vector.shape_cast %mul3A_698 : vector<16xf32> to vector<1x16xf32>
        tpu.vector_store %arg10[%swap3A_699, %swap3A_700], %swap3A_703 {strides = array<i32>} : memref<128x128xf32, #tpu.memory_space<vmem>>, vector<1x16xf32>,
        %get3A_704 = arith.index_cast %add3A_648 : i32 to index
        %get3A_705 = arith.constant 80 : index
        %get3A_706 = tpu.vector_load %arg10[%get3A_704, %get3A_705] {strides = array<i32>} : memref<128x128xf32, #tpu.memory_space<vmem>>, vector<1x16xf32>,
        %get3A_707 = vector.shape_cast %get3A_706 : vector<1x16xf32> to vector<16xf32>
        %mul3A_708 = vector.broadcast %squeeze3A_644 : f32 to vector<16xf32>
        %mul3A_709 = arith.mulf %get3A_707, %mul3A_708 : vector<16xf32>
        %swap3A_710 = arith.index_cast %add3A_648 : i32 to index
        %swap3A_711 = arith.constant 80 : index
        %swap3A_712 = tpu.vector_load %arg10[%swap3A_710, %swap3A_711] {strides = array<i32>} : memref<128x128xf32, #tpu.memory_space<vmem>>, vector<1x16xf32>,
        %swap3A_713 = vector.shape_cast %swap3A_712 : vector<1x16xf32> to vector<16xf32>
        %swap3A_714 = vector.shape_cast %mul3A_709 : vector<16xf32> to vector<1x16xf32>
        tpu.vector_store %arg10[%swap3A_710, %swap3A_711], %swap3A_714 {strides = array<i32>} : memref<128x128xf32, #tpu.memory_space<vmem>>, vector<1x16xf32>,
        %get3A_715 = arith.index_cast %add3A_648 : i32 to index
        %get3A_716 = arith.constant 96 : index
        %get3A_717 = tpu.vector_load %arg10[%get3A_715, %get3A_716] {strides = array<i32>} : memref<128x128xf32, #tpu.memory_space<vmem>>, vector<1x16xf32>,
        %get3A_718 = vector.shape_cast %get3A_717 : vector<1x16xf32> to vector<16xf32>
        %mul3A_719 = vector.broadcast %squeeze3A_644 : f32 to vector<16xf32>
        %mul3A_720 = arith.mulf %get3A_718, %mul3A_719 : vector<16xf32>
        %swap3A_721 = arith.index_cast %add3A_648 : i32 to index
        %swap3A_722 = arith.constant 96 : index
        %swap3A_723 = tpu.vector_load %arg10[%swap3A_721, %swap3A_722] {strides = array<i32>} : memref<128x128xf32, #tpu.memory_space<vmem>>, vector<1x16xf32>,
        %swap3A_724 = vector.shape_cast %swap3A_723 : vector<1x16xf32> to vector<16xf32>
        %swap3A_725 = vector.shape_cast %mul3A_720 : vector<16xf32> to vector<1x16xf32>
        tpu.vector_store %arg10[%swap3A_721, %swap3A_722], %swap3A_725 {strides = array<i32>} : memref<128x128xf32, #tpu.memory_space<vmem>>, vector<1x16xf32>,
        %get3A_726 = arith.index_cast %add3A_648 : i32 to index
        %get3A_727 = arith.constant 112 : index
        %get3A_728 = tpu.vector_load %arg10[%get3A_726, %get3A_727] {strides = array<i32>} : memref<128x128xf32, #tpu.memory_space<vmem>>, vector<1x16xf32>,
        %get3A_729 = vector.shape_cast %get3A_728 : vector<1x16xf32> to vector<16xf32>
        %mul3A_730 = vector.broadcast %squeeze3A_644 : f32 to vector<16xf32>
        %mul3A_731 = arith.mulf %get3A_729, %mul3A_730 : vector<16xf32>
        %swap3A_732 = arith.index_cast %add3A_648 : i32 to index
        %swap3A_733 = arith.constant 112 : index
        %swap3A_734 = tpu.vector_load %arg10[%swap3A_732, %swap3A_733] {strides = array<i32>} : memref<128x128xf32, #tpu.memory_space<vmem>>, vector<1x16xf32>,
        %swap3A_735 = vector.shape_cast %swap3A_734 : vector<1x16xf32> to vector<16xf32>
        %swap3A_736 = vector.shape_cast %mul3A_731 : vector<16xf32> to vector<1x16xf32>
        tpu.vector_store %arg10[%swap3A_732, %swap3A_733], %swap3A_736 {strides = array<i32>} : memref<128x128xf32, #tpu.memory_space<vmem>>, vector<1x16xf32>,
        %slice3A_737 = vector.extract_strided_slice %get3A_81 {offsets = [7], sizes = [1], strides = [1]} : vector<16xf32> to vector<1xf32>
        %squeeze3A_738 = vector.extract %slice3A_737[0] : f32 from vector<1xf32>
        %mul3A_739 = arith.constant 16 : i32
        %mul3A_740 = arith.muli %scan3A_77, %mul3A_739 : i32
        %add3A_741 = arith.constant 7 : i32
        %add3A_742 = arith.addi %mul3A_740, %add3A_741 : i32
        %get3A_743 = arith.index_cast %add3A_742 : i32 to index
        %get3A_744 = arith.constant 0 : index
        %get3A_745 = tpu.vector_load %arg10[%get3A_743, %get3A_744] {strides = array<i32>} : memref<128x128xf32, #tpu.memory_space<vmem>>, vector<1x16xf32>,
        %get3A_746 = vector.shape_cast %get3A_745 : vector<1x16xf32> to vector<16xf32>
        %mul3A_747 = vector.broadcast %squeeze3A_738 : f32 to vector<16xf32>
        %mul3A_748 = arith.mulf %get3A_746, %mul3A_747 : vector<16xf32>
        %swap3A_749 = arith.index_cast %add3A_742 : i32 to index
        %swap3A_750 = arith.constant 0 : index
        %swap3A_751 = tpu.vector_load %arg10[%swap3A_749, %swap3A_750] {strides = array<i32>} : memref<128x128xf32, #tpu.memory_space<vmem>>, vector<1x16xf32>,
        %swap3A_752 = vector.shape_cast %swap3A_751 : vector<1x16xf32> to vector<16xf32>
        %swap3A_753 = vector.shape_cast %mul3A_748 : vector<16xf32> to vector<1x16xf32>
        tpu.vector_store %arg10[%swap3A_749, %swap3A_750], %swap3A_753 {strides = array<i32>} : memref<128x128xf32, #tpu.memory_space<vmem>>, vector<1x16xf32>,
        %get3A_754 = arith.index_cast %add3A_742 : i32 to index
        %get3A_755 = arith.constant 16 : index
        %get3A_756 = tpu.vector_load %arg10[%get3A_754, %get3A_755] {strides = array<i32>} : memref<128x128xf32, #tpu.memory_space<vmem>>, vector<1x16xf32>,
        %get3A_757 = vector.shape_cast %get3A_756 : vector<1x16xf32> to vector<16xf32>
        %mul3A_758 = vector.broadcast %squeeze3A_738 : f32 to vector<16xf32>
        %mul3A_759 = arith.mulf %get3A_757, %mul3A_758 : vector<16xf32>
        %swap3A_760 = arith.index_cast %add3A_742 : i32 to index
        %swap3A_761 = arith.constant 16 : index
        %swap3A_762 = tpu.vector_load %arg10[%swap3A_760, %swap3A_761] {strides = array<i32>} : memref<128x128xf32, #tpu.memory_space<vmem>>, vector<1x16xf32>,
        %swap3A_763 = vector.shape_cast %swap3A_762 : vector<1x16xf32> to vector<16xf32>
        %swap3A_764 = vector.shape_cast %mul3A_759 : vector<16xf32> to vector<1x16xf32>
        tpu.vector_store %arg10[%swap3A_760, %swap3A_761], %swap3A_764 {strides = array<i32>} : memref<128x128xf32, #tpu.memory_space<vmem>>, vector<1x16xf32>,
        %get3A_765 = arith.index_cast %add3A_742 : i32 to index
        %get3A_766 = arith.constant 32 : index
        %get3A_767 = tpu.vector_load %arg10[%get3A_765, %get3A_766] {strides = array<i32>} : memref<128x128xf32, #tpu.memory_space<vmem>>, vector<1x16xf32>,
        %get3A_768 = vector.shape_cast %get3A_767 : vector<1x16xf32> to vector<16xf32>
        %mul3A_769 = vector.broadcast %squeeze3A_738 : f32 to vector<16xf32>
        %mul3A_770 = arith.mulf %get3A_768, %mul3A_769 : vector<16xf32>
        %swap3A_771 = arith.index_cast %add3A_742 : i32 to index
        %swap3A_772 = arith.constant 32 : index
        %swap3A_773 = tpu.vector_load %arg10[%swap3A_771, %swap3A_772] {strides = array<i32>} : memref<128x128xf32, #tpu.memory_space<vmem>>, vector<1x16xf32>,
        %swap3A_774 = vector.shape_cast %swap3A_773 : vector<1x16xf32> to vector<16xf32>
        %swap3A_775 = vector.shape_cast %mul3A_770 : vector<16xf32> to vector<1x16xf32>
        tpu.vector_store %arg10[%swap3A_771, %swap3A_772], %swap3A_775 {strides = array<i32>} : memref<128x128xf32, #tpu.memory_space<vmem>>, vector<1x16xf32>,
        %get3A_776 = arith.index_cast %add3A_742 : i32 to index
        %get3A_777 = arith.constant 48 : index
        %get3A_778 = tpu.vector_load %arg10[%get3A_776, %get3A_777] {strides = array<i32>} : memref<128x128xf32, #tpu.memory_space<vmem>>, vector<1x16xf32>,
        %get3A_779 = vector.shape_cast %get3A_778 : vector<1x16xf32> to vector<16xf32>
        %mul3A_780 = vector.broadcast %squeeze3A_738 : f32 to vector<16xf32>
        %mul3A_781 = arith.mulf %get3A_779, %mul3A_780 : vector<16xf32>
        %swap3A_782 = arith.index_cast %add3A_742 : i32 to index
        %swap3A_783 = arith.constant 48 : index
        %swap3A_784 = tpu.vector_load %arg10[%swap3A_782, %swap3A_783] {strides = array<i32>} : memref<128x128xf32, #tpu.memory_space<vmem>>, vector<1x16xf32>,
        %swap3A_785 = vector.shape_cast %swap3A_784 : vector<1x16xf32> to vector<16xf32>
        %swap3A_786 = vector.shape_cast %mul3A_781 : vector<16xf32> to vector<1x16xf32>
        tpu.vector_store %arg10[%swap3A_782, %swap3A_783], %swap3A_786 {strides = array<i32>} : memref<128x128xf32, #tpu.memory_space<vmem>>, vector<1x16xf32>,
        %get3A_787 = arith.index_cast %add3A_742 : i32 to index
        %get3A_788 = arith.constant 64 : index
        %get3A_789 = tpu.vector_load %arg10[%get3A_787, %get3A_788] {strides = array<i32>} : memref<128x128xf32, #tpu.memory_space<vmem>>, vector<1x16xf32>,
        %get3A_790 = vector.shape_cast %get3A_789 : vector<1x16xf32> to vector<16xf32>
        %mul3A_791 = vector.broadcast %squeeze3A_738 : f32 to vector<16xf32>
        %mul3A_792 = arith.mulf %get3A_790, %mul3A_791 : vector<16xf32>
        %swap3A_793 = arith.index_cast %add3A_742 : i32 to index
        %swap3A_794 = arith.constant 64 : index
        %swap3A_795 = tpu.vector_load %arg10[%swap3A_793, %swap3A_794] {strides = array<i32>} : memref<128x128xf32, #tpu.memory_space<vmem>>, vector<1x16xf32>,
        %swap3A_796 = vector.shape_cast %swap3A_795 : vector<1x16xf32> to vector<16xf32>
        %swap3A_797 = vector.shape_cast %mul3A_792 : vector<16xf32> to vector<1x16xf32>
        tpu.vector_store %arg10[%swap3A_793, %swap3A_794], %swap3A_797 {strides = array<i32>} : memref<128x128xf32, #tpu.memory_space<vmem>>, vector<1x16xf32>,
        %get3A_798 = arith.index_cast %add3A_742 : i32 to index
        %get3A_799 = arith.constant 80 : index
        %get3A_800 = tpu.vector_load %arg10[%get3A_798, %get3A_799] {strides = array<i32>} : memref<128x128xf32, #tpu.memory_space<vmem>>, vector<1x16xf32>,
        %get3A_801 = vector.shape_cast %get3A_800 : vector<1x16xf32> to vector<16xf32>
        %mul3A_802 = vector.broadcast %squeeze3A_738 : f32 to vector<16xf32>
        %mul3A_803 = arith.mulf %get3A_801, %mul3A_802 : vector<16xf32>
        %swap3A_804 = arith.index_cast %add3A_742 : i32 to index
        %swap3A_805 = arith.constant 80 : index
        %swap3A_806 = tpu.vector_load %arg10[%swap3A_804, %swap3A_805] {strides = array<i32>} : memref<128x128xf32, #tpu.memory_space<vmem>>, vector<1x16xf32>,
        %swap3A_807 = vector.shape_cast %swap3A_806 : vector<1x16xf32> to vector<16xf32>
        %swap3A_808 = vector.shape_cast %mul3A_803 : vector<16xf32> to vector<1x16xf32>
        tpu.vector_store %arg10[%swap3A_804, %swap3A_805], %swap3A_808 {strides = array<i32>} : memref<128x128xf32, #tpu.memory_space<vmem>>, vector<1x16xf32>,
        %get3A_809 = arith.index_cast %add3A_742 : i32 to index
        %get3A_810 = arith.constant 96 : index
        %get3A_811 = tpu.vector_load %arg10[%get3A_809, %get3A_810] {strides = array<i32>} : memref<128x128xf32, #tpu.memory_space<vmem>>, vector<1x16xf32>,
        %get3A_812 = vector.shape_cast %get3A_811 : vector<1x16xf32> to vector<16xf32>
        %mul3A_813 = vector.broadcast %squeeze3A_738 : f32 to vector<16xf32>
        %mul3A_814 = arith.mulf %get3A_812, %mul3A_813 : vector<16xf32>
        %swap3A_815 = arith.index_cast %add3A_742 : i32 to index
        %swap3A_816 = arith.constant 96 : index
        %swap3A_817 = tpu.vector_load %arg10[%swap3A_815, %swap3A_816] {strides = array<i32>} : memref<128x128xf32, #tpu.memory_space<vmem>>, vector<1x16xf32>,
        %swap3A_818 = vector.shape_cast %swap3A_817 : vector<1x16xf32> to vector<16xf32>
        %swap3A_819 = vector.shape_cast %mul3A_814 : vector<16xf32> to vector<1x16xf32>
        tpu.vector_store %arg10[%swap3A_815, %swap3A_816], %swap3A_819 {strides = array<i32>} : memref<128x128xf32, #tpu.memory_space<vmem>>, vector<1x16xf32>,
        %get3A_820 = arith.index_cast %add3A_742 : i32 to index
        %get3A_821 = arith.constant 112 : index
        %get3A_822 = tpu.vector_load %arg10[%get3A_820, %get3A_821] {strides = array<i32>} : memref<128x128xf32, #tpu.memory_space<vmem>>, vector<1x16xf32>,
        %get3A_823 = vector.shape_cast %get3A_822 : vector<1x16xf32> to vector<16xf32>
        %mul3A_824 = vector.broadcast %squeeze3A_738 : f32 to vector<16xf32>
        %mul3A_825 = arith.mulf %get3A_823, %mul3A_824 : vector<16xf32>
        %swap3A_826 = arith.index_cast %add3A_742 : i32 to index
        %swap3A_827 = arith.constant 112 : index
        %swap3A_828 = tpu.vector_load %arg10[%swap3A_826, %swap3A_827] {strides = array<i32>} : memref<128x128xf32, #tpu.memory_space<vmem>>, vector<1x16xf32>,
        %swap3A_829 = vector.shape_cast %swap3A_828 : vector<1x16xf32> to vector<16xf32>
        %swap3A_830 = vector.shape_cast %mul3A_825 : vector<16xf32> to vector<1x16xf32>
        tpu.vector_store %arg10[%swap3A_826, %swap3A_827], %swap3A_830 {strides = array<i32>} : memref<128x128xf32, #tpu.memory_space<vmem>>, vector<1x16xf32>,
        %slice3A_831 = vector.extract_strided_slice %get3A_81 {offsets = [8], sizes = [1], strides = [1]} : vector<16xf32> to vector<1xf32>
        %squeeze3A_832 = vector.extract %slice3A_831[0] : f32 from vector<1xf32>
        %mul3A_833 = arith.constant 16 : i32
        %mul3A_834 = arith.muli %scan3A_77, %mul3A_833 : i32
        %add3A_835 = arith.constant 8 : i32
        %add3A_836 = arith.addi %mul3A_834, %add3A_835 : i32
        %get3A_837 = arith.index_cast %add3A_836 : i32 to index
        %get3A_838 = arith.constant 0 : index
        %get3A_839 = tpu.vector_load %arg10[%get3A_837, %get3A_838] {strides = array<i32>} : memref<128x128xf32, #tpu.memory_space<vmem>>, vector<1x16xf32>,
        %get3A_840 = vector.shape_cast %get3A_839 : vector<1x16xf32> to vector<16xf32>
        %mul3A_841 = vector.broadcast %squeeze3A_832 : f32 to vector<16xf32>
        %mul3A_842 = arith.mulf %get3A_840, %mul3A_841 : vector<16xf32>
        %swap3A_843 = arith.index_cast %add3A_836 : i32 to index
        %swap3A_844 = arith.constant 0 : index
        %swap3A_845 = tpu.vector_load %arg10[%swap3A_843, %swap3A_844] {strides = array<i32>} : memref<128x128xf32, #tpu.memory_space<vmem>>, vector<1x16xf32>,
        %swap3A_846 = vector.shape_cast %swap3A_845 : vector<1x16xf32> to vector<16xf32>
        %swap3A_847 = vector.shape_cast %mul3A_842 : vector<16xf32> to vector<1x16xf32>
        tpu.vector_store %arg10[%swap3A_843, %swap3A_844], %swap3A_847 {strides = array<i32>} : memref<128x128xf32, #tpu.memory_space<vmem>>, vector<1x16xf32>,
        %get3A_848 = arith.index_cast %add3A_836 : i32 to index
        %get3A_849 = arith.constant 16 : index
        %get3A_850 = tpu.vector_load %arg10[%get3A_848, %get3A_849] {strides = array<i32>} : memref<128x128xf32, #tpu.memory_space<vmem>>, vector<1x16xf32>,
        %get3A_851 = vector.shape_cast %get3A_850 : vector<1x16xf32> to vector<16xf32>
        %mul3A_852 = vector.broadcast %squeeze3A_832 : f32 to vector<16xf32>
        %mul3A_853 = arith.mulf %get3A_851, %mul3A_852 : vector<16xf32>
        %swap3A_854 = arith.index_cast %add3A_836 : i32 to index
        %swap3A_855 = arith.constant 16 : index
        %swap3A_856 = tpu.vector_load %arg10[%swap3A_854, %swap3A_855] {strides = array<i32>} : memref<128x128xf32, #tpu.memory_space<vmem>>, vector<1x16xf32>,
        %swap3A_857 = vector.shape_cast %swap3A_856 : vector<1x16xf32> to vector<16xf32>
        %swap3A_858 = vector.shape_cast %mul3A_853 : vector<16xf32> to vector<1x16xf32>
        tpu.vector_store %arg10[%swap3A_854, %swap3A_855], %swap3A_858 {strides = array<i32>} : memref<128x128xf32, #tpu.memory_space<vmem>>, vector<1x16xf32>,
        %get3A_859 = arith.index_cast %add3A_836 : i32 to index
        %get3A_860 = arith.constant 32 : index
        %get3A_861 = tpu.vector_load %arg10[%get3A_859, %get3A_860] {strides = array<i32>} : memref<128x128xf32, #tpu.memory_space<vmem>>, vector<1x16xf32>,
        %get3A_862 = vector.shape_cast %get3A_861 : vector<1x16xf32> to vector<16xf32>
        %mul3A_863 = vector.broadcast %squeeze3A_832 : f32 to vector<16xf32>
        %mul3A_864 = arith.mulf %get3A_862, %mul3A_863 : vector<16xf32>
        %swap3A_865 = arith.index_cast %add3A_836 : i32 to index
        %swap3A_866 = arith.constant 32 : index
        %swap3A_867 = tpu.vector_load %arg10[%swap3A_865, %swap3A_866] {strides = array<i32>} : memref<128x128xf32, #tpu.memory_space<vmem>>, vector<1x16xf32>,
        %swap3A_868 = vector.shape_cast %swap3A_867 : vector<1x16xf32> to vector<16xf32>
        %swap3A_869 = vector.shape_cast %mul3A_864 : vector<16xf32> to vector<1x16xf32>
        tpu.vector_store %arg10[%swap3A_865, %swap3A_866], %swap3A_869 {strides = array<i32>} : memref<128x128xf32, #tpu.memory_space<vmem>>, vector<1x16xf32>,
        %get3A_870 = arith.index_cast %add3A_836 : i32 to index
        %get3A_871 = arith.constant 48 : index
        %get3A_872 = tpu.vector_load %arg10[%get3A_870, %get3A_871] {strides = array<i32>} : memref<128x128xf32, #tpu.memory_space<vmem>>, vector<1x16xf32>,
        %get3A_873 = vector.shape_cast %get3A_872 : vector<1x16xf32> to vector<16xf32>
        %mul3A_874 = vector.broadcast %squeeze3A_832 : f32 to vector<16xf32>
        %mul3A_875 = arith.mulf %get3A_873, %mul3A_874 : vector<16xf32>
        %swap3A_876 = arith.index_cast %add3A_836 : i32 to index
        %swap3A_877 = arith.constant 48 : index
        %swap3A_878 = tpu.vector_load %arg10[%swap3A_876, %swap3A_877] {strides = array<i32>} : memref<128x128xf32, #tpu.memory_space<vmem>>, vector<1x16xf32>,
        %swap3A_879 = vector.shape_cast %swap3A_878 : vector<1x16xf32> to vector<16xf32>
        %swap3A_880 = vector.shape_cast %mul3A_875 : vector<16xf32> to vector<1x16xf32>
        tpu.vector_store %arg10[%swap3A_876, %swap3A_877], %swap3A_880 {strides = array<i32>} : memref<128x128xf32, #tpu.memory_space<vmem>>, vector<1x16xf32>,
        %get3A_881 = arith.index_cast %add3A_836 : i32 to index
        %get3A_882 = arith.constant 64 : index
        %get3A_883 = tpu.vector_load %arg10[%get3A_881, %get3A_882] {strides = array<i32>} : memref<128x128xf32, #tpu.memory_space<vmem>>, vector<1x16xf32>,
        %get3A_884 = vector.shape_cast %get3A_883 : vector<1x16xf32> to vector<16xf32>
        %mul3A_885 = vector.broadcast %squeeze3A_832 : f32 to vector<16xf32>
        %mul3A_886 = arith.mulf %get3A_884, %mul3A_885 : vector<16xf32>
        %swap3A_887 = arith.index_cast %add3A_836 : i32 to index
        %swap3A_888 = arith.constant 64 : index
        %swap3A_889 = tpu.vector_load %arg10[%swap3A_887, %swap3A_888] {strides = array<i32>} : memref<128x128xf32, #tpu.memory_space<vmem>>, vector<1x16xf32>,
        %swap3A_890 = vector.shape_cast %swap3A_889 : vector<1x16xf32> to vector<16xf32>
        %swap3A_891 = vector.shape_cast %mul3A_886 : vector<16xf32> to vector<1x16xf32>
        tpu.vector_store %arg10[%swap3A_887, %swap3A_888], %swap3A_891 {strides = array<i32>} : memref<128x128xf32, #tpu.memory_space<vmem>>, vector<1x16xf32>,
        %get3A_892 = arith.index_cast %add3A_836 : i32 to index
        %get3A_893 = arith.constant 80 : index
        %get3A_894 = tpu.vector_load %arg10[%get3A_892, %get3A_893] {strides = array<i32>} : memref<128x128xf32, #tpu.memory_space<vmem>>, vector<1x16xf32>,
        %get3A_895 = vector.shape_cast %get3A_894 : vector<1x16xf32> to vector<16xf32>
        %mul3A_896 = vector.broadcast %squeeze3A_832 : f32 to vector<16xf32>
        %mul3A_897 = arith.mulf %get3A_895, %mul3A_896 : vector<16xf32>
        %swap3A_898 = arith.index_cast %add3A_836 : i32 to index
        %swap3A_899 = arith.constant 80 : index
        %swap3A_900 = tpu.vector_load %arg10[%swap3A_898, %swap3A_899] {strides = array<i32>} : memref<128x128xf32, #tpu.memory_space<vmem>>, vector<1x16xf32>,
        %swap3A_901 = vector.shape_cast %swap3A_900 : vector<1x16xf32> to vector<16xf32>
        %swap3A_902 = vector.shape_cast %mul3A_897 : vector<16xf32> to vector<1x16xf32>
        tpu.vector_store %arg10[%swap3A_898, %swap3A_899], %swap3A_902 {strides = array<i32>} : memref<128x128xf32, #tpu.memory_space<vmem>>, vector<1x16xf32>,
        %get3A_903 = arith.index_cast %add3A_836 : i32 to index
        %get3A_904 = arith.constant 96 : index
        %get3A_905 = tpu.vector_load %arg10[%get3A_903, %get3A_904] {strides = array<i32>} : memref<128x128xf32, #tpu.memory_space<vmem>>, vector<1x16xf32>,
        %get3A_906 = vector.shape_cast %get3A_905 : vector<1x16xf32> to vector<16xf32>
        %mul3A_907 = vector.broadcast %squeeze3A_832 : f32 to vector<16xf32>
        %mul3A_908 = arith.mulf %get3A_906, %mul3A_907 : vector<16xf32>
        %swap3A_909 = arith.index_cast %add3A_836 : i32 to index
        %swap3A_910 = arith.constant 96 : index
        %swap3A_911 = tpu.vector_load %arg10[%swap3A_909, %swap3A_910] {strides = array<i32>} : memref<128x128xf32, #tpu.memory_space<vmem>>, vector<1x16xf32>,
        %swap3A_912 = vector.shape_cast %swap3A_911 : vector<1x16xf32> to vector<16xf32>
        %swap3A_913 = vector.shape_cast %mul3A_908 : vector<16xf32> to vector<1x16xf32>
        tpu.vector_store %arg10[%swap3A_909, %swap3A_910], %swap3A_913 {strides = array<i32>} : memref<128x128xf32, #tpu.memory_space<vmem>>, vector<1x16xf32>,
        %get3A_914 = arith.index_cast %add3A_836 : i32 to index
        %get3A_915 = arith.constant 112 : index
        %get3A_916 = tpu.vector_load %arg10[%get3A_914, %get3A_915] {strides = array<i32>} : memref<128x128xf32, #tpu.memory_space<vmem>>, vector<1x16xf32>,
        %get3A_917 = vector.shape_cast %get3A_916 : vector<1x16xf32> to vector<16xf32>
        %mul3A_918 = vector.broadcast %squeeze3A_832 : f32 to vector<16xf32>
        %mul3A_919 = arith.mulf %get3A_917, %mul3A_918 : vector<16xf32>
        %swap3A_920 = arith.index_cast %add3A_836 : i32 to index
        %swap3A_921 = arith.constant 112 : index
        %swap3A_922 = tpu.vector_load %arg10[%swap3A_920, %swap3A_921] {strides = array<i32>} : memref<128x128xf32, #tpu.memory_space<vmem>>, vector<1x16xf32>,
        %swap3A_923 = vector.shape_cast %swap3A_922 : vector<1x16xf32> to vector<16xf32>
        %swap3A_924 = vector.shape_cast %mul3A_919 : vector<16xf32> to vector<1x16xf32>
        tpu.vector_store %arg10[%swap3A_920, %swap3A_921], %swap3A_924 {strides = array<i32>} : memref<128x128xf32, #tpu.memory_space<vmem>>, vector<1x16xf32>,
        %slice3A_925 = vector.extract_strided_slice %get3A_81 {offsets = [9], sizes = [1], strides = [1]} : vector<16xf32> to vector<1xf32>
        %squeeze3A_926 = vector.extract %slice3A_925[0] : f32 from vector<1xf32>
        %mul3A_927 = arith.constant 16 : i32
        %mul3A_928 = arith.muli %scan3A_77, %mul3A_927 : i32
        %add3A_929 = arith.constant 9 : i32
        %add3A_930 = arith.addi %mul3A_928, %add3A_929 : i32
        %get3A_931 = arith.index_cast %add3A_930 : i32 to index
        %get3A_932 = arith.constant 0 : index
        %get3A_933 = tpu.vector_load %arg10[%get3A_931, %get3A_932] {strides = array<i32>} : memref<128x128xf32, #tpu.memory_space<vmem>>, vector<1x16xf32>,
        %get3A_934 = vector.shape_cast %get3A_933 : vector<1x16xf32> to vector<16xf32>
        %mul3A_935 = vector.broadcast %squeeze3A_926 : f32 to vector<16xf32>
        %mul3A_936 = arith.mulf %get3A_934, %mul3A_935 : vector<16xf32>
        %swap3A_937 = arith.index_cast %add3A_930 : i32 to index
        %swap3A_938 = arith.constant 0 : index
        %swap3A_939 = tpu.vector_load %arg10[%swap3A_937, %swap3A_938] {strides = array<i32>} : memref<128x128xf32, #tpu.memory_space<vmem>>, vector<1x16xf32>,
        %swap3A_940 = vector.shape_cast %swap3A_939 : vector<1x16xf32> to vector<16xf32>
        %swap3A_941 = vector.shape_cast %mul3A_936 : vector<16xf32> to vector<1x16xf32>
        tpu.vector_store %arg10[%swap3A_937, %swap3A_938], %swap3A_941 {strides = array<i32>} : memref<128x128xf32, #tpu.memory_space<vmem>>, vector<1x16xf32>,
        %get3A_942 = arith.index_cast %add3A_930 : i32 to index
        %get3A_943 = arith.constant 16 : index
        %get3A_944 = tpu.vector_load %arg10[%get3A_942, %get3A_943] {strides = array<i32>} : memref<128x128xf32, #tpu.memory_space<vmem>>, vector<1x16xf32>,
        %get3A_945 = vector.shape_cast %get3A_944 : vector<1x16xf32> to vector<16xf32>
        %mul3A_946 = vector.broadcast %squeeze3A_926 : f32 to vector<16xf32>
        %mul3A_947 = arith.mulf %get3A_945, %mul3A_946 : vector<16xf32>
        %swap3A_948 = arith.index_cast %add3A_930 : i32 to index
        %swap3A_949 = arith.constant 16 : index
        %swap3A_950 = tpu.vector_load %arg10[%swap3A_948, %swap3A_949] {strides = array<i32>} : memref<128x128xf32, #tpu.memory_space<vmem>>, vector<1x16xf32>,
        %swap3A_951 = vector.shape_cast %swap3A_950 : vector<1x16xf32> to vector<16xf32>
        %swap3A_952 = vector.shape_cast %mul3A_947 : vector<16xf32> to vector<1x16xf32>
        tpu.vector_store %arg10[%swap3A_948, %swap3A_949], %swap3A_952 {strides = array<i32>} : memref<128x128xf32, #tpu.memory_space<vmem>>, vector<1x16xf32>,
        %get3A_953 = arith.index_cast %add3A_930 : i32 to index
        %get3A_954 = arith.constant 32 : index
        %get3A_955 = tpu.vector_load %arg10[%get3A_953, %get3A_954] {strides = array<i32>} : memref<128x128xf32, #tpu.memory_space<vmem>>, vector<1x16xf32>,
        %get3A_956 = vector.shape_cast %get3A_955 : vector<1x16xf32> to vector<16xf32>
        %mul3A_957 = vector.broadcast %squeeze3A_926 : f32 to vector<16xf32>
        %mul3A_958 = arith.mulf %get3A_956, %mul3A_957 : vector<16xf32>
        %swap3A_959 = arith.index_cast %add3A_930 : i32 to index
        %swap3A_960 = arith.constant 32 : index
        %swap3A_961 = tpu.vector_load %arg10[%swap3A_959, %swap3A_960] {strides = array<i32>} : memref<128x128xf32, #tpu.memory_space<vmem>>, vector<1x16xf32>,
        %swap3A_962 = vector.shape_cast %swap3A_961 : vector<1x16xf32> to vector<16xf32>
        %swap3A_963 = vector.shape_cast %mul3A_958 : vector<16xf32> to vector<1x16xf32>
        tpu.vector_store %arg10[%swap3A_959, %swap3A_960], %swap3A_963 {strides = array<i32>} : memref<128x128xf32, #tpu.memory_space<vmem>>, vector<1x16xf32>,
        %get3A_964 = arith.index_cast %add3A_930 : i32 to index
        %get3A_965 = arith.constant 48 : index
        %get3A_966 = tpu.vector_load %arg10[%get3A_964, %get3A_965] {strides = array<i32>} : memref<128x128xf32, #tpu.memory_space<vmem>>, vector<1x16xf32>,
        %get3A_967 = vector.shape_cast %get3A_966 : vector<1x16xf32> to vector<16xf32>
        %mul3A_968 = vector.broadcast %squeeze3A_926 : f32 to vector<16xf32>
        %mul3A_969 = arith.mulf %get3A_967, %mul3A_968 : vector<16xf32>
        %swap3A_970 = arith.index_cast %add3A_930 : i32 to index
        %swap3A_971 = arith.constant 48 : index
        %swap3A_972 = tpu.vector_load %arg10[%swap3A_970, %swap3A_971] {strides = array<i32>} : memref<128x128xf32, #tpu.memory_space<vmem>>, vector<1x16xf32>,
        %swap3A_973 = vector.shape_cast %swap3A_972 : vector<1x16xf32> to vector<16xf32>
        %swap3A_974 = vector.shape_cast %mul3A_969 : vector<16xf32> to vector<1x16xf32>
        tpu.vector_store %arg10[%swap3A_970, %swap3A_971], %swap3A_974 {strides = array<i32>} : memref<128x128xf32, #tpu.memory_space<vmem>>, vector<1x16xf32>,
        %get3A_975 = arith.index_cast %add3A_930 : i32 to index
        %get3A_976 = arith.constant 64 : index
        %get3A_977 = tpu.vector_load %arg10[%get3A_975, %get3A_976] {strides = array<i32>} : memref<128x128xf32, #tpu.memory_space<vmem>>, vector<1x16xf32>,
        %get3A_978 = vector.shape_cast %get3A_977 : vector<1x16xf32> to vector<16xf32>
        %mul3A_979 = vector.broadcast %squeeze3A_926 : f32 to vector<16xf32>
        %mul3A_980 = arith.mulf %get3A_978, %mul3A_979 : vector<16xf32>
        %swap3A_981 = arith.index_cast %add3A_930 : i32 to index
        %swap3A_982 = arith.constant 64 : index
        %swap3A_983 = tpu.vector_load %arg10[%swap3A_981, %swap3A_982] {strides = array<i32>} : memref<128x128xf32, #tpu.memory_space<vmem>>, vector<1x16xf32>,
        %swap3A_984 = vector.shape_cast %swap3A_983 : vector<1x16xf32> to vector<16xf32>
        %swap3A_985 = vector.shape_cast %mul3A_980 : vector<16xf32> to vector<1x16xf32>
        tpu.vector_store %arg10[%swap3A_981, %swap3A_982], %swap3A_985 {strides = array<i32>} : memref<128x128xf32, #tpu.memory_space<vmem>>, vector<1x16xf32>,
        %get3A_986 = arith.index_cast %add3A_930 : i32 to index
        %get3A_987 = arith.constant 80 : index
        %get3A_988 = tpu.vector_load %arg10[%get3A_986, %get3A_987] {strides = array<i32>} : memref<128x128xf32, #tpu.memory_space<vmem>>, vector<1x16xf32>,
        %get3A_989 = vector.shape_cast %get3A_988 : vector<1x16xf32> to vector<16xf32>
        %mul3A_990 = vector.broadcast %squeeze3A_926 : f32 to vector<16xf32>
        %mul3A_991 = arith.mulf %get3A_989, %mul3A_990 : vector<16xf32>
        %swap3A_992 = arith.index_cast %add3A_930 : i32 to index
        %swap3A_993 = arith.constant 80 : index
        %swap3A_994 = tpu.vector_load %arg10[%swap3A_992, %swap3A_993] {strides = array<i32>} : memref<128x128xf32, #tpu.memory_space<vmem>>, vector<1x16xf32>,
        %swap3A_995 = vector.shape_cast %swap3A_994 : vector<1x16xf32> to vector<16xf32>
        %swap3A_996 = vector.shape_cast %mul3A_991 : vector<16xf32> to vector<1x16xf32>
        tpu.vector_store %arg10[%swap3A_992, %swap3A_993], %swap3A_996 {strides = array<i32>} : memref<128x128xf32, #tpu.memory_space<vmem>>, vector<1x16xf32>,
        %get3A_997 = arith.index_cast %add3A_930 : i32 to index
        %get3A_998 = arith.constant 96 : index
        %get3A_999 = tpu.vector_load %arg10[%get3A_997, %get3A_998] {strides = array<i32>} : memref<128x128xf32, #tpu.memory_space<vmem>>, vector<1x16xf32>,
        %get3A_1000 = vector.shape_cast %get3A_999 : vector<1x16xf32> to vector<16xf32>
        %mul3A_1001 = vector.broadcast %squeeze3A_926 : f32 to vector<16xf32>
        %mul3A_1002 = arith.mulf %get3A_1000, %mul3A_1001 : vector<16xf32>
        %swap3A_1003 = arith.index_cast %add3A_930 : i32 to index
        %swap3A_1004 = arith.constant 96 : index
        %swap3A_1005 = tpu.vector_load %arg10[%swap3A_1003, %swap3A_1004] {strides = array<i32>} : memref<128x128xf32, #tpu.memory_space<vmem>>, vector<1x16xf32>,
        %swap3A_1006 = vector.shape_cast %swap3A_1005 : vector<1x16xf32> to vector<16xf32>
        %swap3A_1007 = vector.shape_cast %mul3A_1002 : vector<16xf32> to vector<1x16xf32>
        tpu.vector_store %arg10[%swap3A_1003, %swap3A_1004], %swap3A_1007 {strides = array<i32>} : memref<128x128xf32, #tpu.memory_space<vmem>>, vector<1x16xf32>,
        %get3A_1008 = arith.index_cast %add3A_930 : i32 to index
        %get3A_1009 = arith.constant 112 : index
        %get3A_1010 = tpu.vector_load %arg10[%get3A_1008, %get3A_1009] {strides = array<i32>} : memref<128x128xf32, #tpu.memory_space<vmem>>, vector<1x16xf32>,
        %get3A_1011 = vector.shape_cast %get3A_1010 : vector<1x16xf32> to vector<16xf32>
        %mul3A_1012 = vector.broadcast %squeeze3A_926 : f32 to vector<16xf32>
        %mul3A_1013 = arith.mulf %get3A_1011, %mul3A_1012 : vector<16xf32>
        %swap3A_1014 = arith.index_cast %add3A_930 : i32 to index
        %swap3A_1015 = arith.constant 112 : index
        %swap3A_1016 = tpu.vector_load %arg10[%swap3A_1014, %swap3A_1015] {strides = array<i32>} : memref<128x128xf32, #tpu.memory_space<vmem>>, vector<1x16xf32>,
        %swap3A_1017 = vector.shape_cast %swap3A_1016 : vector<1x16xf32> to vector<16xf32>
        %swap3A_1018 = vector.shape_cast %mul3A_1013 : vector<16xf32> to vector<1x16xf32>
        tpu.vector_store %arg10[%swap3A_1014, %swap3A_1015], %swap3A_1018 {strides = array<i32>} : memref<128x128xf32, #tpu.memory_space<vmem>>, vector<1x16xf32>,
        %slice3A_1019 = vector.extract_strided_slice %get3A_81 {offsets = [10], sizes = [1], strides = [1]} : vector<16xf32> to vector<1xf32>
        %squeeze3A_1020 = vector.extract %slice3A_1019[0] : f32 from vector<1xf32>
        %mul3A_1021 = arith.constant 16 : i32
        %mul3A_1022 = arith.muli %scan3A_77, %mul3A_1021 : i32
        %add3A_1023 = arith.constant 10 : i32
        %add3A_1024 = arith.addi %mul3A_1022, %add3A_1023 : i32
        %get3A_1025 = arith.index_cast %add3A_1024 : i32 to index
        %get3A_1026 = arith.constant 0 : index
        %get3A_1027 = tpu.vector_load %arg10[%get3A_1025, %get3A_1026] {strides = array<i32>} : memref<128x128xf32, #tpu.memory_space<vmem>>, vector<1x16xf32>,
        %get3A_1028 = vector.shape_cast %get3A_1027 : vector<1x16xf32> to vector<16xf32>
        %mul3A_1029 = vector.broadcast %squeeze3A_1020 : f32 to vector<16xf32>
        %mul3A_1030 = arith.mulf %get3A_1028, %mul3A_1029 : vector<16xf32>
        %swap3A_1031 = arith.index_cast %add3A_1024 : i32 to index
        %swap3A_1032 = arith.constant 0 : index
        %swap3A_1033 = tpu.vector_load %arg10[%swap3A_1031, %swap3A_1032] {strides = array<i32>} : memref<128x128xf32, #tpu.memory_space<vmem>>, vector<1x16xf32>,
        %swap3A_1034 = vector.shape_cast %swap3A_1033 : vector<1x16xf32> to vector<16xf32>
        %swap3A_1035 = vector.shape_cast %mul3A_1030 : vector<16xf32> to vector<1x16xf32>
        tpu.vector_store %arg10[%swap3A_1031, %swap3A_1032], %swap3A_1035 {strides = array<i32>} : memref<128x128xf32, #tpu.memory_space<vmem>>, vector<1x16xf32>,
        %get3A_1036 = arith.index_cast %add3A_1024 : i32 to index
        %get3A_1037 = arith.constant 16 : index
        %get3A_1038 = tpu.vector_load %arg10[%get3A_1036, %get3A_1037] {strides = array<i32>} : memref<128x128xf32, #tpu.memory_space<vmem>>, vector<1x16xf32>,
        %get3A_1039 = vector.shape_cast %get3A_1038 : vector<1x16xf32> to vector<16xf32>
        %mul3A_1040 = vector.broadcast %squeeze3A_1020 : f32 to vector<16xf32>
        %mul3A_1041 = arith.mulf %get3A_1039, %mul3A_1040 : vector<16xf32>
        %swap3A_1042 = arith.index_cast %add3A_1024 : i32 to index
        %swap3A_1043 = arith.constant 16 : index
        %swap3A_1044 = tpu.vector_load %arg10[%swap3A_1042, %swap3A_1043] {strides = array<i32>} : memref<128x128xf32, #tpu.memory_space<vmem>>, vector<1x16xf32>,
        %swap3A_1045 = vector.shape_cast %swap3A_1044 : vector<1x16xf32> to vector<16xf32>
        %swap3A_1046 = vector.shape_cast %mul3A_1041 : vector<16xf32> to vector<1x16xf32>
        tpu.vector_store %arg10[%swap3A_1042, %swap3A_1043], %swap3A_1046 {strides = array<i32>} : memref<128x128xf32, #tpu.memory_space<vmem>>, vector<1x16xf32>,
        %get3A_1047 = arith.index_cast %add3A_1024 : i32 to index
        %get3A_1048 = arith.constant 32 : index
        %get3A_1049 = tpu.vector_load %arg10[%get3A_1047, %get3A_1048] {strides = array<i32>} : memref<128x128xf32, #tpu.memory_space<vmem>>, vector<1x16xf32>,
        %get3A_1050 = vector.shape_cast %get3A_1049 : vector<1x16xf32> to vector<16xf32>
        %mul3A_1051 = vector.broadcast %squeeze3A_1020 : f32 to vector<16xf32>
        %mul3A_1052 = arith.mulf %get3A_1050, %mul3A_1051 : vector<16xf32>
        %swap3A_1053 = arith.index_cast %add3A_1024 : i32 to index
        %swap3A_1054 = arith.constant 32 : index
        %swap3A_1055 = tpu.vector_load %arg10[%swap3A_1053, %swap3A_1054] {strides = array<i32>} : memref<128x128xf32, #tpu.memory_space<vmem>>, vector<1x16xf32>,
        %swap3A_1056 = vector.shape_cast %swap3A_1055 : vector<1x16xf32> to vector<16xf32>
        %swap3A_1057 = vector.shape_cast %mul3A_1052 : vector<16xf32> to vector<1x16xf32>
        tpu.vector_store %arg10[%swap3A_1053, %swap3A_1054], %swap3A_1057 {strides = array<i32>} : memref<128x128xf32, #tpu.memory_space<vmem>>, vector<1x16xf32>,
        %get3A_1058 = arith.index_cast %add3A_1024 : i32 to index
        %get3A_1059 = arith.constant 48 : index
        %get3A_1060 = tpu.vector_load %arg10[%get3A_1058, %get3A_1059] {strides = array<i32>} : memref<128x128xf32, #tpu.memory_space<vmem>>, vector<1x16xf32>,
        %get3A_1061 = vector.shape_cast %get3A_1060 : vector<1x16xf32> to vector<16xf32>
        %mul3A_1062 = vector.broadcast %squeeze3A_1020 : f32 to vector<16xf32>
        %mul3A_1063 = arith.mulf %get3A_1061, %mul3A_1062 : vector<16xf32>
        %swap3A_1064 = arith.index_cast %add3A_1024 : i32 to index
        %swap3A_1065 = arith.constant 48 : index
        %swap3A_1066 = tpu.vector_load %arg10[%swap3A_1064, %swap3A_1065] {strides = array<i32>} : memref<128x128xf32, #tpu.memory_space<vmem>>, vector<1x16xf32>,
        %swap3A_1067 = vector.shape_cast %swap3A_1066 : vector<1x16xf32> to vector<16xf32>
        %swap3A_1068 = vector.shape_cast %mul3A_1063 : vector<16xf32> to vector<1x16xf32>
        tpu.vector_store %arg10[%swap3A_1064, %swap3A_1065], %swap3A_1068 {strides = array<i32>} : memref<128x128xf32, #tpu.memory_space<vmem>>, vector<1x16xf32>,
        %get3A_1069 = arith.index_cast %add3A_1024 : i32 to index
        %get3A_1070 = arith.constant 64 : index
        %get3A_1071 = tpu.vector_load %arg10[%get3A_1069, %get3A_1070] {strides = array<i32>} : memref<128x128xf32, #tpu.memory_space<vmem>>, vector<1x16xf32>,
        %get3A_1072 = vector.shape_cast %get3A_1071 : vector<1x16xf32> to vector<16xf32>
        %mul3A_1073 = vector.broadcast %squeeze3A_1020 : f32 to vector<16xf32>
        %mul3A_1074 = arith.mulf %get3A_1072, %mul3A_1073 : vector<16xf32>
        %swap3A_1075 = arith.index_cast %add3A_1024 : i32 to index
        %swap3A_1076 = arith.constant 64 : index
        %swap3A_1077 = tpu.vector_load %arg10[%swap3A_1075, %swap3A_1076] {strides = array<i32>} : memref<128x128xf32, #tpu.memory_space<vmem>>, vector<1x16xf32>,
        %swap3A_1078 = vector.shape_cast %swap3A_1077 : vector<1x16xf32> to vector<16xf32>
        %swap3A_1079 = vector.shape_cast %mul3A_1074 : vector<16xf32> to vector<1x16xf32>
        tpu.vector_store %arg10[%swap3A_1075, %swap3A_1076], %swap3A_1079 {strides = array<i32>} : memref<128x128xf32, #tpu.memory_space<vmem>>, vector<1x16xf32>,
        %get3A_1080 = arith.index_cast %add3A_1024 : i32 to index
        %get3A_1081 = arith.constant 80 : index
        %get3A_1082 = tpu.vector_load %arg10[%get3A_1080, %get3A_1081] {strides = array<i32>} : memref<128x128xf32, #tpu.memory_space<vmem>>, vector<1x16xf32>,
        %get3A_1083 = vector.shape_cast %get3A_1082 : vector<1x16xf32> to vector<16xf32>
        %mul3A_1084 = vector.broadcast %squeeze3A_1020 : f32 to vector<16xf32>
        %mul3A_1085 = arith.mulf %get3A_1083, %mul3A_1084 : vector<16xf32>
        %swap3A_1086 = arith.index_cast %add3A_1024 : i32 to index
        %swap3A_1087 = arith.constant 80 : index
        %swap3A_1088 = tpu.vector_load %arg10[%swap3A_1086, %swap3A_1087] {strides = array<i32>} : memref<128x128xf32, #tpu.memory_space<vmem>>, vector<1x16xf32>,
        %swap3A_1089 = vector.shape_cast %swap3A_1088 : vector<1x16xf32> to vector<16xf32>
        %swap3A_1090 = vector.shape_cast %mul3A_1085 : vector<16xf32> to vector<1x16xf32>
        tpu.vector_store %arg10[%swap3A_1086, %swap3A_1087], %swap3A_1090 {strides = array<i32>} : memref<128x128xf32, #tpu.memory_space<vmem>>, vector<1x16xf32>,
        %get3A_1091 = arith.index_cast %add3A_1024 : i32 to index
        %get3A_1092 = arith.constant 96 : index
        %get3A_1093 = tpu.vector_load %arg10[%get3A_1091, %get3A_1092] {strides = array<i32>} : memref<128x128xf32, #tpu.memory_space<vmem>>, vector<1x16xf32>,
        %get3A_1094 = vector.shape_cast %get3A_1093 : vector<1x16xf32> to vector<16xf32>
        %mul3A_1095 = vector.broadcast %squeeze3A_1020 : f32 to vector<16xf32>
        %mul3A_1096 = arith.mulf %get3A_1094, %mul3A_1095 : vector<16xf32>
        %swap3A_1097 = arith.index_cast %add3A_1024 : i32 to index
        %swap3A_1098 = arith.constant 96 : index
        %swap3A_1099 = tpu.vector_load %arg10[%swap3A_1097, %swap3A_1098] {strides = array<i32>} : memref<128x128xf32, #tpu.memory_space<vmem>>, vector<1x16xf32>,
        %swap3A_1100 = vector.shape_cast %swap3A_1099 : vector<1x16xf32> to vector<16xf32>
        %swap3A_1101 = vector.shape_cast %mul3A_1096 : vector<16xf32> to vector<1x16xf32>
        tpu.vector_store %arg10[%swap3A_1097, %swap3A_1098], %swap3A_1101 {strides = array<i32>} : memref<128x128xf32, #tpu.memory_space<vmem>>, vector<1x16xf32>,
        %get3A_1102 = arith.index_cast %add3A_1024 : i32 to index
        %get3A_1103 = arith.constant 112 : index
        %get3A_1104 = tpu.vector_load %arg10[%get3A_1102, %get3A_1103] {strides = array<i32>} : memref<128x128xf32, #tpu.memory_space<vmem>>, vector<1x16xf32>,
        %get3A_1105 = vector.shape_cast %get3A_1104 : vector<1x16xf32> to vector<16xf32>
        %mul3A_1106 = vector.broadcast %squeeze3A_1020 : f32 to vector<16xf32>
        %mul3A_1107 = arith.mulf %get3A_1105, %mul3A_1106 : vector<16xf32>
        %swap3A_1108 = arith.index_cast %add3A_1024 : i32 to index
        %swap3A_1109 = arith.constant 112 : index
        %swap3A_1110 = tpu.vector_load %arg10[%swap3A_1108, %swap3A_1109] {strides = array<i32>} : memref<128x128xf32, #tpu.memory_space<vmem>>, vector<1x16xf32>,
        %swap3A_1111 = vector.shape_cast %swap3A_1110 : vector<1x16xf32> to vector<16xf32>
        %swap3A_1112 = vector.shape_cast %mul3A_1107 : vector<16xf32> to vector<1x16xf32>
        tpu.vector_store %arg10[%swap3A_1108, %swap3A_1109], %swap3A_1112 {strides = array<i32>} : memref<128x128xf32, #tpu.memory_space<vmem>>, vector<1x16xf32>,
        %slice3A_1113 = vector.extract_strided_slice %get3A_81 {offsets = [11], sizes = [1], strides = [1]} : vector<16xf32> to vector<1xf32>
        %squeeze3A_1114 = vector.extract %slice3A_1113[0] : f32 from vector<1xf32>
        %mul3A_1115 = arith.constant 16 : i32
        %mul3A_1116 = arith.muli %scan3A_77, %mul3A_1115 : i32
        %add3A_1117 = arith.constant 11 : i32
        %add3A_1118 = arith.addi %mul3A_1116, %add3A_1117 : i32
        %get3A_1119 = arith.index_cast %add3A_1118 : i32 to index
        %get3A_1120 = arith.constant 0 : index
        %get3A_1121 = tpu.vector_load %arg10[%get3A_1119, %get3A_1120] {strides = array<i32>} : memref<128x128xf32, #tpu.memory_space<vmem>>, vector<1x16xf32>,
        %get3A_1122 = vector.shape_cast %get3A_1121 : vector<1x16xf32> to vector<16xf32>
        %mul3A_1123 = vector.broadcast %squeeze3A_1114 : f32 to vector<16xf32>
        %mul3A_1124 = arith.mulf %get3A_1122, %mul3A_1123 : vector<16xf32>
        %swap3A_1125 = arith.index_cast %add3A_1118 : i32 to index
        %swap3A_1126 = arith.constant 0 : index
        %swap3A_1127 = tpu.vector_load %arg10[%swap3A_1125, %swap3A_1126] {strides = array<i32>} : memref<128x128xf32, #tpu.memory_space<vmem>>, vector<1x16xf32>,
        %swap3A_1128 = vector.shape_cast %swap3A_1127 : vector<1x16xf32> to vector<16xf32>
        %swap3A_1129 = vector.shape_cast %mul3A_1124 : vector<16xf32> to vector<1x16xf32>
        tpu.vector_store %arg10[%swap3A_1125, %swap3A_1126], %swap3A_1129 {strides = array<i32>} : memref<128x128xf32, #tpu.memory_space<vmem>>, vector<1x16xf32>,
        %get3A_1130 = arith.index_cast %add3A_1118 : i32 to index
        %get3A_1131 = arith.constant 16 : index
        %get3A_1132 = tpu.vector_load %arg10[%get3A_1130, %get3A_1131] {strides = array<i32>} : memref<128x128xf32, #tpu.memory_space<vmem>>, vector<1x16xf32>,
        %get3A_1133 = vector.shape_cast %get3A_1132 : vector<1x16xf32> to vector<16xf32>
        %mul3A_1134 = vector.broadcast %squeeze3A_1114 : f32 to vector<16xf32>
        %mul3A_1135 = arith.mulf %get3A_1133, %mul3A_1134 : vector<16xf32>
        %swap3A_1136 = arith.index_cast %add3A_1118 : i32 to index
        %swap3A_1137 = arith.constant 16 : index
        %swap3A_1138 = tpu.vector_load %arg10[%swap3A_1136, %swap3A_1137] {strides = array<i32>} : memref<128x128xf32, #tpu.memory_space<vmem>>, vector<1x16xf32>,
        %swap3A_1139 = vector.shape_cast %swap3A_1138 : vector<1x16xf32> to vector<16xf32>
        %swap3A_1140 = vector.shape_cast %mul3A_1135 : vector<16xf32> to vector<1x16xf32>
        tpu.vector_store %arg10[%swap3A_1136, %swap3A_1137], %swap3A_1140 {strides = array<i32>} : memref<128x128xf32, #tpu.memory_space<vmem>>, vector<1x16xf32>,
        %get3A_1141 = arith.index_cast %add3A_1118 : i32 to index
        %get3A_1142 = arith.constant 32 : index
        %get3A_1143 = tpu.vector_load %arg10[%get3A_1141, %get3A_1142] {strides = array<i32>} : memref<128x128xf32, #tpu.memory_space<vmem>>, vector<1x16xf32>,
        %get3A_1144 = vector.shape_cast %get3A_1143 : vector<1x16xf32> to vector<16xf32>
        %mul3A_1145 = vector.broadcast %squeeze3A_1114 : f32 to vector<16xf32>
        %mul3A_1146 = arith.mulf %get3A_1144, %mul3A_1145 : vector<16xf32>
        %swap3A_1147 = arith.index_cast %add3A_1118 : i32 to index
        %swap3A_1148 = arith.constant 32 : index
        %swap3A_1149 = tpu.vector_load %arg10[%swap3A_1147, %swap3A_1148] {strides = array<i32>} : memref<128x128xf32, #tpu.memory_space<vmem>>, vector<1x16xf32>,
        %swap3A_1150 = vector.shape_cast %swap3A_1149 : vector<1x16xf32> to vector<16xf32>
        %swap3A_1151 = vector.shape_cast %mul3A_1146 : vector<16xf32> to vector<1x16xf32>
        tpu.vector_store %arg10[%swap3A_1147, %swap3A_1148], %swap3A_1151 {strides = array<i32>} : memref<128x128xf32, #tpu.memory_space<vmem>>, vector<1x16xf32>,
        %get3A_1152 = arith.index_cast %add3A_1118 : i32 to index
        %get3A_1153 = arith.constant 48 : index
        %get3A_1154 = tpu.vector_load %arg10[%get3A_1152, %get3A_1153] {strides = array<i32>} : memref<128x128xf32, #tpu.memory_space<vmem>>, vector<1x16xf32>,
        %get3A_1155 = vector.shape_cast %get3A_1154 : vector<1x16xf32> to vector<16xf32>
        %mul3A_1156 = vector.broadcast %squeeze3A_1114 : f32 to vector<16xf32>
        %mul3A_1157 = arith.mulf %get3A_1155, %mul3A_1156 : vector<16xf32>
        %swap3A_1158 = arith.index_cast %add3A_1118 : i32 to index
        %swap3A_1159 = arith.constant 48 : index
        %swap3A_1160 = tpu.vector_load %arg10[%swap3A_1158, %swap3A_1159] {strides = array<i32>} : memref<128x128xf32, #tpu.memory_space<vmem>>, vector<1x16xf32>,
        %swap3A_1161 = vector.shape_cast %swap3A_1160 : vector<1x16xf32> to vector<16xf32>
        %swap3A_1162 = vector.shape_cast %mul3A_1157 : vector<16xf32> to vector<1x16xf32>
        tpu.vector_store %arg10[%swap3A_1158, %swap3A_1159], %swap3A_1162 {strides = array<i32>} : memref<128x128xf32, #tpu.memory_space<vmem>>, vector<1x16xf32>,
        %get3A_1163 = arith.index_cast %add3A_1118 : i32 to index
        %get3A_1164 = arith.constant 64 : index
        %get3A_1165 = tpu.vector_load %arg10[%get3A_1163, %get3A_1164] {strides = array<i32>} : memref<128x128xf32, #tpu.memory_space<vmem>>, vector<1x16xf32>,
        %get3A_1166 = vector.shape_cast %get3A_1165 : vector<1x16xf32> to vector<16xf32>
        %mul3A_1167 = vector.broadcast %squeeze3A_1114 : f32 to vector<16xf32>
        %mul3A_1168 = arith.mulf %get3A_1166, %mul3A_1167 : vector<16xf32>
        %swap3A_1169 = arith.index_cast %add3A_1118 : i32 to index
        %swap3A_1170 = arith.constant 64 : index
        %swap3A_1171 = tpu.vector_load %arg10[%swap3A_1169, %swap3A_1170] {strides = array<i32>} : memref<128x128xf32, #tpu.memory_space<vmem>>, vector<1x16xf32>,
        %swap3A_1172 = vector.shape_cast %swap3A_1171 : vector<1x16xf32> to vector<16xf32>
        %swap3A_1173 = vector.shape_cast %mul3A_1168 : vector<16xf32> to vector<1x16xf32>
        tpu.vector_store %arg10[%swap3A_1169, %swap3A_1170], %swap3A_1173 {strides = array<i32>} : memref<128x128xf32, #tpu.memory_space<vmem>>, vector<1x16xf32>,
        %get3A_1174 = arith.index_cast %add3A_1118 : i32 to index
        %get3A_1175 = arith.constant 80 : index
        %get3A_1176 = tpu.vector_load %arg10[%get3A_1174, %get3A_1175] {strides = array<i32>} : memref<128x128xf32, #tpu.memory_space<vmem>>, vector<1x16xf32>,
        %get3A_1177 = vector.shape_cast %get3A_1176 : vector<1x16xf32> to vector<16xf32>
        %mul3A_1178 = vector.broadcast %squeeze3A_1114 : f32 to vector<16xf32>
        %mul3A_1179 = arith.mulf %get3A_1177, %mul3A_1178 : vector<16xf32>
        %swap3A_1180 = arith.index_cast %add3A_1118 : i32 to index
        %swap3A_1181 = arith.constant 80 : index
        %swap3A_1182 = tpu.vector_load %arg10[%swap3A_1180, %swap3A_1181] {strides = array<i32>} : memref<128x128xf32, #tpu.memory_space<vmem>>, vector<1x16xf32>,
        %swap3A_1183 = vector.shape_cast %swap3A_1182 : vector<1x16xf32> to vector<16xf32>
        %swap3A_1184 = vector.shape_cast %mul3A_1179 : vector<16xf32> to vector<1x16xf32>
        tpu.vector_store %arg10[%swap3A_1180, %swap3A_1181], %swap3A_1184 {strides = array<i32>} : memref<128x128xf32, #tpu.memory_space<vmem>>, vector<1x16xf32>,
        %get3A_1185 = arith.index_cast %add3A_1118 : i32 to index
        %get3A_1186 = arith.constant 96 : index
        %get3A_1187 = tpu.vector_load %arg10[%get3A_1185, %get3A_1186] {strides = array<i32>} : memref<128x128xf32, #tpu.memory_space<vmem>>, vector<1x16xf32>,
        %get3A_1188 = vector.shape_cast %get3A_1187 : vector<1x16xf32> to vector<16xf32>
        %mul3A_1189 = vector.broadcast %squeeze3A_1114 : f32 to vector<16xf32>
        %mul3A_1190 = arith.mulf %get3A_1188, %mul3A_1189 : vector<16xf32>
        %swap3A_1191 = arith.index_cast %add3A_1118 : i32 to index
        %swap3A_1192 = arith.constant 96 : index
        %swap3A_1193 = tpu.vector_load %arg10[%swap3A_1191, %swap3A_1192] {strides = array<i32>} : memref<128x128xf32, #tpu.memory_space<vmem>>, vector<1x16xf32>,
        %swap3A_1194 = vector.shape_cast %swap3A_1193 : vector<1x16xf32> to vector<16xf32>
        %swap3A_1195 = vector.shape_cast %mul3A_1190 : vector<16xf32> to vector<1x16xf32>
        tpu.vector_store %arg10[%swap3A_1191, %swap3A_1192], %swap3A_1195 {strides = array<i32>} : memref<128x128xf32, #tpu.memory_space<vmem>>, vector<1x16xf32>,
        %get3A_1196 = arith.index_cast %add3A_1118 : i32 to index
        %get3A_1197 = arith.constant 112 : index
        %get3A_1198 = tpu.vector_load %arg10[%get3A_1196, %get3A_1197] {strides = array<i32>} : memref<128x128xf32, #tpu.memory_space<vmem>>, vector<1x16xf32>,
        %get3A_1199 = vector.shape_cast %get3A_1198 : vector<1x16xf32> to vector<16xf32>
        %mul3A_1200 = vector.broadcast %squeeze3A_1114 : f32 to vector<16xf32>
        %mul3A_1201 = arith.mulf %get3A_1199, %mul3A_1200 : vector<16xf32>
        %swap3A_1202 = arith.index_cast %add3A_1118 : i32 to index
        %swap3A_1203 = arith.constant 112 : index
        %swap3A_1204 = tpu.vector_load %arg10[%swap3A_1202, %swap3A_1203] {strides = array<i32>} : memref<128x128xf32, #tpu.memory_space<vmem>>, vector<1x16xf32>,
        %swap3A_1205 = vector.shape_cast %swap3A_1204 : vector<1x16xf32> to vector<16xf32>
        %swap3A_1206 = vector.shape_cast %mul3A_1201 : vector<16xf32> to vector<1x16xf32>
        tpu.vector_store %arg10[%swap3A_1202, %swap3A_1203], %swap3A_1206 {strides = array<i32>} : memref<128x128xf32, #tpu.memory_space<vmem>>, vector<1x16xf32>,
        %slice3A_1207 = vector.extract_strided_slice %get3A_81 {offsets = [12], sizes = [1], strides = [1]} : vector<16xf32> to vector<1xf32>
        %squeeze3A_1208 = vector.extract %slice3A_1207[0] : f32 from vector<1xf32>
        %mul3A_1209 = arith.constant 16 : i32
        %mul3A_1210 = arith.muli %scan3A_77, %mul3A_1209 : i32
        %add3A_1211 = arith.constant 12 : i32
        %add3A_1212 = arith.addi %mul3A_1210, %add3A_1211 : i32
        %get3A_1213 = arith.index_cast %add3A_1212 : i32 to index
        %get3A_1214 = arith.constant 0 : index
        %get3A_1215 = tpu.vector_load %arg10[%get3A_1213, %get3A_1214] {strides = array<i32>} : memref<128x128xf32, #tpu.memory_space<vmem>>, vector<1x16xf32>,
        %get3A_1216 = vector.shape_cast %get3A_1215 : vector<1x16xf32> to vector<16xf32>
        %mul3A_1217 = vector.broadcast %squeeze3A_1208 : f32 to vector<16xf32>
        %mul3A_1218 = arith.mulf %get3A_1216, %mul3A_1217 : vector<16xf32>
        %swap3A_1219 = arith.index_cast %add3A_1212 : i32 to index
        %swap3A_1220 = arith.constant 0 : index
        %swap3A_1221 = tpu.vector_load %arg10[%swap3A_1219, %swap3A_1220] {strides = array<i32>} : memref<128x128xf32, #tpu.memory_space<vmem>>, vector<1x16xf32>,
        %swap3A_1222 = vector.shape_cast %swap3A_1221 : vector<1x16xf32> to vector<16xf32>
        %swap3A_1223 = vector.shape_cast %mul3A_1218 : vector<16xf32> to vector<1x16xf32>
        tpu.vector_store %arg10[%swap3A_1219, %swap3A_1220], %swap3A_1223 {strides = array<i32>} : memref<128x128xf32, #tpu.memory_space<vmem>>, vector<1x16xf32>,
        %get3A_1224 = arith.index_cast %add3A_1212 : i32 to index
        %get3A_1225 = arith.constant 16 : index
        %get3A_1226 = tpu.vector_load %arg10[%get3A_1224, %get3A_1225] {strides = array<i32>} : memref<128x128xf32, #tpu.memory_space<vmem>>, vector<1x16xf32>,
        %get3A_1227 = vector.shape_cast %get3A_1226 : vector<1x16xf32> to vector<16xf32>
        %mul3A_1228 = vector.broadcast %squeeze3A_1208 : f32 to vector<16xf32>
        %mul3A_1229 = arith.mulf %get3A_1227, %mul3A_1228 : vector<16xf32>
        %swap3A_1230 = arith.index_cast %add3A_1212 : i32 to index
        %swap3A_1231 = arith.constant 16 : index
        %swap3A_1232 = tpu.vector_load %arg10[%swap3A_1230, %swap3A_1231] {strides = array<i32>} : memref<128x128xf32, #tpu.memory_space<vmem>>, vector<1x16xf32>,
        %swap3A_1233 = vector.shape_cast %swap3A_1232 : vector<1x16xf32> to vector<16xf32>
        %swap3A_1234 = vector.shape_cast %mul3A_1229 : vector<16xf32> to vector<1x16xf32>
        tpu.vector_store %arg10[%swap3A_1230, %swap3A_1231], %swap3A_1234 {strides = array<i32>} : memref<128x128xf32, #tpu.memory_space<vmem>>, vector<1x16xf32>,
        %get3A_1235 = arith.index_cast %add3A_1212 : i32 to index
        %get3A_1236 = arith.constant 32 : index
        %get3A_1237 = tpu.vector_load %arg10[%get3A_1235, %get3A_1236] {strides = array<i32>} : memref<128x128xf32, #tpu.memory_space<vmem>>, vector<1x16xf32>,
        %get3A_1238 = vector.shape_cast %get3A_1237 : vector<1x16xf32> to vector<16xf32>
        %mul3A_1239 = vector.broadcast %squeeze3A_1208 : f32 to vector<16xf32>
        %mul3A_1240 = arith.mulf %get3A_1238, %mul3A_1239 : vector<16xf32>
        %swap3A_1241 = arith.index_cast %add3A_1212 : i32 to index
        %swap3A_1242 = arith.constant 32 : index
        %swap3A_1243 = tpu.vector_load %arg10[%swap3A_1241, %swap3A_1242] {strides = array<i32>} : memref<128x128xf32, #tpu.memory_space<vmem>>, vector<1x16xf32>,
        %swap3A_1244 = vector.shape_cast %swap3A_1243 : vector<1x16xf32> to vector<16xf32>
        %swap3A_1245 = vector.shape_cast %mul3A_1240 : vector<16xf32> to vector<1x16xf32>
        tpu.vector_store %arg10[%swap3A_1241, %swap3A_1242], %swap3A_1245 {strides = array<i32>} : memref<128x128xf32, #tpu.memory_space<vmem>>, vector<1x16xf32>,
        %get3A_1246 = arith.index_cast %add3A_1212 : i32 to index
        %get3A_1247 = arith.constant 48 : index
        %get3A_1248 = tpu.vector_load %arg10[%get3A_1246, %get3A_1247] {strides = array<i32>} : memref<128x128xf32, #tpu.memory_space<vmem>>, vector<1x16xf32>,
        %get3A_1249 = vector.shape_cast %get3A_1248 : vector<1x16xf32> to vector<16xf32>
        %mul3A_1250 = vector.broadcast %squeeze3A_1208 : f32 to vector<16xf32>
        %mul3A_1251 = arith.mulf %get3A_1249, %mul3A_1250 : vector<16xf32>
        %swap3A_1252 = arith.index_cast %add3A_1212 : i32 to index
        %swap3A_1253 = arith.constant 48 : index
        %swap3A_1254 = tpu.vector_load %arg10[%swap3A_1252, %swap3A_1253] {strides = array<i32>} : memref<128x128xf32, #tpu.memory_space<vmem>>, vector<1x16xf32>,
        %swap3A_1255 = vector.shape_cast %swap3A_1254 : vector<1x16xf32> to vector<16xf32>
        %swap3A_1256 = vector.shape_cast %mul3A_1251 : vector<16xf32> to vector<1x16xf32>
        tpu.vector_store %arg10[%swap3A_1252, %swap3A_1253], %swap3A_1256 {strides = array<i32>} : memref<128x128xf32, #tpu.memory_space<vmem>>, vector<1x16xf32>,
        %get3A_1257 = arith.index_cast %add3A_1212 : i32 to index
        %get3A_1258 = arith.constant 64 : index
        %get3A_1259 = tpu.vector_load %arg10[%get3A_1257, %get3A_1258] {strides = array<i32>} : memref<128x128xf32, #tpu.memory_space<vmem>>, vector<1x16xf32>,
        %get3A_1260 = vector.shape_cast %get3A_1259 : vector<1x16xf32> to vector<16xf32>
        %mul3A_1261 = vector.broadcast %squeeze3A_1208 : f32 to vector<16xf32>
        %mul3A_1262 = arith.mulf %get3A_1260, %mul3A_1261 : vector<16xf32>
        %swap3A_1263 = arith.index_cast %add3A_1212 : i32 to index
        %swap3A_1264 = arith.constant 64 : index
        %swap3A_1265 = tpu.vector_load %arg10[%swap3A_1263, %swap3A_1264] {strides = array<i32>} : memref<128x128xf32, #tpu.memory_space<vmem>>, vector<1x16xf32>,
        %swap3A_1266 = vector.shape_cast %swap3A_1265 : vector<1x16xf32> to vector<16xf32>
        %swap3A_1267 = vector.shape_cast %mul3A_1262 : vector<16xf32> to vector<1x16xf32>
        tpu.vector_store %arg10[%swap3A_1263, %swap3A_1264], %swap3A_1267 {strides = array<i32>} : memref<128x128xf32, #tpu.memory_space<vmem>>, vector<1x16xf32>,
        %get3A_1268 = arith.index_cast %add3A_1212 : i32 to index
        %get3A_1269 = arith.constant 80 : index
        %get3A_1270 = tpu.vector_load %arg10[%get3A_1268, %get3A_1269] {strides = array<i32>} : memref<128x128xf32, #tpu.memory_space<vmem>>, vector<1x16xf32>,
        %get3A_1271 = vector.shape_cast %get3A_1270 : vector<1x16xf32> to vector<16xf32>
        %mul3A_1272 = vector.broadcast %squeeze3A_1208 : f32 to vector<16xf32>
        %mul3A_1273 = arith.mulf %get3A_1271, %mul3A_1272 : vector<16xf32>
        %swap3A_1274 = arith.index_cast %add3A_1212 : i32 to index
        %swap3A_1275 = arith.constant 80 : index
        %swap3A_1276 = tpu.vector_load %arg10[%swap3A_1274, %swap3A_1275] {strides = array<i32>} : memref<128x128xf32, #tpu.memory_space<vmem>>, vector<1x16xf32>,
        %swap3A_1277 = vector.shape_cast %swap3A_1276 : vector<1x16xf32> to vector<16xf32>
        %swap3A_1278 = vector.shape_cast %mul3A_1273 : vector<16xf32> to vector<1x16xf32>
        tpu.vector_store %arg10[%swap3A_1274, %swap3A_1275], %swap3A_1278 {strides = array<i32>} : memref<128x128xf32, #tpu.memory_space<vmem>>, vector<1x16xf32>,
        %get3A_1279 = arith.index_cast %add3A_1212 : i32 to index
        %get3A_1280 = arith.constant 96 : index
        %get3A_1281 = tpu.vector_load %arg10[%get3A_1279, %get3A_1280] {strides = array<i32>} : memref<128x128xf32, #tpu.memory_space<vmem>>, vector<1x16xf32>,
        %get3A_1282 = vector.shape_cast %get3A_1281 : vector<1x16xf32> to vector<16xf32>
        %mul3A_1283 = vector.broadcast %squeeze3A_1208 : f32 to vector<16xf32>
        %mul3A_1284 = arith.mulf %get3A_1282, %mul3A_1283 : vector<16xf32>
        %swap3A_1285 = arith.index_cast %add3A_1212 : i32 to index
        %swap3A_1286 = arith.constant 96 : index
        %swap3A_1287 = tpu.vector_load %arg10[%swap3A_1285, %swap3A_1286] {strides = array<i32>} : memref<128x128xf32, #tpu.memory_space<vmem>>, vector<1x16xf32>,
        %swap3A_1288 = vector.shape_cast %swap3A_1287 : vector<1x16xf32> to vector<16xf32>
        %swap3A_1289 = vector.shape_cast %mul3A_1284 : vector<16xf32> to vector<1x16xf32>
        tpu.vector_store %arg10[%swap3A_1285, %swap3A_1286], %swap3A_1289 {strides = array<i32>} : memref<128x128xf32, #tpu.memory_space<vmem>>, vector<1x16xf32>,
        %get3A_1290 = arith.index_cast %add3A_1212 : i32 to index
        %get3A_1291 = arith.constant 112 : index
        %get3A_1292 = tpu.vector_load %arg10[%get3A_1290, %get3A_1291] {strides = array<i32>} : memref<128x128xf32, #tpu.memory_space<vmem>>, vector<1x16xf32>,
        %get3A_1293 = vector.shape_cast %get3A_1292 : vector<1x16xf32> to vector<16xf32>
        %mul3A_1294 = vector.broadcast %squeeze3A_1208 : f32 to vector<16xf32>
        %mul3A_1295 = arith.mulf %get3A_1293, %mul3A_1294 : vector<16xf32>
        %swap3A_1296 = arith.index_cast %add3A_1212 : i32 to index
        %swap3A_1297 = arith.constant 112 : index
        %swap3A_1298 = tpu.vector_load %arg10[%swap3A_1296, %swap3A_1297] {strides = array<i32>} : memref<128x128xf32, #tpu.memory_space<vmem>>, vector<1x16xf32>,
        %swap3A_1299 = vector.shape_cast %swap3A_1298 : vector<1x16xf32> to vector<16xf32>
        %swap3A_1300 = vector.shape_cast %mul3A_1295 : vector<16xf32> to vector<1x16xf32>
        tpu.vector_store %arg10[%swap3A_1296, %swap3A_1297], %swap3A_1300 {strides = array<i32>} : memref<128x128xf32, #tpu.memory_space<vmem>>, vector<1x16xf32>,
        %slice3A_1301 = vector.extract_strided_slice %get3A_81 {offsets = [13], sizes = [1], strides = [1]} : vector<16xf32> to vector<1xf32>
        %squeeze3A_1302 = vector.extract %slice3A_1301[0] : f32 from vector<1xf32>
        %mul3A_1303 = arith.constant 16 : i32
        %mul3A_1304 = arith.muli %scan3A_77, %mul3A_1303 : i32
        %add3A_1305 = arith.constant 13 : i32
        %add3A_1306 = arith.addi %mul3A_1304, %add3A_1305 : i32
        %get3A_1307 = arith.index_cast %add3A_1306 : i32 to index
        %get3A_1308 = arith.constant 0 : index
        %get3A_1309 = tpu.vector_load %arg10[%get3A_1307, %get3A_1308] {strides = array<i32>} : memref<128x128xf32, #tpu.memory_space<vmem>>, vector<1x16xf32>,
        %get3A_1310 = vector.shape_cast %get3A_1309 : vector<1x16xf32> to vector<16xf32>
        %mul3A_1311 = vector.broadcast %squeeze3A_1302 : f32 to vector<16xf32>
        %mul3A_1312 = arith.mulf %get3A_1310, %mul3A_1311 : vector<16xf32>
        %swap3A_1313 = arith.index_cast %add3A_1306 : i32 to index
        %swap3A_1314 = arith.constant 0 : index
        %swap3A_1315 = tpu.vector_load %arg10[%swap3A_1313, %swap3A_1314] {strides = array<i32>} : memref<128x128xf32, #tpu.memory_space<vmem>>, vector<1x16xf32>,
        %swap3A_1316 = vector.shape_cast %swap3A_1315 : vector<1x16xf32> to vector<16xf32>
        %swap3A_1317 = vector.shape_cast %mul3A_1312 : vector<16xf32> to vector<1x16xf32>
        tpu.vector_store %arg10[%swap3A_1313, %swap3A_1314], %swap3A_1317 {strides = array<i32>} : memref<128x128xf32, #tpu.memory_space<vmem>>, vector<1x16xf32>,
        %get3A_1318 = arith.index_cast %add3A_1306 : i32 to index
        %get3A_1319 = arith.constant 16 : index
        %get3A_1320 = tpu.vector_load %arg10[%get3A_1318, %get3A_1319] {strides = array<i32>} : memref<128x128xf32, #tpu.memory_space<vmem>>, vector<1x16xf32>,
        %get3A_1321 = vector.shape_cast %get3A_1320 : vector<1x16xf32> to vector<16xf32>
        %mul3A_1322 = vector.broadcast %squeeze3A_1302 : f32 to vector<16xf32>
        %mul3A_1323 = arith.mulf %get3A_1321, %mul3A_1322 : vector<16xf32>
        %swap3A_1324 = arith.index_cast %add3A_1306 : i32 to index
        %swap3A_1325 = arith.constant 16 : index
        %swap3A_1326 = tpu.vector_load %arg10[%swap3A_1324, %swap3A_1325] {strides = array<i32>} : memref<128x128xf32, #tpu.memory_space<vmem>>, vector<1x16xf32>,
        %swap3A_1327 = vector.shape_cast %swap3A_1326 : vector<1x16xf32> to vector<16xf32>
        %swap3A_1328 = vector.shape_cast %mul3A_1323 : vector<16xf32> to vector<1x16xf32>
        tpu.vector_store %arg10[%swap3A_1324, %swap3A_1325], %swap3A_1328 {strides = array<i32>} : memref<128x128xf32, #tpu.memory_space<vmem>>, vector<1x16xf32>,
        %get3A_1329 = arith.index_cast %add3A_1306 : i32 to index
        %get3A_1330 = arith.constant 32 : index
        %get3A_1331 = tpu.vector_load %arg10[%get3A_1329, %get3A_1330] {strides = array<i32>} : memref<128x128xf32, #tpu.memory_space<vmem>>, vector<1x16xf32>,
        %get3A_1332 = vector.shape_cast %get3A_1331 : vector<1x16xf32> to vector<16xf32>
        %mul3A_1333 = vector.broadcast %squeeze3A_1302 : f32 to vector<16xf32>
        %mul3A_1334 = arith.mulf %get3A_1332, %mul3A_1333 : vector<16xf32>
        %swap3A_1335 = arith.index_cast %add3A_1306 : i32 to index
        %swap3A_1336 = arith.constant 32 : index
        %swap3A_1337 = tpu.vector_load %arg10[%swap3A_1335, %swap3A_1336] {strides = array<i32>} : memref<128x128xf32, #tpu.memory_space<vmem>>, vector<1x16xf32>,
        %swap3A_1338 = vector.shape_cast %swap3A_1337 : vector<1x16xf32> to vector<16xf32>
        %swap3A_1339 = vector.shape_cast %mul3A_1334 : vector<16xf32> to vector<1x16xf32>
        tpu.vector_store %arg10[%swap3A_1335, %swap3A_1336], %swap3A_1339 {strides = array<i32>} : memref<128x128xf32, #tpu.memory_space<vmem>>, vector<1x16xf32>,
        %get3A_1340 = arith.index_cast %add3A_1306 : i32 to index
        %get3A_1341 = arith.constant 48 : index
        %get3A_1342 = tpu.vector_load %arg10[%get3A_1340, %get3A_1341] {strides = array<i32>} : memref<128x128xf32, #tpu.memory_space<vmem>>, vector<1x16xf32>,
        %get3A_1343 = vector.shape_cast %get3A_1342 : vector<1x16xf32> to vector<16xf32>
        %mul3A_1344 = vector.broadcast %squeeze3A_1302 : f32 to vector<16xf32>
        %mul3A_1345 = arith.mulf %get3A_1343, %mul3A_1344 : vector<16xf32>
        %swap3A_1346 = arith.index_cast %add3A_1306 : i32 to index
        %swap3A_1347 = arith.constant 48 : index
        %swap3A_1348 = tpu.vector_load %arg10[%swap3A_1346, %swap3A_1347] {strides = array<i32>} : memref<128x128xf32, #tpu.memory_space<vmem>>, vector<1x16xf32>,
        %swap3A_1349 = vector.shape_cast %swap3A_1348 : vector<1x16xf32> to vector<16xf32>
        %swap3A_1350 = vector.shape_cast %mul3A_1345 : vector<16xf32> to vector<1x16xf32>
        tpu.vector_store %arg10[%swap3A_1346, %swap3A_1347], %swap3A_1350 {strides = array<i32>} : memref<128x128xf32, #tpu.memory_space<vmem>>, vector<1x16xf32>,
        %get3A_1351 = arith.index_cast %add3A_1306 : i32 to index
        %get3A_1352 = arith.constant 64 : index
        %get3A_1353 = tpu.vector_load %arg10[%get3A_1351, %get3A_1352] {strides = array<i32>} : memref<128x128xf32, #tpu.memory_space<vmem>>, vector<1x16xf32>,
        %get3A_1354 = vector.shape_cast %get3A_1353 : vector<1x16xf32> to vector<16xf32>
        %mul3A_1355 = vector.broadcast %squeeze3A_1302 : f32 to vector<16xf32>
        %mul3A_1356 = arith.mulf %get3A_1354, %mul3A_1355 : vector<16xf32>
        %swap3A_1357 = arith.index_cast %add3A_1306 : i32 to index
        %swap3A_1358 = arith.constant 64 : index
        %swap3A_1359 = tpu.vector_load %arg10[%swap3A_1357, %swap3A_1358] {strides = array<i32>} : memref<128x128xf32, #tpu.memory_space<vmem>>, vector<1x16xf32>,
        %swap3A_1360 = vector.shape_cast %swap3A_1359 : vector<1x16xf32> to vector<16xf32>
        %swap3A_1361 = vector.shape_cast %mul3A_1356 : vector<16xf32> to vector<1x16xf32>
        tpu.vector_store %arg10[%swap3A_1357, %swap3A_1358], %swap3A_1361 {strides = array<i32>} : memref<128x128xf32, #tpu.memory_space<vmem>>, vector<1x16xf32>,
        %get3A_1362 = arith.index_cast %add3A_1306 : i32 to index
        %get3A_1363 = arith.constant 80 : index
        %get3A_1364 = tpu.vector_load %arg10[%get3A_1362, %get3A_1363] {strides = array<i32>} : memref<128x128xf32, #tpu.memory_space<vmem>>, vector<1x16xf32>,
        %get3A_1365 = vector.shape_cast %get3A_1364 : vector<1x16xf32> to vector<16xf32>
        %mul3A_1366 = vector.broadcast %squeeze3A_1302 : f32 to vector<16xf32>
        %mul3A_1367 = arith.mulf %get3A_1365, %mul3A_1366 : vector<16xf32>
        %swap3A_1368 = arith.index_cast %add3A_1306 : i32 to index
        %swap3A_1369 = arith.constant 80 : index
        %swap3A_1370 = tpu.vector_load %arg10[%swap3A_1368, %swap3A_1369] {strides = array<i32>} : memref<128x128xf32, #tpu.memory_space<vmem>>, vector<1x16xf32>,
        %swap3A_1371 = vector.shape_cast %swap3A_1370 : vector<1x16xf32> to vector<16xf32>
        %swap3A_1372 = vector.shape_cast %mul3A_1367 : vector<16xf32> to vector<1x16xf32>
        tpu.vector_store %arg10[%swap3A_1368, %swap3A_1369], %swap3A_1372 {strides = array<i32>} : memref<128x128xf32, #tpu.memory_space<vmem>>, vector<1x16xf32>,
        %get3A_1373 = arith.index_cast %add3A_1306 : i32 to index
        %get3A_1374 = arith.constant 96 : index
        %get3A_1375 = tpu.vector_load %arg10[%get3A_1373, %get3A_1374] {strides = array<i32>} : memref<128x128xf32, #tpu.memory_space<vmem>>, vector<1x16xf32>,
        %get3A_1376 = vector.shape_cast %get3A_1375 : vector<1x16xf32> to vector<16xf32>
        %mul3A_1377 = vector.broadcast %squeeze3A_1302 : f32 to vector<16xf32>
        %mul3A_1378 = arith.mulf %get3A_1376, %mul3A_1377 : vector<16xf32>
        %swap3A_1379 = arith.index_cast %add3A_1306 : i32 to index
        %swap3A_1380 = arith.constant 96 : index
        %swap3A_1381 = tpu.vector_load %arg10[%swap3A_1379, %swap3A_1380] {strides = array<i32>} : memref<128x128xf32, #tpu.memory_space<vmem>>, vector<1x16xf32>,
        %swap3A_1382 = vector.shape_cast %swap3A_1381 : vector<1x16xf32> to vector<16xf32>
        %swap3A_1383 = vector.shape_cast %mul3A_1378 : vector<16xf32> to vector<1x16xf32>
        tpu.vector_store %arg10[%swap3A_1379, %swap3A_1380], %swap3A_1383 {strides = array<i32>} : memref<128x128xf32, #tpu.memory_space<vmem>>, vector<1x16xf32>,
        %get3A_1384 = arith.index_cast %add3A_1306 : i32 to index
        %get3A_1385 = arith.constant 112 : index
        %get3A_1386 = tpu.vector_load %arg10[%get3A_1384, %get3A_1385] {strides = array<i32>} : memref<128x128xf32, #tpu.memory_space<vmem>>, vector<1x16xf32>,
        %get3A_1387 = vector.shape_cast %get3A_1386 : vector<1x16xf32> to vector<16xf32>
        %mul3A_1388 = vector.broadcast %squeeze3A_1302 : f32 to vector<16xf32>
        %mul3A_1389 = arith.mulf %get3A_1387, %mul3A_1388 : vector<16xf32>
        %swap3A_1390 = arith.index_cast %add3A_1306 : i32 to index
        %swap3A_1391 = arith.constant 112 : index
        %swap3A_1392 = tpu.vector_load %arg10[%swap3A_1390, %swap3A_1391] {strides = array<i32>} : memref<128x128xf32, #tpu.memory_space<vmem>>, vector<1x16xf32>,
        %swap3A_1393 = vector.shape_cast %swap3A_1392 : vector<1x16xf32> to vector<16xf32>
        %swap3A_1394 = vector.shape_cast %mul3A_1389 : vector<16xf32> to vector<1x16xf32>
        tpu.vector_store %arg10[%swap3A_1390, %swap3A_1391], %swap3A_1394 {strides = array<i32>} : memref<128x128xf32, #tpu.memory_space<vmem>>, vector<1x16xf32>,
        %slice3A_1395 = vector.extract_strided_slice %get3A_81 {offsets = [14], sizes = [1], strides = [1]} : vector<16xf32> to vector<1xf32>
        %squeeze3A_1396 = vector.extract %slice3A_1395[0] : f32 from vector<1xf32>
        %mul3A_1397 = arith.constant 16 : i32
        %mul3A_1398 = arith.muli %scan3A_77, %mul3A_1397 : i32
        %add3A_1399 = arith.constant 14 : i32
        %add3A_1400 = arith.addi %mul3A_1398, %add3A_1399 : i32
        %get3A_1401 = arith.index_cast %add3A_1400 : i32 to index
        %get3A_1402 = arith.constant 0 : index
        %get3A_1403 = tpu.vector_load %arg10[%get3A_1401, %get3A_1402] {strides = array<i32>} : memref<128x128xf32, #tpu.memory_space<vmem>>, vector<1x16xf32>,
        %get3A_1404 = vector.shape_cast %get3A_1403 : vector<1x16xf32> to vector<16xf32>
        %mul3A_1405 = vector.broadcast %squeeze3A_1396 : f32 to vector<16xf32>
        %mul3A_1406 = arith.mulf %get3A_1404, %mul3A_1405 : vector<16xf32>
        %swap3A_1407 = arith.index_cast %add3A_1400 : i32 to index
        %swap3A_1408 = arith.constant 0 : index
        %swap3A_1409 = tpu.vector_load %arg10[%swap3A_1407, %swap3A_1408] {strides = array<i32>} : memref<128x128xf32, #tpu.memory_space<vmem>>, vector<1x16xf32>,
        %swap3A_1410 = vector.shape_cast %swap3A_1409 : vector<1x16xf32> to vector<16xf32>
        %swap3A_1411 = vector.shape_cast %mul3A_1406 : vector<16xf32> to vector<1x16xf32>
        tpu.vector_store %arg10[%swap3A_1407, %swap3A_1408], %swap3A_1411 {strides = array<i32>} : memref<128x128xf32, #tpu.memory_space<vmem>>, vector<1x16xf32>,
        %get3A_1412 = arith.index_cast %add3A_1400 : i32 to index
        %get3A_1413 = arith.constant 16 : index
        %get3A_1414 = tpu.vector_load %arg10[%get3A_1412, %get3A_1413] {strides = array<i32>} : memref<128x128xf32, #tpu.memory_space<vmem>>, vector<1x16xf32>,
        %get3A_1415 = vector.shape_cast %get3A_1414 : vector<1x16xf32> to vector<16xf32>
        %mul3A_1416 = vector.broadcast %squeeze3A_1396 : f32 to vector<16xf32>
        %mul3A_1417 = arith.mulf %get3A_1415, %mul3A_1416 : vector<16xf32>
        %swap3A_1418 = arith.index_cast %add3A_1400 : i32 to index
        %swap3A_1419 = arith.constant 16 : index
        %swap3A_1420 = tpu.vector_load %arg10[%swap3A_1418, %swap3A_1419] {strides = array<i32>} : memref<128x128xf32, #tpu.memory_space<vmem>>, vector<1x16xf32>,
        %swap3A_1421 = vector.shape_cast %swap3A_1420 : vector<1x16xf32> to vector<16xf32>
        %swap3A_1422 = vector.shape_cast %mul3A_1417 : vector<16xf32> to vector<1x16xf32>
        tpu.vector_store %arg10[%swap3A_1418, %swap3A_1419], %swap3A_1422 {strides = array<i32>} : memref<128x128xf32, #tpu.memory_space<vmem>>, vector<1x16xf32>,
        %get3A_1423 = arith.index_cast %add3A_1400 : i32 to index
        %get3A_1424 = arith.constant 32 : index
        %get3A_1425 = tpu.vector_load %arg10[%get3A_1423, %get3A_1424] {strides = array<i32>} : memref<128x128xf32, #tpu.memory_space<vmem>>, vector<1x16xf32>,
        %get3A_1426 = vector.shape_cast %get3A_1425 : vector<1x16xf32> to vector<16xf32>
        %mul3A_1427 = vector.broadcast %squeeze3A_1396 : f32 to vector<16xf32>
        %mul3A_1428 = arith.mulf %get3A_1426, %mul3A_1427 : vector<16xf32>
        %swap3A_1429 = arith.index_cast %add3A_1400 : i32 to index
        %swap3A_1430 = arith.constant 32 : index
        %swap3A_1431 = tpu.vector_load %arg10[%swap3A_1429, %swap3A_1430] {strides = array<i32>} : memref<128x128xf32, #tpu.memory_space<vmem>>, vector<1x16xf32>,
        %swap3A_1432 = vector.shape_cast %swap3A_1431 : vector<1x16xf32> to vector<16xf32>
        %swap3A_1433 = vector.shape_cast %mul3A_1428 : vector<16xf32> to vector<1x16xf32>
        tpu.vector_store %arg10[%swap3A_1429, %swap3A_1430], %swap3A_1433 {strides = array<i32>} : memref<128x128xf32, #tpu.memory_space<vmem>>, vector<1x16xf32>,
        %get3A_1434 = arith.index_cast %add3A_1400 : i32 to index
        %get3A_1435 = arith.constant 48 : index
        %get3A_1436 = tpu.vector_load %arg10[%get3A_1434, %get3A_1435] {strides = array<i32>} : memref<128x128xf32, #tpu.memory_space<vmem>>, vector<1x16xf32>,
        %get3A_1437 = vector.shape_cast %get3A_1436 : vector<1x16xf32> to vector<16xf32>
        %mul3A_1438 = vector.broadcast %squeeze3A_1396 : f32 to vector<16xf32>
        %mul3A_1439 = arith.mulf %get3A_1437, %mul3A_1438 : vector<16xf32>
        %swap3A_1440 = arith.index_cast %add3A_1400 : i32 to index
        %swap3A_1441 = arith.constant 48 : index
        %swap3A_1442 = tpu.vector_load %arg10[%swap3A_1440, %swap3A_1441] {strides = array<i32>} : memref<128x128xf32, #tpu.memory_space<vmem>>, vector<1x16xf32>,
        %swap3A_1443 = vector.shape_cast %swap3A_1442 : vector<1x16xf32> to vector<16xf32>
        %swap3A_1444 = vector.shape_cast %mul3A_1439 : vector<16xf32> to vector<1x16xf32>
        tpu.vector_store %arg10[%swap3A_1440, %swap3A_1441], %swap3A_1444 {strides = array<i32>} : memref<128x128xf32, #tpu.memory_space<vmem>>, vector<1x16xf32>,
        %get3A_1445 = arith.index_cast %add3A_1400 : i32 to index
        %get3A_1446 = arith.constant 64 : index
        %get3A_1447 = tpu.vector_load %arg10[%get3A_1445, %get3A_1446] {strides = array<i32>} : memref<128x128xf32, #tpu.memory_space<vmem>>, vector<1x16xf32>,
        %get3A_1448 = vector.shape_cast %get3A_1447 : vector<1x16xf32> to vector<16xf32>
        %mul3A_1449 = vector.broadcast %squeeze3A_1396 : f32 to vector<16xf32>
        %mul3A_1450 = arith.mulf %get3A_1448, %mul3A_1449 : vector<16xf32>
        %swap3A_1451 = arith.index_cast %add3A_1400 : i32 to index
        %swap3A_1452 = arith.constant 64 : index
        %swap3A_1453 = tpu.vector_load %arg10[%swap3A_1451, %swap3A_1452] {strides = array<i32>} : memref<128x128xf32, #tpu.memory_space<vmem>>, vector<1x16xf32>,
        %swap3A_1454 = vector.shape_cast %swap3A_1453 : vector<1x16xf32> to vector<16xf32>
        %swap3A_1455 = vector.shape_cast %mul3A_1450 : vector<16xf32> to vector<1x16xf32>
        tpu.vector_store %arg10[%swap3A_1451, %swap3A_1452], %swap3A_1455 {strides = array<i32>} : memref<128x128xf32, #tpu.memory_space<vmem>>, vector<1x16xf32>,
        %get3A_1456 = arith.index_cast %add3A_1400 : i32 to index
        %get3A_1457 = arith.constant 80 : index
        %get3A_1458 = tpu.vector_load %arg10[%get3A_1456, %get3A_1457] {strides = array<i32>} : memref<128x128xf32, #tpu.memory_space<vmem>>, vector<1x16xf32>,
        %get3A_1459 = vector.shape_cast %get3A_1458 : vector<1x16xf32> to vector<16xf32>
        %mul3A_1460 = vector.broadcast %squeeze3A_1396 : f32 to vector<16xf32>
        %mul3A_1461 = arith.mulf %get3A_1459, %mul3A_1460 : vector<16xf32>
        %swap3A_1462 = arith.index_cast %add3A_1400 : i32 to index
        %swap3A_1463 = arith.constant 80 : index
        %swap3A_1464 = tpu.vector_load %arg10[%swap3A_1462, %swap3A_1463] {strides = array<i32>} : memref<128x128xf32, #tpu.memory_space<vmem>>, vector<1x16xf32>,
        %swap3A_1465 = vector.shape_cast %swap3A_1464 : vector<1x16xf32> to vector<16xf32>
        %swap3A_1466 = vector.shape_cast %mul3A_1461 : vector<16xf32> to vector<1x16xf32>
        tpu.vector_store %arg10[%swap3A_1462, %swap3A_1463], %swap3A_1466 {strides = array<i32>} : memref<128x128xf32, #tpu.memory_space<vmem>>, vector<1x16xf32>,
        %get3A_1467 = arith.index_cast %add3A_1400 : i32 to index
        %get3A_1468 = arith.constant 96 : index
        %get3A_1469 = tpu.vector_load %arg10[%get3A_1467, %get3A_1468] {strides = array<i32>} : memref<128x128xf32, #tpu.memory_space<vmem>>, vector<1x16xf32>,
        %get3A_1470 = vector.shape_cast %get3A_1469 : vector<1x16xf32> to vector<16xf32>
        %mul3A_1471 = vector.broadcast %squeeze3A_1396 : f32 to vector<16xf32>
        %mul3A_1472 = arith.mulf %get3A_1470, %mul3A_1471 : vector<16xf32>
        %swap3A_1473 = arith.index_cast %add3A_1400 : i32 to index
        %swap3A_1474 = arith.constant 96 : index
        %swap3A_1475 = tpu.vector_load %arg10[%swap3A_1473, %swap3A_1474] {strides = array<i32>} : memref<128x128xf32, #tpu.memory_space<vmem>>, vector<1x16xf32>,
        %swap3A_1476 = vector.shape_cast %swap3A_1475 : vector<1x16xf32> to vector<16xf32>
        %swap3A_1477 = vector.shape_cast %mul3A_1472 : vector<16xf32> to vector<1x16xf32>
        tpu.vector_store %arg10[%swap3A_1473, %swap3A_1474], %swap3A_1477 {strides = array<i32>} : memref<128x128xf32, #tpu.memory_space<vmem>>, vector<1x16xf32>,
        %get3A_1478 = arith.index_cast %add3A_1400 : i32 to index
        %get3A_1479 = arith.constant 112 : index
        %get3A_1480 = tpu.vector_load %arg10[%get3A_1478, %get3A_1479] {strides = array<i32>} : memref<128x128xf32, #tpu.memory_space<vmem>>, vector<1x16xf32>,
        %get3A_1481 = vector.shape_cast %get3A_1480 : vector<1x16xf32> to vector<16xf32>
        %mul3A_1482 = vector.broadcast %squeeze3A_1396 : f32 to vector<16xf32>
        %mul3A_1483 = arith.mulf %get3A_1481, %mul3A_1482 : vector<16xf32>
        %swap3A_1484 = arith.index_cast %add3A_1400 : i32 to index
        %swap3A_1485 = arith.constant 112 : index
        %swap3A_1486 = tpu.vector_load %arg10[%swap3A_1484, %swap3A_1485] {strides = array<i32>} : memref<128x128xf32, #tpu.memory_space<vmem>>, vector<1x16xf32>,
        %swap3A_1487 = vector.shape_cast %swap3A_1486 : vector<1x16xf32> to vector<16xf32>
        %swap3A_1488 = vector.shape_cast %mul3A_1483 : vector<16xf32> to vector<1x16xf32>
        tpu.vector_store %arg10[%swap3A_1484, %swap3A_1485], %swap3A_1488 {strides = array<i32>} : memref<128x128xf32, #tpu.memory_space<vmem>>, vector<1x16xf32>,
        %slice3A_1489 = vector.extract_strided_slice %get3A_81 {offsets = [15], sizes = [1], strides = [1]} : vector<16xf32> to vector<1xf32>
        %squeeze3A_1490 = vector.extract %slice3A_1489[0] : f32 from vector<1xf32>
        %mul3A_1491 = arith.constant 16 : i32
        %mul3A_1492 = arith.muli %scan3A_77, %mul3A_1491 : i32
        %add3A_1493 = arith.constant 15 : i32
        %add3A_1494 = arith.addi %mul3A_1492, %add3A_1493 : i32
        %get3A_1495 = arith.index_cast %add3A_1494 : i32 to index
        %get3A_1496 = arith.constant 0 : index
        %get3A_1497 = tpu.vector_load %arg10[%get3A_1495, %get3A_1496] {strides = array<i32>} : memref<128x128xf32, #tpu.memory_space<vmem>>, vector<1x16xf32>,
        %get3A_1498 = vector.shape_cast %get3A_1497 : vector<1x16xf32> to vector<16xf32>
        %mul3A_1499 = vector.broadcast %squeeze3A_1490 : f32 to vector<16xf32>
        %mul3A_1500 = arith.mulf %get3A_1498, %mul3A_1499 : vector<16xf32>
        %swap3A_1501 = arith.index_cast %add3A_1494 : i32 to index
        %swap3A_1502 = arith.constant 0 : index
        %swap3A_1503 = tpu.vector_load %arg10[%swap3A_1501, %swap3A_1502] {strides = array<i32>} : memref<128x128xf32, #tpu.memory_space<vmem>>, vector<1x16xf32>,
        %swap3A_1504 = vector.shape_cast %swap3A_1503 : vector<1x16xf32> to vector<16xf32>
        %swap3A_1505 = vector.shape_cast %mul3A_1500 : vector<16xf32> to vector<1x16xf32>
        tpu.vector_store %arg10[%swap3A_1501, %swap3A_1502], %swap3A_1505 {strides = array<i32>} : memref<128x128xf32, #tpu.memory_space<vmem>>, vector<1x16xf32>,
        %get3A_1506 = arith.index_cast %add3A_1494 : i32 to index
        %get3A_1507 = arith.constant 16 : index
        %get3A_1508 = tpu.vector_load %arg10[%get3A_1506, %get3A_1507] {strides = array<i32>} : memref<128x128xf32, #tpu.memory_space<vmem>>, vector<1x16xf32>,
        %get3A_1509 = vector.shape_cast %get3A_1508 : vector<1x16xf32> to vector<16xf32>
        %mul3A_1510 = vector.broadcast %squeeze3A_1490 : f32 to vector<16xf32>
        %mul3A_1511 = arith.mulf %get3A_1509, %mul3A_1510 : vector<16xf32>
        %swap3A_1512 = arith.index_cast %add3A_1494 : i32 to index
        %swap3A_1513 = arith.constant 16 : index
        %swap3A_1514 = tpu.vector_load %arg10[%swap3A_1512, %swap3A_1513] {strides = array<i32>} : memref<128x128xf32, #tpu.memory_space<vmem>>, vector<1x16xf32>,
        %swap3A_1515 = vector.shape_cast %swap3A_1514 : vector<1x16xf32> to vector<16xf32>
        %swap3A_1516 = vector.shape_cast %mul3A_1511 : vector<16xf32> to vector<1x16xf32>
        tpu.vector_store %arg10[%swap3A_1512, %swap3A_1513], %swap3A_1516 {strides = array<i32>} : memref<128x128xf32, #tpu.memory_space<vmem>>, vector<1x16xf32>,
        %get3A_1517 = arith.index_cast %add3A_1494 : i32 to index
        %get3A_1518 = arith.constant 32 : index
        %get3A_1519 = tpu.vector_load %arg10[%get3A_1517, %get3A_1518] {strides = array<i32>} : memref<128x128xf32, #tpu.memory_space<vmem>>, vector<1x16xf32>,
        %get3A_1520 = vector.shape_cast %get3A_1519 : vector<1x16xf32> to vector<16xf32>
        %mul3A_1521 = vector.broadcast %squeeze3A_1490 : f32 to vector<16xf32>
        %mul3A_1522 = arith.mulf %get3A_1520, %mul3A_1521 : vector<16xf32>
        %swap3A_1523 = arith.index_cast %add3A_1494 : i32 to index
        %swap3A_1524 = arith.constant 32 : index
        %swap3A_1525 = tpu.vector_load %arg10[%swap3A_1523, %swap3A_1524] {strides = array<i32>} : memref<128x128xf32, #tpu.memory_space<vmem>>, vector<1x16xf32>,
        %swap3A_1526 = vector.shape_cast %swap3A_1525 : vector<1x16xf32> to vector<16xf32>
        %swap3A_1527 = vector.shape_cast %mul3A_1522 : vector<16xf32> to vector<1x16xf32>
        tpu.vector_store %arg10[%swap3A_1523, %swap3A_1524], %swap3A_1527 {strides = array<i32>} : memref<128x128xf32, #tpu.memory_space<vmem>>, vector<1x16xf32>,
        %get3A_1528 = arith.index_cast %add3A_1494 : i32 to index
        %get3A_1529 = arith.constant 48 : index
        %get3A_1530 = tpu.vector_load %arg10[%get3A_1528, %get3A_1529] {strides = array<i32>} : memref<128x128xf32, #tpu.memory_space<vmem>>, vector<1x16xf32>,
        %get3A_1531 = vector.shape_cast %get3A_1530 : vector<1x16xf32> to vector<16xf32>
        %mul3A_1532 = vector.broadcast %squeeze3A_1490 : f32 to vector<16xf32>
        %mul3A_1533 = arith.mulf %get3A_1531, %mul3A_1532 : vector<16xf32>
        %swap3A_1534 = arith.index_cast %add3A_1494 : i32 to index
        %swap3A_1535 = arith.constant 48 : index
        %swap3A_1536 = tpu.vector_load %arg10[%swap3A_1534, %swap3A_1535] {strides = array<i32>} : memref<128x128xf32, #tpu.memory_space<vmem>>, vector<1x16xf32>,
        %swap3A_1537 = vector.shape_cast %swap3A_1536 : vector<1x16xf32> to vector<16xf32>
        %swap3A_1538 = vector.shape_cast %mul3A_1533 : vector<16xf32> to vector<1x16xf32>
        tpu.vector_store %arg10[%swap3A_1534, %swap3A_1535], %swap3A_1538 {strides = array<i32>} : memref<128x128xf32, #tpu.memory_space<vmem>>, vector<1x16xf32>,
        %get3A_1539 = arith.index_cast %add3A_1494 : i32 to index
        %get3A_1540 = arith.constant 64 : index
        %get3A_1541 = tpu.vector_load %arg10[%get3A_1539, %get3A_1540] {strides = array<i32>} : memref<128x128xf32, #tpu.memory_space<vmem>>, vector<1x16xf32>,
        %get3A_1542 = vector.shape_cast %get3A_1541 : vector<1x16xf32> to vector<16xf32>
        %mul3A_1543 = vector.broadcast %squeeze3A_1490 : f32 to vector<16xf32>
        %mul3A_1544 = arith.mulf %get3A_1542, %mul3A_1543 : vector<16xf32>
        %swap3A_1545 = arith.index_cast %add3A_1494 : i32 to index
        %swap3A_1546 = arith.constant 64 : index
        %swap3A_1547 = tpu.vector_load %arg10[%swap3A_1545, %swap3A_1546] {strides = array<i32>} : memref<128x128xf32, #tpu.memory_space<vmem>>, vector<1x16xf32>,
        %swap3A_1548 = vector.shape_cast %swap3A_1547 : vector<1x16xf32> to vector<16xf32>
        %swap3A_1549 = vector.shape_cast %mul3A_1544 : vector<16xf32> to vector<1x16xf32>
        tpu.vector_store %arg10[%swap3A_1545, %swap3A_1546], %swap3A_1549 {strides = array<i32>} : memref<128x128xf32, #tpu.memory_space<vmem>>, vector<1x16xf32>,
        %get3A_1550 = arith.index_cast %add3A_1494 : i32 to index
        %get3A_1551 = arith.constant 80 : index
        %get3A_1552 = tpu.vector_load %arg10[%get3A_1550, %get3A_1551] {strides = array<i32>} : memref<128x128xf32, #tpu.memory_space<vmem>>, vector<1x16xf32>,
        %get3A_1553 = vector.shape_cast %get3A_1552 : vector<1x16xf32> to vector<16xf32>
        %mul3A_1554 = vector.broadcast %squeeze3A_1490 : f32 to vector<16xf32>
        %mul3A_1555 = arith.mulf %get3A_1553, %mul3A_1554 : vector<16xf32>
        %swap3A_1556 = arith.index_cast %add3A_1494 : i32 to index
        %swap3A_1557 = arith.constant 80 : index
        %swap3A_1558 = tpu.vector_load %arg10[%swap3A_1556, %swap3A_1557] {strides = array<i32>} : memref<128x128xf32, #tpu.memory_space<vmem>>, vector<1x16xf32>,
        %swap3A_1559 = vector.shape_cast %swap3A_1558 : vector<1x16xf32> to vector<16xf32>
        %swap3A_1560 = vector.shape_cast %mul3A_1555 : vector<16xf32> to vector<1x16xf32>
        tpu.vector_store %arg10[%swap3A_1556, %swap3A_1557], %swap3A_1560 {strides = array<i32>} : memref<128x128xf32, #tpu.memory_space<vmem>>, vector<1x16xf32>,
        %get3A_1561 = arith.index_cast %add3A_1494 : i32 to index
        %get3A_1562 = arith.constant 96 : index
        %get3A_1563 = tpu.vector_load %arg10[%get3A_1561, %get3A_1562] {strides = array<i32>} : memref<128x128xf32, #tpu.memory_space<vmem>>, vector<1x16xf32>,
        %get3A_1564 = vector.shape_cast %get3A_1563 : vector<1x16xf32> to vector<16xf32>
        %mul3A_1565 = vector.broadcast %squeeze3A_1490 : f32 to vector<16xf32>
        %mul3A_1566 = arith.mulf %get3A_1564, %mul3A_1565 : vector<16xf32>
        %swap3A_1567 = arith.index_cast %add3A_1494 : i32 to index
        %swap3A_1568 = arith.constant 96 : index
        %swap3A_1569 = tpu.vector_load %arg10[%swap3A_1567, %swap3A_1568] {strides = array<i32>} : memref<128x128xf32, #tpu.memory_space<vmem>>, vector<1x16xf32>,
        %swap3A_1570 = vector.shape_cast %swap3A_1569 : vector<1x16xf32> to vector<16xf32>
        %swap3A_1571 = vector.shape_cast %mul3A_1566 : vector<16xf32> to vector<1x16xf32>
        tpu.vector_store %arg10[%swap3A_1567, %swap3A_1568], %swap3A_1571 {strides = array<i32>} : memref<128x128xf32, #tpu.memory_space<vmem>>, vector<1x16xf32>,
        %get3A_1572 = arith.index_cast %add3A_1494 : i32 to index
        %get3A_1573 = arith.constant 112 : index
        %get3A_1574 = tpu.vector_load %arg10[%get3A_1572, %get3A_1573] {strides = array<i32>} : memref<128x128xf32, #tpu.memory_space<vmem>>, vector<1x16xf32>,
        %get3A_1575 = vector.shape_cast %get3A_1574 : vector<1x16xf32> to vector<16xf32>
        %mul3A_1576 = vector.broadcast %squeeze3A_1490 : f32 to vector<16xf32>
        %mul3A_1577 = arith.mulf %get3A_1575, %mul3A_1576 : vector<16xf32>
        %swap3A_1578 = arith.index_cast %add3A_1494 : i32 to index
        %swap3A_1579 = arith.constant 112 : index
        %swap3A_1580 = tpu.vector_load %arg10[%swap3A_1578, %swap3A_1579] {strides = array<i32>} : memref<128x128xf32, #tpu.memory_space<vmem>>, vector<1x16xf32>,
        %swap3A_1581 = vector.shape_cast %swap3A_1580 : vector<1x16xf32> to vector<16xf32>
        %swap3A_1582 = vector.shape_cast %mul3A_1577 : vector<16xf32> to vector<1x16xf32>
        tpu.vector_store %arg10[%swap3A_1578, %swap3A_1579], %swap3A_1582 {strides = array<i32>} : memref<128x128xf32, #tpu.memory_space<vmem>>, vector<1x16xf32>,
      }
      %scan3A_76 = arith.constant 8 : i32
      "tpu.region"() ({
        %run_scoped3A = tpu.sem_alloc : memref<!tpu.dma_semaphore, #tpu.memory_space<semaphore_mem>>
        %dma_start3A_77 = arith.constant 0 : i32
        %dma_start3A_78 = arith.constant 0 : i32
        %dma_start3A_79 = tpu.memref_slice %arg12[%dma_start3A_77, %dma_start3A_78] : memref<10240x128xf32, #tpu.memory_space<vmem_shared>> -> memref<10240x128xf32, #tpu.memory_space<vmem_shared>>
        tpu.enqueue_indirect_dma source(%arg10 : memref<128x128xf32, #tpu.memory_space<vmem>>) target(%dma_start3A_79 : memref<10240x128xf32, #tpu.memory_space<vmem_shared>>) offsets(%arg8 : memref<128xi32, #tpu.memory_space<vmem>>) semaphore(%run_scoped3A : memref<!tpu.dma_semaphore, #tpu.memory_space<semaphore_mem>>) {add = true}
        %dma_wait3A_80 = arith.constant 0 : i32
        %dma_wait3A_81 = arith.constant 0 : i32
        %dma_wait3A_82 = tpu.memref_slice %arg12[%dma_wait3A_80, %dma_wait3A_81] : memref<10240x128xf32, #tpu.memory_space<vmem_shared>> -> memref<10240x128xf32, #tpu.memory_space<vmem_shared>>
        tpu.wait_indirect_dma semaphore(%run_scoped3A : memref<!tpu.dma_semaphore, #tpu.memory_space<semaphore_mem>>) src(%arg10 : memref<128x128xf32, #tpu.memory_space<vmem>>) dst(%dma_wait3A_82 : memref<10240x128xf32, #tpu.memory_space<vmem_shared>>)
        tpu.yield
      }) : () -> ()
    }
    %scan3A_31 = arith.constant 79 : i32
    %barrier3A_32 = arith.constant 0 : index
    tpu.barrier barrier_id(%barrier3A_32)
    %mul3A_33 = arith.constant 640 : i32
    %mul3A_34 = arith.muli %arg1, %mul3A_33 : i32
    %mul3A_35 = arith.constant 640 : i32
    %mul3A_36 = arith.muli %arg1, %mul3A_35 : i32
    "tpu.region"() ({
      %run_scoped3A = tpu.sem_alloc : memref<!tpu.dma_semaphore, #tpu.memory_space<semaphore_mem>>
      %dma_start3A = arith.constant 0 : i32
      %dma_start3A_37 = tpu.memref_slice %arg6[%arg0, %mul3A_36, %dma_start3A] : memref<2x10240x128xf32, #tpu.memory_space<hbm>> -> memref<1x640x128xf32, #tpu.memory_space<hbm>>
      %dma_start3A_38 = tpu.memref_squeeze %dma_start3A_37 : memref<1x640x128xf32, #tpu.memory_space<hbm>> -> memref<640x128xf32, #tpu.memory_space<hbm>>
      %dma_start3A_39 = arith.constant 0 : i32
      %dma_start3A_40 = tpu.memref_slice %arg12[%mul3A_34, %dma_start3A_39] : memref<10240x128xf32, #tpu.memory_space<vmem_shared>> -> memref<640x128xf32, #tpu.memory_space<vmem_shared>>
      tpu.enqueue_dma source(%dma_start3A_40 : memref<640x128xf32, #tpu.memory_space<vmem_shared>>) target(%dma_start3A_38 : memref<640x128xf32, #tpu.memory_space<hbm>>) target_semaphore(%run_scoped3A : memref<!tpu.dma_semaphore, #tpu.memory_space<semaphore_mem>>)
      %dma_wait3A = arith.constant 0 : i32
      %dma_wait3A_41 = tpu.memref_slice %arg6[%arg0, %mul3A_36, %dma_wait3A] : memref<2x10240x128xf32, #tpu.memory_space<hbm>> -> memref<1x640x128xf32, #tpu.memory_space<hbm>>
      %dma_wait3A_42 = tpu.memref_squeeze %dma_wait3A_41 : memref<1x640x128xf32, #tpu.memory_space<hbm>> -> memref<640x128xf32, #tpu.memory_space<hbm>>
      %dma_wait3A_43 = arith.constant 0 : i32
      %dma_wait3A_44 = tpu.memref_slice %arg12[%mul3A_34, %dma_wait3A_43] : memref<10240x128xf32, #tpu.memory_space<vmem_shared>> -> memref<640x128xf32, #tpu.memory_space<vmem_shared>>
      tpu.wait_dma2 semaphore(%run_scoped3A : memref<!tpu.dma_semaphore, #tpu.memory_space<semaphore_mem>>) src(%dma_wait3A_44 : memref<640x128xf32, #tpu.memory_space<vmem_shared>>) dst(%dma_wait3A_42 : memref<640x128xf32, #tpu.memory_space<hbm>>)
      tpu.yield
    }) : () -> ()
    return
  }
}

module attributes {stable_mosaic.version = 14 : i64} {
  func.func @body(%arg0: i32, %arg1: memref<2000x128xf32, #tpu.memory_space<vmem>>, %arg2: memref<2000x128xf32, #tpu.memory_space<vmem>>, %arg3: memref<128x128xf32, #tpu.memory_space<vmem>>, %arg4: memref<2000x128xf32, #tpu.memory_space<vmem>>) attributes {dimension_semantics = [#tpu.dimension_semantics<arbitrary>], iteration_bounds = array<i64: 5>, scalar_prefetch = 0 : i64, scratch_operands = 0 : i64, tpu.core_type = #tpu.core_type<tc>, window_params = [{transform_indices = @transform_0, window_bounds = array<i64: 2000, 128>}, {transform_indices = @transform_1, window_bounds = array<i64: 2000, 128>}, {pipeline_mode = #tpu.pipeline_mode<synchronous>, transform_indices = @transform_2, window_bounds = array<i64: 128, 128>}, {transform_indices = @transform_3, window_bounds = array<i64: 2000, 128>}]} {
    %get3A = arith.constant 0 : index
    %get3A_0 = arith.constant 0 : index
    %get3A_1 = vector.load %arg1[%get3A, %get3A_0] : memref<2000x128xf32, #tpu.memory_space<vmem>>, vector<2000x128xf32>
    %get3A_2 = arith.constant 0 : index
    %get3A_3 = arith.constant 0 : index
    %get3A_4 = vector.load %arg2[%get3A_2, %get3A_3] : memref<2000x128xf32, #tpu.memory_space<vmem>>, vector<2000x128xf32>
    %add3A = arith.addf %get3A_1, %get3A_4 : vector<2000x128xf32>
    %get3A_5 = arith.constant 0 : index
    %get3A_6 = arith.constant 0 : index
    %get3A_7 = vector.load %arg3[%get3A_5, %get3A_6] : memref<128x128xf32, #tpu.memory_space<vmem>>, vector<128x128xf32>
    %dot_general3A = arith.constant dense<0.000000e+00> : vector<2000x128xf32>
    %dot_general3A_8 = tpu.matmul %add3A, %get3A_7, %dot_general3A {dimension_numbers = #tpu.dot_dimension_numbers<[1], [0], [0], [1], [0, 0, 1, 1], [], []>, transpose_lhs_hint = false} : vector<2000x128xf32>, vector<128x128xf32>, vector<2000x128xf32> -> vector<2000x128xf32>
    %max3A = arith.constant 0.000000e+00 : f32
    %max3A_9 = vector.broadcast %max3A : f32 to vector<2000x128xf32>
    %max3A_10 = arith.maximumf %dot_general3A_8, %max3A_9 : vector<2000x128xf32>
    %swap3A = arith.constant 0 : index
    %swap3A_11 = arith.constant 0 : index
    %swap3A_12 = vector.load %arg4[%swap3A, %swap3A_11] : memref<2000x128xf32, #tpu.memory_space<vmem>>, vector<2000x128xf32>
    tpu.vector_store %arg4[%swap3A, %swap3A_11], %max3A_10 {strides = array<i32>} : memref<2000x128xf32, #tpu.memory_space<vmem>>, vector<2000x128xf32>,
    return
  }
  func.func @transform_0(%arg0: i32) -> (i32, i32) {
    %c0_i32 = arith.constant 0 : i32
    %c0_i32_0 = arith.constant 0 : i32
    return %arg0, %c0_i32 : i32, i32
  }
  func.func @transform_1(%arg0: i32) -> (i32, i32) {
    %c0_i32 = arith.constant 0 : i32
    %c0_i32_0 = arith.constant 0 : i32
    return %arg0, %c0_i32 : i32, i32
  }
  func.func @transform_2(%arg0: i32) -> (i32, i32) {
    %c0_i32 = arith.constant 0 : i32
    %c0_i32_0 = arith.constant 0 : i32
    %c0_i32_1 = arith.constant 0 : i32
    return %c0_i32, %c0_i32_0 : i32, i32
  }
  func.func @transform_3(%arg0: i32) -> (i32, i32) {
    %c0_i32 = arith.constant 0 : i32
    %c0_i32_0 = arith.constant 0 : i32
    return %arg0, %c0_i32 : i32, i32
  }
}

</mosaic_0001>

<sc_bundles>
// kernel: kernel.4.cloned.1.call-start
scs
__scs_entry_jumppad:
0x0: {  	(pc) =	sbr.rel $0x88, $3  }
0x1: {  	(tag) =	ssettag $0x0;
	lr =	simm.s32 $0x1  }
0x2: {  	[smem:$0x3F9D] =	sst lr;
	_ =	strace $0xD0000000  }
0x3: {  	_ = 	snop  }
0x4: {  	_ = 	snop  }
0x5: {  	_ = 	snop  }
0x6: {  	_ = 	snop  }
0x7: {  	_ = 	snop  }
__scs_overlays_trampoline_lowered:
0x8: {  	[smem:$0x3FAC] =	sst s0  }
0x9: {  	[smem:$0x3FAD] =	sst s1  }
0xa: {  	[smem:$0x3FAE] =	sst s2  }
0xb: {  	[smem:$0x3FAF] =	sst s3  }
0xc: {  	[smem:$0x3FB0] =	sst s4  }
0xd: {  	[smem:$0x3FB1] =	sst s5  }
0xe: {  	[smem:$0x3FB2] =	sst s6  }
0xf: {  	[smem:$0x3FB3] =	sst s7  }
0x10: {  	[smem:$0x3FB4] =	sst s8  }
0x11: {  	[smem:$0x3FB5] =	sst s9;
	s0 =	simm.s32 @!p0 $0x0  }
0x12: {  	s1 =	sld [smem:$0x3F9B];
	s0 =	simm.s32 @p0 $0x1  }
0x13: {  	[smem:$0x3FB6] =	sst s0;
	s0 =	simm.s32 @!p1 $0x0  }
0x14: {  	s2 =	sld [smem:$0x3F9A];
	s0 =	simm.s32 @p1 $0x1  }
0x15: {  	[smem:$0x3FB7] =	sst s0;
	s0 =	simm.s32 @!p2 $0x0  }
0x16: {  	s3 =	sld [smem:$0x3FDB];
	s0 =	simm.s32 @p2 $0x1  }
0x17: {  	s4 =	simm.s32 $0x1BF5;
	[smem:$0x3FB9] =	sst s0  }
0x18: {  	s0 =	sld [smem:$0x3F9C];
	_ =	swait.ge [sflag:s4], $0x0  }
0x19: {  	s7 =	sld [smem:$0x3F9D]  }
0x1a: {  	s8 =	sadd.s32 $0xFFFFE003, lr  }
0x1b: {  	s9 =	sadd.s32 $0xFFFFFEF7, lr;
	s5 =	simm.s32 $0xFFFFFFFF;
	p2 =	slt.u32 s8, $0xFFFFF086  }
0x1c: {  	p1 =	slt.u32 s9, $0xF7A;
	s5 =	simm.s32 @!p2 $0x0  }
0x1d: {  	s5 =	simm.s32 @p1 $0x1;
	p0 =	seq.s32 s7, s2  }
0x1e: {  	s7 =	smul.u32 @!p0 $0xF7A, s2;
	p2 =	seq.s32 @!p0 s5, $0x0  }
0x1f: {  	s9 =	smul.u32 $0xF7A, s1;
	s8 =	simm.s32 @!p0 $0x1BF5;
	p2 =	por !p2, p0  }
0x20: {  	[sflag:s8] =	ssyncset.s32 @!p0 $0xFFFFF086;
	s6 =	sadd.s32 @!p0 s3, s7;
	s7 =	simm.s32 @!p0 $0x108  }
0x21: {  	s3 =	sadd.s32 s3, s9;
	s6 =	sadd.s32 @!p0 $0x88, s6;
	s7 =	simm.s32 @p2 $0x1082  }
0x22: {  	[simem:s7], [sflag:s8] =	dma.local @!p0 [hbm:s6], $0xF7A  }
0x23: {  	s9 =	sor.u32 $0xD0000000, s2;
	s6 =	simm.s32 $0x108;
	_ =	swait.ge @!p0 [sflag:s8], $0x0  }
0x24: {  	s3 =	sadd.s32 $0x88, s3;
	s6 =	simm.s32 @!p1 $0x1082;
	[sflag:s4] =	ssyncset.s32 $0xFFFFF086  }
0x25: {  	[simem:s6], [sflag:s4] =	dma.local [hbm:s3], $0xF7A  }
0x26: {  	[smem:$0x3F9D] =	sst s1;
	(tag) =	ssettag s2;
	_ =	strace s9  }
0x27: {  	s1 =	sld [smem:$0x3FAD]  }
0x28: {  	s2 =	sld [smem:$0x3FAE]  }
0x29: {  	s4 =	sld [smem:$0x3FB0]  }
0x2a: {  	p0 =	seq.s32 s5, $0x0;
	s5 =	sld [smem:$0x3FB1]  }
0x2b: {  	s6 =	sld [smem:$0x3FB2]  }
0x2c: {  	s7 =	sld [smem:$0x3FB3]  }
0x2d: {  	s3 =	simm.s32 $0x108;
	s8 =	sld [smem:$0x3FB4]  }
0x2e: {  	s3 =	simm.s32 @!p0 $0x1082;
	s9 =	sld [smem:$0x3FB5]  }
0x2f: {  	lr =	sadd.s32 s0, s3;
	s0 =	sld [smem:$0x3FAC]  }
0x30: {  	s3 =	sld [smem:$0x3FAF]  }
0x31: {  	[smem:$0x3FB8] =	sst s10  }
0x32: {  	s10 =	sld [smem:$0x3FB6];
	_ =	sdelay $0x3  }
0x33: {  	p0 =	seq.s32 s10, $0x1;
	s10 =	sld [smem:$0x3FB8];
	_ =	sdelay $0x3  }
0x34: {  	[smem:$0x3FB8] =	sst s10  }
0x35: {  	s10 =	sld [smem:$0x3FB7];
	_ =	sdelay $0x3  }
0x36: {  	p1 =	seq.s32 s10, $0x1;
	s10 =	sld [smem:$0x3FB8];
	_ =	sdelay $0x3  }
0x37: {  	[smem:$0x3FB8] =	sst s10  }
0x38: {  	s10 =	sld [smem:$0x3FB9]  }
0x39: {  	_ = 	snop;
	(pc) =	sbr.ind lr, $3  }
0x3a: {  	_ = 	snop  }
0x3b: {  	_ = 	snop  }
0x3c: {  	p2 =	seq.s32 s10, $0x1;
	s10 =	sld [smem:$0x3FB8]  }
0x3d: {  	_ =	shalt  }
0x3e: {  	_ =	shalt  }
0x3f: {  	_ =	shalt  }
0x40: {  	_ =	shalt  }
0x41: {  	_ =	shalt  }
0x42: {  	_ =	shalt  }
0x43: {  	_ =	shalt  }
0x44: {  	_ =	shalt  }
0x45: {  	_ =	shalt  }
0x46: {  	_ =	shalt  }
0x47: {  	_ =	shalt  }
0x48: {  	_ =	shalt  }
0x49: {  	_ =	shalt  }
0x4a: {  	_ =	shalt  }
0x4b: {  	_ =	shalt  }
0x4c: {  	_ =	shalt  }
0x4d: {  	_ =	shalt  }
0x4e: {  	_ =	shalt  }
0x4f: {  	_ =	shalt  }
0x50: {  	_ =	shalt  }
0x51: {  	_ =	shalt  }
0x52: {  	_ =	shalt  }
0x53: {  	_ =	shalt  }
0x54: {  	_ =	shalt  }
0x55: {  	_ =	shalt  }
0x56: {  	_ =	shalt  }
0x57: {  	_ =	shalt  }
0x58: {  	_ =	shalt  }
0x59: {  	_ =	shalt  }
0x5a: {  	_ =	shalt  }
0x5b: {  	_ =	shalt  }
0x5c: {  	_ =	shalt  }
0x5d: {  	_ =	shalt  }
0x5e: {  	_ =	shalt  }
0x5f: {  	_ =	shalt  }
0x60: {  	_ =	shalt  }
0x61: {  	_ =	shalt  }
0x62: {  	_ =	shalt  }
0x63: {  	_ =	shalt  }
0x64: {  	_ =	shalt  }
0x65: {  	_ =	shalt  }
0x66: {  	_ =	shalt  }
0x67: {  	_ =	shalt  }
0x68: {  	_ =	shalt  }
0x69: {  	_ =	shalt  }
0x6a: {  	_ =	shalt  }
0x6b: {  	_ =	shalt  }
0x6c: {  	_ =	shalt  }
0x6d: {  	_ =	shalt  }
0x6e: {  	_ =	shalt  }
0x6f: {  	_ =	shalt  }
0x70: {  	_ =	shalt  }
0x71: {  	_ =	shalt  }
0x72: {  	_ =	shalt  }
0x73: {  	_ =	shalt  }
0x74: {  	_ =	shalt  }
0x75: {  	_ =	shalt  }
0x76: {  	_ =	shalt  }
0x77: {  	_ =	shalt  }
0x78: {  	_ =	shalt  }
0x79: {  	_ =	shalt  }
0x7a: {  	_ =	shalt  }
0x7b: {  	_ =	shalt  }
0x7c: {  	_ =	shalt  }
0x7d: {  	_ =	shalt  }
0x7e: {  	_ =	shalt  }
0x7f: {  	_ =	shalt  }
0x80: {  	_ =	shalt  }
0x81: {  	_ =	shalt  }
0x82: {  	_ =	shalt  }
0x83: {  	_ =	shalt  }
0x84: {  	_ =	shalt  }
0x85: {  	_ =	shalt  }
0x86: {  	_ =	shalt  }
0x87: {  	_ =	shalt  }
.Lfunc_end0:
.L_simem_size_0:
called_computation_lowered:
.L_overlay_start_0:
0x88: {  	s2 =	sld [smem:$0x3FD9]  }
0x89: {  	s3 =	sld [smem:$0x3FFE];
	_ =	sdelay $0x1  }
0x8a: {  	s1 =	srdreg.scid  }
0x8b: {  	s0 =	sand.u32 $0x1, s1  }
0x8c: {  	s17 =	sshll.u32 s0, $0xA;
	s2 =	sadd.s32 s3, s2  }
0x8d: {  	s2 =	sadd.s32 s2, s17  }
0x8e: {  	[smem:$0x3FC4] =	sst s2  }
0x8f: {  	_ = 	snop  }
0x90: {  	s2 =	sld [smem:$0x3FC9]  }
0x91: {  	s18 =	sld [smem:$0x3FD0];
	(tm) =	ssettm $0x1  }
0x92: {  	s4 =	sld [smem:$0x3FFB];
	_ =	sdelay $0x3  }
0x93: {  	_ =	strace s4  }
0x94: {  	s4 =	sld [smem:$0x3FFC];
	_ =	sdelay $0x3  }
0x95: {  	_ =	strace s4  }
0x96: {  	s4 =	sld [smem:$0x3FFD];
	_ =	sdelay $0x3  }
0x97: {  	_ =	strace s4  }
0x98: {  	_ =	strace $0x8FFFFFFF  }
0x99: {  	s19 =	sld [smem:$0x3FDB];
	_ =	sdelay $0x1  }
0x9a: {  	s5 =	simm.s32 $_scs_section_size  }
0x9b: {  	s6 =	simm.s32 $_size__tile_overlayer_lowered;
	s7 =	simm.s32 $_tile_overlayer_lowered  }
0x9c: {  	s22 =	simm.s32 $0x1BFF;
	s21 =	sshll.u32 s7, $0x1;
	s4 =	sadd.s32 s5, s19  }
0x9d: {  	s8 =	simm.s32 $0x0;
	s20 =	sshll.u32 s6, $0x1;
	s6 =	sadd.s32 s21, s4  }
0x9e: {  	[timem:s8], [sflag:s22] =	dma.local [hbm:s6], s20  }
0x9f: {  	_ =	swait.ge [sflag:s22], s20  }
0xa0: {  	s5 =	ssub.s32 $0x0, s20;
	[sflag:s22] =	ssyncset.done $0x0  }
0xa1: {  	[sflag:s22] =	ssyncadd.s32 s5;
	_ =	sdelay $0x1  }
0xa2: {  	s23 =	simm.s32 $0x1B8B  }
0xa3: {  	_ =	swait.ge [sflag:s23], $0x1  }
0xa4: {  	[sflag:s23] =	ssyncset.done $0x0  }
0xa5: {  	s25 =	simm.s32 $0x1B8E;
	s24 =	sld [smem:$0x3FFE];
	[sflag:s23] =	ssyncadd.s32 $0xFFFFFFFF  }
0xa6: {  	s26 =	simm.s32 $execute0_lowered;
	[smem:$0x3FD2] =	sst s25  }
0xa7: {  	s6 =	sshll.u32 s26, $0x1;
	_ =	strace $0x80000046;
	[dreg:$0x1] =	wrdreg $0xFFFFFFFF  }
0xa8: {  	s28 =	simm.s32 $_size_execute0_lowered;
	s4 =	sadd.s32 s4, s6;
	[dreg:$0x0] =	wrdreg $0x0  }
0xa9: {  	s6 =	sshll.u32 s28, $0x1;
	[dreg:$0x2] =	wrdreg s4  }
0xaa: {  	[dreg:$0x3] =	wrdreg s6  }
0xab: {  	[dreg:$0x4] =	wrdreg $0xC0  }
0xac: {  	_ =	task [dreg:s8], $0x5FFFF  }
0xad: {  	[dreg:$0x1] =	wrdreg $0xFFFFFFFF  }
0xae: {  	[dreg:$0x0] =	wrdreg $0x60  }
0xaf: {  	[dreg:$0x2] =	wrdreg s2  }
0xb0: {  	[dreg:$0x3] =	wrdreg s24  }
0xb1: {  	[dreg:$0x4] =	wrdreg s18  }
0xb2: {  	[dreg:$0x5] =	wrdreg $0x81800  }
0xb3: {  	[dreg:$0x6] =	wrdreg $0x9  }
0xb4: {  	_ =	task.clear_ibuf [dreg:s8], $0x7FFFF;
	_ =	strace $0x90000046  }
0xb5: {  	s29 =	simm.s32 $0x9;
	_ =	strace $0x80000048  }
0xb6: {  	_ =	swait.ge [sflag:s29], $0x1  }
0xb7: {  	[sflag:s29] =	ssyncadd.s32 $0xFFFFFFFF  }
0xb8: {  	_ =	strace $0x90000048  }
0xb9: {  	_ =	sfence  }
0xba: {  	s30 =	sld [smem:$0x0];
	_ =	sdelay $0x2  }
0xbb: {  	s31 =	sshll.u32 s1, $0xD;
	s1 =	sshrl.u32 s1, $0x2  }
0xbc: {  	s3 =	sand.u32 $0x4000, s31;
	s1 =	sadd.s32 s1, s30  }
0xbd: {  	s0 =	sor.u32 s3, s0;
	s1 =	sshll.u32 s1, $0x11  }
0xbe: {  	s0 =	sor.u32 s1, s0  }
0xbf: {  	s0 =	sadd.s32 $0x8F2B, s0  }
0xc0: {  	[sflag:s0] =	ssyncadd.remote.s32 $0x1  }
0xc1: {  	_ =	sfence.sel $0xFFFF  }
0xc2: {  	[dreg:$0x0] =	wrdreg $0xFFFFFFFF;
	(pc) =	sbr.abs _section_cstart, $3  }
0xc3: {  	[dreg:$0x1] =	wrdreg $0xFFFFFFFF  }
0xc4: {  	_ =	task.clear_ibuf [dreg:s8], $0x2FFFF;
	_ =	strace $0x9FFFFFFF  }
0xc5: {  	(tm) =	ssettm $0x7FFFFFFF  }
tec
execute0_lowered:
.L_overlay_start_1:
0x0: {  	(tag) =	ssettag $0x1  }
0x1: {  	s0 =	rddreg [dreg:$0x0]  }
0x2: {  	s8 =	rddreg [dreg:$0x1]  }
0x3: {  	s3 =	rddreg [dreg:$0x2];
	s1 =	srdreg.scid  }
0x4: {  	s4 =	rddreg [dreg:$0x3];
	s2 =	stileid.u32  }
0x5: {  	s5 =	simm.s32 $0x0;
	s16 =	simm.s32 $0x4180;
	s17 =	simm.s32 $0x3  }
0x6: {  	s18 =	simm.s32 $0x80;
	s19 =	simm.s32 $0x100;
	s20 =	simm.s32 $0x40  }
0x7: {  	s21 =	simm.s32 $0x180;
	s22 =	simm.s32 $0x2180;
	s23 =	simm.s32 $0x1  }
0x8: {  	s9 =	sand.u32 $0x1, s1;
	s1 =	rddreg [dreg:$0x4];
	s7 =	smul.u32 $0x14000, s2  }
0x9: {  	s24 =	simm.s32 $0x2;
	[smem:$0x7FF] =	sst s5;
	s11 =	smul.u32 $0x50000, s2  }
0xa: {  	s6 =	smul.u32 $0x140000, s9;
	_ =	strace $0x80000047;
	s29 =	ssub.s32 $0x2, s9  }
0xb: {  	s9 =	sshll.u32 s9, $0x4;
	s30 =	sshrl.u32 s11, $0x2;
	s31 =	sshrl.u32 s29, $0x1  }
0xc: {  	s13 =	sor.u32 s2, s9;
	s10 =	sadd.s32 s7, s6;
	s6 =	sadd.s32 $0xA200, s8  }
0xd: {  	s7 =	sadd.s32 $0x400, s8;
	s15 =	ssub.s32 s29, s31;
	s10 =	sshrl.u32 s10, $0x3  }
0xe: {  	s13 =	smul.u32 $0x4F, s13;
	s14 =	sadd.s32 s10, s8;
	s8 =	sadd.s32 s30, s4  }
0xf: {  	s15 =	smax.u32 s15, $0x1;
	s9 =	sadd.s32 $0x4000, s8;
	s10 =	sadd.s32 $0x8000, s8  }
0x10: {  	v0 =	vimm.f32 $0.0e+00;
	s11 =	sadd.s32 $0xC000, s8;
	s12 =	sadd.s32 $0x10000, s8;
	s14 =	sadd.s32 $0x14000, s14  }
.LBB2_1:
0x11: {  	s25 =	simm.s32 $0x0;
	s26 =	simm.s32 $0x200  }
.LBB2_2:
0x12: {  	p0 =	sne.s32 s26, $0xFE00;
	[tilespmem:s25+$0x41F0] =	vst v0  }
0x13: {  	[tilespmem:s25+$0x4180] =	vst v0  }
0x14: {  	[tilespmem:s25+$0x4190] =	vst v0  }
.Ltmp0:
0x15: {  	[tilespmem:s25+$0x41A0] =	vst v0;
	(pc) =	sbr.rel @p0 .LBB2_2-.Ltmp0, $4  }
0x16: {  	[tilespmem:s25+$0x41B0] =	vst v0  }
0x17: {  	[tilespmem:s25+$0x41C0] =	vst v0  }
0x18: {  	[tilespmem:s25+$0x41D0] =	vst v0  }
0x19: {  	[tilespmem:s25+$0x41E0] =	vst v0;
	s25 =	sshra.s32 s26, $0x2;
	s26 =	sadd.s32 $0x200, s26  }
0x1a: {  	[tilespmem:s25+$0x41F0] =	vst v0  }
0x1b: {  	[tilespmem:s25+$0x4180] =	vst v0  }
0x1c: {  	[tilespmem:s25+$0x4190] =	vst v0  }
0x1d: {  	[tilespmem:s25+$0x41A0] =	vst v0  }
0x1e: {  	[tilespmem:s25+$0x41B0] =	vst v0  }
0x1f: {  	[tilespmem:s25+$0x41C0] =	vst v0  }
0x20: {  	[tilespmem:s25+$0x41D0] =	vst v0  }
0x21: {  	[tilespmem:s25+$0x41E0] =	vst v0  }
0x22: {  	[spmem:s8] =	stream.linear.scatter [tilespmem:s16], [sflag:$0x3], $0x4000, $0x38;
	[tilespmem:$0x1C180] =	vst v63  }
0x23: {  	_ =	swait.ge [sflag:s17], $0x4000  }
0x24: {  	[sflag:s17] =	ssyncset.done $0x0  }
0x25: {  	[sflag:s17] =	ssyncadd.s32 $0xFFFFC000  }
0x26: {  	[spmem:s9] =	stream.linear.scatter [tilespmem:s16], [sflag:$0x3], $0x4000, $0x38;
	[tilespmem:$0x1C180] =	vst v63  }
0x27: {  	_ =	swait.ge [sflag:s17], $0x4000  }
0x28: {  	[sflag:s17] =	ssyncset.done $0x0  }
0x29: {  	[sflag:s17] =	ssyncadd.s32 $0xFFFFC000  }
0x2a: {  	[spmem:s10] =	stream.linear.scatter [tilespmem:s16], [sflag:$0x3], $0x4000, $0x38;
	[tilespmem:$0x1C180] =	vst v63  }
0x2b: {  	_ =	swait.ge [sflag:s17], $0x4000  }
0x2c: {  	[sflag:s17] =	ssyncset.done $0x0  }
0x2d: {  	[sflag:s17] =	ssyncadd.s32 $0xFFFFC000  }
0x2e: {  	[spmem:s11] =	stream.linear.scatter [tilespmem:s16], [sflag:$0x3], $0x4000, $0x38;
	[tilespmem:$0x1C180] =	vst v63  }
0x2f: {  	_ =	swait.ge [sflag:s17], $0x4000  }
0x30: {  	[sflag:s17] =	ssyncset.done $0x0  }
0x31: {  	[sflag:s17] =	ssyncadd.s32 $0xFFFFC000  }
0x32: {  	[spmem:s12] =	stream.linear.scatter [tilespmem:s16], [sflag:$0x3], $0x4000, $0x38;
	[tilespmem:$0x1C180] =	vst v63  }
0x33: {  	_ =	swait.ge [sflag:s17], $0x4000  }
0x34: {  	[sflag:s17] =	ssyncset.done $0x0  }
0x35: {  	[sflag:s17] =	ssyncadd.s32 $0xFFFFC000  }
0x36: {  	s25 =	simm.s32 $0x0;
	s26 =	simm.s32 $0x0;
	[bflag:$0x0] =	sbarrier.arrive $0xFFFF  }
.LBB2_4:
0x37: {  	s28 =	sadd.s32 s13, s26  }
0x38: {  	s28 =	sshll.u32 s28, $0x4  }
0x39: {  	s29 =	sadd.s32 s6, s28  }
0x3a: {  	[tilespmem:s25], [sflag:$0x3] =	stream.linear.gather [hbm4b:s29+s25], $0x80, $0x38;
	[tilespmem:$0x1C180] =	vst v63  }
0x3b: {  	_ =	swait.ge [sflag:s17], $0x80  }
0x3c: {  	[sflag:s17] =	ssyncset.done $0x0  }
0x3d: {  	s29 =	sadd.s32 s3, s28;
	[sflag:s17] =	ssyncadd.s32 $0xFFFFFF80  }
0x3e: {  	[tilespmem:s18], [sflag:$0x3] =	stream.linear.gather [hbm4b:s29+s25], $0x80, $0x38;
	[tilespmem:$0x1C180] =	vst v63  }
0x3f: {  	_ =	swait.ge [sflag:s17], $0x80  }
0x40: {  	[sflag:s17] =	ssyncset.done $0x0  }
0x41: {  	s28 =	sadd.s32 s7, s28;
	[sflag:s17] =	ssyncadd.s32 $0xFFFFFF80  }
0x42: {  	[tilespmem:s19], [sflag:$0x3] =	stream.linear.gather [hbm4b:s28+s25], $0x80, $0x38;
	[tilespmem:$0x1C180] =	vst v63  }
0x43: {  	_ =	swait.ge [sflag:s17], $0x80  }
0x44: {  	[sflag:s17] =	ssyncset.done $0x0  }
0x45: {  	[sflag:s17] =	ssyncadd.s32 $0xFFFFFF80  }
0x46: {  	[tilespmem:s21], [sflag:$0x1] =	stream.indirect.gather [hbm4b:s0+s20], $0x80, s25, s20, $0xb8;
	[tilespmem:$0x1C180] =	vst v63  }
0x47: {  	_ = 	snop  }
0x48: {  	[tilespmem:s22], [sflag:$0x2] =	stream.indirect.gather [hbm4b:s0+s20], $0x80, s20, s20, $0xb8;
	[tilespmem:$0x1C180] =	vst v63  }
0x49: {  	_ =	swait.ge [sflag:s23], $0x2000  }
0x4a: {  	[sflag:s23] =	ssyncset.done $0x0  }
0x4b: {  	[sflag:s23] =	ssyncadd.s32 $0xFFFFE000  }
0x4c: {  	_ =	swait.ge [sflag:s24], $0x2000  }
0x4d: {  	s28 =	simm.s32 $0x0;
	[sflag:s24] =	ssyncset.done $0x0  }
0x4e: {  	s28 =	sand.u32 $0x3FFFFFF0, s28;
	[sflag:s24] =	ssyncadd.s32 $0xFFFFE000  }
0x4f: {  	s29 =	simm.s32 $0x0;
	v1 =	vld [tilespmem:s28+$0x100]  }
0x50: {  	s28 =	sand.u32 $0x3FFFF800, s29  }
0x51: {  	v3 =	vld [tilespmem:s28+$0x1A0]  }
0x52: {  	v4 =	vld [tilespmem:s28+$0x1B0]  }
0x53: {  	v10 =	vld [tilespmem:s28+$0x1E0]  }
0x54: {  	v11 =	vld [tilespmem:s28+$0x1F0];
	v2 =	vbroadcast v1, $0x0  }
0x55: {  	v12 =	vld [tilespmem:s28+$0x200]  }
0x56: {  	v13 =	vld [tilespmem:s28+$0x210];
	v3 =	vmul.f32 v3, v2  }
0x57: {  	v14 =	vld [tilespmem:s28+$0x220];
	v4 =	vmul.f32 v4, v2  }
0x58: {  	v9 =	vld [tilespmem:s28+$0x230];
	v23 =	vbroadcast v1, $0x1;
	v22 =	vmul.f32 v10, v2;
	[tilespmem:s28+$0x1A0] =	vst v3  }
0x59: {  	v7 =	vld [tilespmem:s28+$0x240];
	v11 =	vmul.f32 v11, v2;
	[tilespmem:s28+$0x1B0] =	vst v4  }
0x5a: {  	v8 =	vld [tilespmem:s28+$0x250];
	v12 =	vmul.f32 v12, v23;
	[tilespmem:s28+$0x1E0] =	vst v22  }
0x5b: {  	v25 =	vld [tilespmem:s28+$0x270];
	v13 =	vmul.f32 v13, v23;
	[tilespmem:s28+$0x1F0] =	vst v11  }
0x5c: {  	v26 =	vld [tilespmem:s28+$0x280];
	v14 =	vmul.f32 v14, v23;
	[tilespmem:s28+$0x200] =	vst v12  }
0x5d: {  	v27 =	vld [tilespmem:s28+$0x290];
	v9 =	vmul.f32 v9, v23;
	[tilespmem:s28+$0x210] =	vst v13  }
0x5e: {  	v6 =	vld [tilespmem:s28+$0x6F0];
	v7 =	vmul.f32 v7, v23;
	[tilespmem:s28+$0x220] =	vst v14  }
0x5f: {  	v24 =	vld [tilespmem:s28+$0x260];
	v15 =	vbroadcast v1, $0x2;
	v8 =	vmul.f32 v8, v23;
	[tilespmem:s28+$0x230] =	vst v9  }
0x60: {  	v28 =	vld [tilespmem:s28+$0x2A0];
	v10 =	vmul.f32 v25, v23;
	[tilespmem:s28+$0x240] =	vst v7  }
0x61: {  	v29 =	vld [tilespmem:s28+$0x2B0];
	v5 =	vbroadcast v1, $0xA;
	v32 =	vmul.f32 v26, v15;
	[tilespmem:s28+$0x250] =	vst v8  }
0x62: {  	v30 =	vld [tilespmem:s28+$0x2C0];
	v34 =	vmul.f32 v27, v15;
	[tilespmem:s28+$0x270] =	vst v10  }
0x63: {  	v33 =	vld [tilespmem:s28+$0x2E0];
	v3 =	vmul.f32 v6, v5;
	[tilespmem:s28+$0x280] =	vst v32  }
0x64: {  	v35 =	vld [tilespmem:s28+$0x2F0];
	v11 =	vmul.f32 v24, v23;
	[tilespmem:s28+$0x290] =	vst v34  }
0x65: {  	v36 =	vld [tilespmem:s28+$0x300];
	v9 =	vmul.f32 v28, v15;
	[tilespmem:s28+$0x6F0] =	vst v3  }
0x66: {  	v31 =	vld [tilespmem:s28+$0x2D0];
	v7 =	vmul.f32 v29, v15;
	[tilespmem:s28+$0x260] =	vst v11  }
0x67: {  	v37 =	vld [tilespmem:s28+$0x310];
	v8 =	vmul.f32 v30, v15;
	[tilespmem:s28+$0x2A0] =	vst v9  }
0x68: {  	v38 =	vld [tilespmem:s28+$0x320];
	v41 =	vbroadcast v1, $0x3;
	v10 =	vmul.f32 v33, v15;
	[tilespmem:s28+$0x2B0] =	vst v7  }
0x69: {  	v39 =	vld [tilespmem:s28+$0x330];
	v12 =	vmul.f32 v35, v15;
	[tilespmem:s28+$0x2C0] =	vst v8  }
0x6a: {  	v42 =	vld [tilespmem:s28+$0x350];
	v13 =	vmul.f32 v36, v41;
	[tilespmem:s28+$0x2E0] =	vst v10  }
0x6b: {  	v43 =	vld [tilespmem:s28+$0x360];
	v11 =	vmul.f32 v31, v15;
	[tilespmem:s28+$0x2F0] =	vst v12  }
0x6c: {  	v44 =	vld [tilespmem:s28+$0x370];
	v9 =	vmul.f32 v37, v41;
	[tilespmem:s28+$0x300] =	vst v13  }
0x6d: {  	v40 =	vld [tilespmem:s28+$0x340];
	v7 =	vmul.f32 v38, v41;
	[tilespmem:s28+$0x2D0] =	vst v11  }
0x6e: {  	v45 =	vld [tilespmem:s28+$0x380];
	v8 =	vmul.f32 v39, v41;
	[tilespmem:s28+$0x310] =	vst v9  }
0x6f: {  	v46 =	vld [tilespmem:s28+$0x390];
	v10 =	vmul.f32 v42, v41;
	[tilespmem:s28+$0x320] =	vst v7  }
0x70: {  	v47 =	vld [tilespmem:s28+$0x3A0];
	v12 =	vmul.f32 v43, v41;
	[tilespmem:s28+$0x330] =	vst v8  }
0x71: {  	v49 =	vld [tilespmem:s28+$0x3C0];
	v50 =	vbroadcast v1, $0x4;
	v13 =	vmul.f32 v44, v41;
	[tilespmem:s28+$0x350] =	vst v10  }
0x72: {  	v51 =	vld [tilespmem:s28+$0x3D0];
	v11 =	vmul.f32 v40, v41;
	[tilespmem:s28+$0x360] =	vst v12  }
0x73: {  	v52 =	vld [tilespmem:s28+$0x3E0];
	v9 =	vmul.f32 v45, v50;
	[tilespmem:s28+$0x370] =	vst v13  }
0x74: {  	v48 =	vld [tilespmem:s28+$0x3B0];
	v7 =	vmul.f32 v46, v50;
	[tilespmem:s28+$0x340] =	vst v11  }
0x75: {  	v53 =	vld [tilespmem:s28+$0x3F0];
	v8 =	vmul.f32 v47, v50;
	[tilespmem:s28+$0x380] =	vst v9  }
0x76: {  	v54 =	vld [tilespmem:s28+$0x400];
	v10 =	vmul.f32 v49, v50;
	[tilespmem:s28+$0x390] =	vst v7  }
0x77: {  	v55 =	vld [tilespmem:s28+$0x410];
	v12 =	vmul.f32 v51, v50;
	[tilespmem:s28+$0x3A0] =	vst v8  }
0x78: {  	v57 =	vld [tilespmem:s28+$0x430];
	v13 =	vmul.f32 v52, v50;
	[tilespmem:s28+$0x3C0] =	vst v10  }
0x79: {  	v58 =	vld [tilespmem:s28+$0x440];
	v59 =	vbroadcast v1, $0x5;
	v11 =	vmul.f32 v48, v50;
	[tilespmem:s28+$0x3D0] =	vst v12  }
0x7a: {  	v60 =	vld [tilespmem:s28+$0x450];
	v9 =	vmul.f32 v53, v50;
	[tilespmem:s28+$0x3E0] =	vst v13  }
0x7b: {  	v56 =	vld [tilespmem:s28+$0x420];
	v7 =	vmul.f32 v54, v59;
	[tilespmem:s28+$0x3B0] =	vst v11  }
0x7c: {  	v61 =	vld [tilespmem:s28+$0x460];
	v8 =	vmul.f32 v55, v59;
	[tilespmem:s28+$0x3F0] =	vst v9  }
0x7d: {  	v62 =	vld [tilespmem:s28+$0x470];
	v10 =	vmul.f32 v57, v59;
	[tilespmem:s28+$0x400] =	vst v7  }
0x7e: {  	v63 =	vld [tilespmem:s28+$0x480];
	v12 =	vmul.f32 v58, v59;
	[tilespmem:s28+$0x410] =	vst v8  }
0x7f: {  	v19 =	vld [tilespmem:s28+$0x4A0];
	v13 =	vmul.f32 v60, v59;
	[tilespmem:s28+$0x430] =	vst v10  }
0x80: {  	v20 =	vld [tilespmem:s28+$0x4B0];
	v11 =	vmul.f32 v56, v59;
	[tilespmem:s28+$0x440] =	vst v12  }
0x81: {  	v21 =	vld [tilespmem:s28+$0x4C0];
	v22 =	vbroadcast v1, $0x6;
	v9 =	vmul.f32 v61, v59;
	[tilespmem:s28+$0x450] =	vst v13  }
0x82: {  	v18 =	vld [tilespmem:s28+$0x490];
	v7 =	vmul.f32 v62, v59;
	[tilespmem:s28+$0x420] =	vst v11  }
0x83: {  	v23 =	vld [tilespmem:s28+$0x4D0];
	v8 =	vmul.f32 v63, v22;
	[tilespmem:s28+$0x460] =	vst v9  }
0x84: {  	v24 =	vld [tilespmem:s28+$0x4E0];
	v10 =	vmul.f32 v19, v22;
	[tilespmem:s28+$0x470] =	vst v7  }
0x85: {  	v25 =	vld [tilespmem:s28+$0x4F0];
	v12 =	vmul.f32 v20, v22;
	[tilespmem:s28+$0x480] =	vst v8  }
0x86: {  	v27 =	vld [tilespmem:s28+$0x510];
	v13 =	vmul.f32 v21, v22;
	[tilespmem:s28+$0x4A0] =	vst v10  }
0x87: {  	v28 =	vld [tilespmem:s28+$0x520];
	v11 =	vmul.f32 v18, v22;
	[tilespmem:s28+$0x4B0] =	vst v12  }
0x88: {  	v29 =	vld [tilespmem:s28+$0x530];
	v9 =	vmul.f32 v23, v22;
	[tilespmem:s28+$0x4C0] =	vst v13  }
0x89: {  	v31 =	vbroadcast v1, $0x7;
	v53 =	vld [tilespmem:s28+$0x680];
	v7 =	vmul.f32 v24, v22;
	[tilespmem:s28+$0x490] =	vst v11  }
0x8a: {  	v57 =	vld [tilespmem:s28+$0x6C0];
	v8 =	vmul.f32 v25, v22;
	[tilespmem:s28+$0x4D0] =	vst v9  }
0x8b: {  	v58 =	vld [tilespmem:s28+$0x6D0];
	v10 =	vmul.f32 v27, v31;
	[tilespmem:s28+$0x4E0] =	vst v7  }
0x8c: {  	v26 =	vld [tilespmem:s28+$0x500];
	v12 =	vmul.f32 v28, v31;
	[tilespmem:s28+$0x4F0] =	vst v8  }
0x8d: {  	v30 =	vld [tilespmem:s28+$0x540];
	v13 =	vmul.f32 v29, v31;
	[tilespmem:s28+$0x510] =	vst v10  }
0x8e: {  	v32 =	vld [tilespmem:s28+$0x550];
	v59 =	vmul.f32 v53, v5;
	[tilespmem:s28+$0x520] =	vst v12  }
0x8f: {  	v33 =	vld [tilespmem:s28+$0x560];
	v18 =	vmul.f32 v57, v5;
	[tilespmem:s28+$0x530] =	vst v13  }
0x90: {  	v35 =	vld [tilespmem:s28+$0x580];
	v20 =	vmul.f32 v58, v5;
	[tilespmem:s28+$0x680] =	vst v59  }
0x91: {  	v36 =	vld [tilespmem:s28+$0x590];
	v11 =	vmul.f32 v26, v31;
	[tilespmem:s28+$0x6C0] =	vst v18  }
0x92: {  	v37 =	vld [tilespmem:s28+$0x5A0];
	v9 =	vmul.f32 v30, v31;
	[tilespmem:s28+$0x6D0] =	vst v20  }
0x93: {  	v4 =	vld [tilespmem:s28+$0x700];
	v40 =	vbroadcast v1, $0x8;
	v7 =	vmul.f32 v32, v31;
	[tilespmem:s28+$0x500] =	vst v11  }
0x94: {  	v6 =	vld [tilespmem:s28+$0x710];
	v8 =	vmul.f32 v33, v31;
	[tilespmem:s28+$0x540] =	vst v9  }
0x95: {  	v3 =	vld [tilespmem:s28+$0x950];
	v10 =	vmul.f32 v35, v40;
	[tilespmem:s28+$0x550] =	vst v7  }
0x96: {  	v61 =	vld [tilespmem:s28+$0x180];
	v23 =	vbroadcast v1, $0xB;
	v12 =	vmul.f32 v36, v40;
	[tilespmem:s28+$0x560] =	vst v8  }
0x97: {  	v34 =	vld [tilespmem:s28+$0x570];
	v13 =	vmul.f32 v37, v40;
	[tilespmem:s28+$0x580] =	vst v10  }
0x98: {  	v38 =	vld [tilespmem:s28+$0x5B0];
	v27 =	vbroadcast v1, $0xF;
	v4 =	vmul.f32 v4, v23;
	[tilespmem:s28+$0x590] =	vst v12  }
0x99: {  	v39 =	vld [tilespmem:s28+$0x5C0];
	v6 =	vmul.f32 v6, v23;
	[tilespmem:s28+$0x5A0] =	vst v13  }
0x9a: {  	v41 =	vld [tilespmem:s28+$0x5D0];
	v3 =	vmul.f32 v3, v27;
	[tilespmem:s28+$0x700] =	vst v4  }
0x9b: {  	v43 =	vld [tilespmem:s28+$0x5F0];
	v24 =	vmul.f32 v2, v61;
	[tilespmem:s28+$0x710] =	vst v6  }
0x9c: {  	v44 =	vld [tilespmem:s28+$0x600];
	v11 =	vmul.f32 v34, v31;
	[tilespmem:s28+$0x950] =	vst v3  }
0x9d: {  	v45 =	vld [tilespmem:s28+$0x610];
	v9 =	vmul.f32 v38, v40;
	[tilespmem:s28+$0x180] =	vst v24  }
0x9e: {  	v63 =	vld [tilespmem:s28+$0x1C0];
	v7 =	vmul.f32 v39, v40;
	[tilespmem:s28+$0x570] =	vst v11  }
0x9f: {  	v49 =	vbroadcast v1, $0x9;
	v29 =	vld [tilespmem:s28+$0x770];
	v8 =	vmul.f32 v41, v40;
	[tilespmem:s28+$0x5B0] =	vst v9  }
0xa0: {  	v42 =	vld [tilespmem:s28+$0x5E0];
	v10 =	vmul.f32 v43, v40;
	[tilespmem:s28+$0x5C0] =	vst v7  }
0xa1: {  	v46 =	vld [tilespmem:s28+$0x620];
	v12 =	vmul.f32 v44, v49;
	[tilespmem:s28+$0x5D0] =	vst v8  }
0xa2: {  	v47 =	vld [tilespmem:s28+$0x630];
	v13 =	vmul.f32 v45, v49;
	[tilespmem:s28+$0x5F0] =	vst v10  }
0xa3: {  	v48 =	vld [tilespmem:s28+$0x640];
	v3 =	vmul.f32 v63, v2;
	[tilespmem:s28+$0x600] =	vst v12  }
0xa4: {  	v51 =	vld [tilespmem:s28+$0x660];
	v6 =	vmul.f32 v29, v23;
	[tilespmem:s28+$0x610] =	vst v13  }
0xa5: {  	v52 =	vld [tilespmem:s28+$0x670];
	v11 =	vmul.f32 v42, v40;
	[tilespmem:s28+$0x1C0] =	vst v3  }
0xa6: {  	v28 =	vld [tilespmem:s28+$0x760];
	v9 =	vmul.f32 v46, v49;
	[tilespmem:s28+$0x770] =	vst v6  }
0xa7: {  	v26 =	vld [tilespmem:s28+$0x750];
	v7 =	vmul.f32 v47, v49;
	[tilespmem:s28+$0x5E0] =	vst v11  }
0xa8: {  	v30 =	vld [tilespmem:s28+$0x780];
	v8 =	vmul.f32 v48, v49;
	[tilespmem:s28+$0x620] =	vst v9  }
0xa9: {  	v50 =	vld [tilespmem:s28+$0x650];
	v10 =	vmul.f32 v51, v49;
	[tilespmem:s28+$0x630] =	vst v7  }
0xaa: {  	v54 =	vld [tilespmem:s28+$0x690];
	v12 =	vmul.f32 v52, v49;
	[tilespmem:s28+$0x640] =	vst v8  }
0xab: {  	v55 =	vld [tilespmem:s28+$0x6A0];
	v35 =	vbroadcast v1, $0xC;
	v40 =	vmul.f32 v28, v23;
	[tilespmem:s28+$0x660] =	vst v10  }
0xac: {  	v56 =	vld [tilespmem:s28+$0x6B0];
	v32 =	vmul.f32 v26, v23;
	[tilespmem:s28+$0x670] =	vst v12  }
0xad: {  	v60 =	vld [tilespmem:s28+$0x6E0];
	v15 =	vmul.f32 v30, v35;
	[tilespmem:s28+$0x760] =	vst v40  }
0xae: {  	v62 =	vld [tilespmem:s28+$0x190];
	v11 =	vmul.f32 v50, v49;
	[tilespmem:s28+$0x750] =	vst v32  }
0xaf: {  	v19 =	vld [tilespmem:s28+$0x1D0];
	v9 =	vmul.f32 v54, v5;
	[tilespmem:s28+$0x780] =	vst v15  }
0xb0: {  	v33 =	vld [tilespmem:s28+$0x7B0];
	v7 =	vmul.f32 v55, v5;
	[tilespmem:s28+$0x650] =	vst v11  }
0xb1: {  	v61 =	vld [tilespmem:s28+$0x970];
	v8 =	vmul.f32 v56, v5;
	[tilespmem:s28+$0x690] =	vst v9  }
0xb2: {  	v38 =	vld [tilespmem:s28+$0x7F0];
	v5 =	vmul.f32 v60, v5;
	[tilespmem:s28+$0x6A0] =	vst v7  }
0xb3: {  	v21 =	vld [tilespmem:s28+$0x720];
	v12 =	vmul.f32 v62, v2;
	[tilespmem:s28+$0x6B0] =	vst v8  }
0xb4: {  	v22 =	vld [tilespmem:s28+$0x730];
	v2 =	vmul.f32 v19, v2;
	[tilespmem:s28+$0x6E0] =	vst v5  }
0xb5: {  	v25 =	vld [tilespmem:s28+$0x740];
	v62 =	vmul.f32 v33, v35;
	[tilespmem:s28+$0x190] =	vst v12  }
0xb6: {  	v31 =	vld [tilespmem:s28+$0x790];
	v63 =	vmul.f32 v61, v27;
	[tilespmem:s28+$0x1D0] =	vst v2  }
0xb7: {  	v34 =	vld [tilespmem:s28+$0x7C0];
	v15 =	vmul.f32 v38, v35;
	[tilespmem:s28+$0x7B0] =	vst v62  }
0xb8: {  	v41 =	vld [tilespmem:s28+$0x820];
	v7 =	vmul.f32 v21, v23;
	[tilespmem:s28+$0x970] =	vst v63  }
0xb9: {  	v46 =	vld [tilespmem:s28+$0x860];
	v8 =	vmul.f32 v22, v23;
	[tilespmem:s28+$0x7F0] =	vst v15  }
0xba: {  	v36 =	vld [tilespmem:s28+$0x7D0];
	v5 =	vmul.f32 v25, v23;
	[tilespmem:s28+$0x720] =	vst v7  }
0xbb: {  	v44 =	vbroadcast v1, $0xD;
	v9 =	vmul.f32 v31, v35;
	v2 =	vld [tilespmem:s28+$0x810];
	[tilespmem:s28+$0x730] =	vst v8  }
0xbc: {  	v37 =	vld [tilespmem:s28+$0x7E0];
	v12 =	vmul.f32 v34, v35;
	[tilespmem:s28+$0x740] =	vst v5  }
0xbd: {  	v39 =	vld [tilespmem:s28+$0x800];
	v11 =	vmul.f32 v41, v44;
	[tilespmem:s28+$0x790] =	vst v9  }
0xbe: {  	v42 =	vld [tilespmem:s28+$0x830];
	v51 =	vmul.f32 v46, v44;
	[tilespmem:s28+$0x7C0] =	vst v12  }
0xbf: {  	v48 =	vld [tilespmem:s28+$0x890];
	v8 =	vmul.f32 v36, v35;
	[tilespmem:s28+$0x820] =	vst v11  }
0xc0: {  	v49 =	vld [tilespmem:s28+$0x8A0];
	[tilespmem:s28+$0x860] =	vst v51;
	v2 =	vmul.f32 v2, v44  }
0xc1: {  	v50 =	vld [tilespmem:s28+$0x8B0];
	v5 =	vmul.f32 v37, v35;
	[tilespmem:s28+$0x7D0] =	vst v8  }
0xc2: {  	v1 =	vbroadcast v1, $0xE;
	v9 =	vmul.f32 v39, v44;
	[tilespmem:s28+$0x810] =	vst v2;
	v2 =	vld [tilespmem:s28+$0x880]  }
0xc3: {  	v60 =	vld [tilespmem:s28+$0x960];
	v12 =	vmul.f32 v42, v44;
	[tilespmem:s28+$0x7E0] =	vst v5  }
0xc4: {  	v45 =	vld [tilespmem:s28+$0x850];
	v11 =	vmul.f32 v48, v1;
	[tilespmem:s28+$0x800] =	vst v9  }
0xc5: {  	v47 =	vld [tilespmem:s28+$0x870];
	v10 =	vmul.f32 v49, v1;
	[tilespmem:s28+$0x830] =	vst v12  }
0xc6: {  	v43 =	vld [tilespmem:s28+$0x840];
	v6 =	vmul.f32 v50, v1;
	[tilespmem:s28+$0x890] =	vst v11  }
0xc7: {  	v55 =	vld [tilespmem:s28+$0x900];
	[tilespmem:s28+$0x8A0] =	vst v10;
	v2 =	vmul.f32 v2, v1  }
0xc8: {  	v57 =	vld [tilespmem:s28+$0x920];
	v4 =	vmul.f32 v60, v27;
	[tilespmem:s28+$0x8B0] =	vst v6  }
0xc9: {  	v5 =	vmul.f32 v45, v44;
	[tilespmem:s28+$0x880] =	vst v2;
	v2 =	vld [tilespmem:s28+$0x8F0]  }
0xca: {  	v52 =	vld [tilespmem:s28+$0x8C0];
	v9 =	vmul.f32 v47, v44;
	[tilespmem:s28+$0x960] =	vst v4  }
0xcb: {  	v56 =	vld [tilespmem:s28+$0x910];
	v8 =	vmul.f32 v43, v44;
	[tilespmem:s28+$0x850] =	vst v5  }
0xcc: {  	v54 =	vld [tilespmem:s28+$0x8E0];
	v11 =	vmul.f32 v55, v27;
	[tilespmem:s28+$0x870] =	vst v9  }
0xcd: {  	v58 =	vld [tilespmem:s28+$0x930];
	v6 =	vmul.f32 v57, v27;
	[tilespmem:s28+$0x840] =	vst v8  }
0xce: {  	v53 =	vld [tilespmem:s28+$0x8D0];
	[tilespmem:s28+$0x900] =	vst v11;
	v2 =	vmul.f32 v2, v1  }
0xcf: {  	v59 =	vld [tilespmem:s28+$0x940];
	v5 =	vmul.f32 v52, v1;
	[tilespmem:s28+$0x920] =	vst v6  }
0xd0: {  	[tilespmem:s28+$0x8F0] =	vst v2;
	v2 =	vmul.f32 v56, v27  }
0xd1: {  	v3 =	vld [tilespmem:s28+$0x7A0];
	v9 =	vmul.f32 v54, v1;
	[tilespmem:s28+$0x8C0] =	vst v5  }
0xd2: {  	[tilespmem:s28+$0x910] =	vst v2;
	v2 =	vmul.f32 v58, v27  }
0xd3: {  	[tilespmem:s28+$0x8E0] =	vst v9;
	v1 =	vmul.f32 v53, v1  }
0xd4: {  	[tilespmem:s28+$0x930] =	vst v2;
	v2 =	vmul.f32 v59, v27  }
0xd5: {  	[tilespmem:s28+$0x8D0] =	vst v1  }
0xd6: {  	s29 =	simm.s32 $0x1;
	[tilespmem:s28+$0x940] =	vst v2;
	v2 =	vmul.f32 v3, v35  }
.LBB2_5:
0xd7: {  	s30 =	sshll.u32 s29, $0x4  }
0xd8: {  	p0 =	sne.s32 s29, $0x7;
	[tilespmem:s28+$0x7A0] =	vst v2;
	s28 =	smov.u32 s29;
	s29 =	sadd.s32 $0x1, s29  }
0xd9: {  	s30 =	sand.u32 $0x3FFFFFF0, s30  }
0xda: {  	s28 =	sshll.u32 s28, $0xB;
	v1 =	vld [tilespmem:s30+$0x100]  }
0xdb: {  	s28 =	sand.u32 $0x3FFFF800, s28  }
0xdc: {  	v8 =	vld [tilespmem:s28+$0x240]  }
0xdd: {  	v9 =	vld [tilespmem:s28+$0x250]  }
0xde: {  	v10 =	vld [tilespmem:s28+$0x230]  }
0xdf: {  	v2 =	vbroadcast v1, $0x0;
	v3 =	vld [tilespmem:s28+$0x1A0];
	v7 =	vbroadcast v1, $0x4  }
0xe0: {  	v5 =	vld [tilespmem:s28+$0x1B0]  }
0xe1: {  	v6 =	vld [tilespmem:s28+$0x6F0]  }
0xe2: {  	v11 =	vld [tilespmem:s28+$0x1E0]  }
0xe3: {  	v12 =	vld [tilespmem:s28+$0x1F0]  }
0xe4: {  	v4 =	vbroadcast v1, $0xA;
	v3 =	vmul.f32 v3, v2;
	v13 =	vld [tilespmem:s28+$0x200]  }
0xe5: {  	v5 =	vmul.f32 v5, v2;
	v14 =	vld [tilespmem:s28+$0x210]  }
0xe6: {  	[tilespmem:s28+$0x1A0] =	vst v3;
	v15 =	vld [tilespmem:s28+$0x220];
	v3 =	vmul.f32 v6, v4  }
0xe7: {  	[tilespmem:s28+$0x1B0] =	vst v5;
	v6 =	vmul.f32 v11, v2;
	v11 =	vbroadcast v1, $0x1;
	v5 =	vld [tilespmem:s28+$0x700]  }
0xe8: {  	v12 =	vmul.f32 v12, v2;
	[tilespmem:s28+$0x6F0] =	vst v3;
	v3 =	vld [tilespmem:s28+$0x950]  }
0xe9: {  	[tilespmem:s28+$0x1E0] =	vst v6;
	v13 =	vmul.f32 v13, v11;
	v6 =	vld [tilespmem:s28+$0x710]  }
0xea: {  	[tilespmem:s28+$0x1F0] =	vst v12;
	v12 =	vmul.f32 v14, v11;
	v14 =	vld [tilespmem:s28+$0x260]  }
0xeb: {  	[tilespmem:s28+$0x200] =	vst v13;
	v13 =	vmul.f32 v15, v11;
	v15 =	vld [tilespmem:s28+$0x270]  }
0xec: {  	v10 =	vmul.f32 v10, v11;
	[tilespmem:s28+$0x210] =	vst v12;
	v12 =	vld [tilespmem:s28+$0x280]  }
0xed: {  	v8 =	vmul.f32 v8, v11;
	[tilespmem:s28+$0x220] =	vst v13;
	v13 =	vld [tilespmem:s28+$0x290]  }
0xee: {  	v9 =	vmul.f32 v9, v11;
	[tilespmem:s28+$0x230] =	vst v10;
	v10 =	vld [tilespmem:s28+$0x2A0]  }
0xef: {  	[tilespmem:s28+$0x240] =	vst v8;
	v8 =	vmul.f32 v14, v11;
	v14 =	vbroadcast v1, $0x2;
	v16 =	vld [tilespmem:s28+$0x2B0]  }
0xf0: {  	[tilespmem:s28+$0x250] =	vst v9;
	v9 =	vmul.f32 v15, v11;
	v11 =	vld [tilespmem:s28+$0x2C0]  }
0xf1: {  	[tilespmem:s28+$0x260] =	vst v8;
	v8 =	vmul.f32 v12, v14;
	v12 =	vld [tilespmem:s28+$0x2D0]  }
0xf2: {  	[tilespmem:s28+$0x270] =	vst v9;
	v9 =	vmul.f32 v13, v14;
	v13 =	vld [tilespmem:s28+$0x2E0]  }
0xf3: {  	[tilespmem:s28+$0x280] =	vst v8;
	v8 =	vmul.f32 v10, v14;
	v10 =	vld [tilespmem:s28+$0x2F0]  }
0xf4: {  	[tilespmem:s28+$0x290] =	vst v9;
	v9 =	vmul.f32 v16, v14;
	v15 =	vld [tilespmem:s28+$0x300]  }
0xf5: {  	[tilespmem:s28+$0x2A0] =	vst v8;
	v8 =	vmul.f32 v11, v14;
	v11 =	vld [tilespmem:s28+$0x310]  }
0xf6: {  	[tilespmem:s28+$0x2B0] =	vst v9;
	v9 =	vmul.f32 v12, v14;
	v12 =	vld [tilespmem:s28+$0x320]  }
0xf7: {  	[tilespmem:s28+$0x2C0] =	vst v8;
	v8 =	vmul.f32 v13, v14;
	v13 =	vbroadcast v1, $0x3;
	v16 =	vld [tilespmem:s28+$0x330]  }
0xf8: {  	[tilespmem:s28+$0x2D0] =	vst v9;
	v9 =	vmul.f32 v10, v14;
	v10 =	vld [tilespmem:s28+$0x340]  }
0xf9: {  	[tilespmem:s28+$0x2E0] =	vst v8;
	v8 =	vmul.f32 v15, v13;
	v14 =	vld [tilespmem:s28+$0x350]  }
0xfa: {  	[tilespmem:s28+$0x2F0] =	vst v9;
	v9 =	vmul.f32 v11, v13;
	v11 =	vld [tilespmem:s28+$0x360]  }
0xfb: {  	[tilespmem:s28+$0x300] =	vst v8;
	v8 =	vmul.f32 v12, v13;
	v12 =	vld [tilespmem:s28+$0x370]  }
0xfc: {  	[tilespmem:s28+$0x310] =	vst v9;
	v9 =	vmul.f32 v16, v13;
	v15 =	vld [tilespmem:s28+$0x380]  }
0xfd: {  	[tilespmem:s28+$0x320] =	vst v8;
	v8 =	vmul.f32 v10, v13;
	v10 =	vld [tilespmem:s28+$0x390]  }
0xfe: {  	[tilespmem:s28+$0x330] =	vst v9;
	v9 =	vmul.f32 v14, v13;
	v14 =	vld [tilespmem:s28+$0x3A0]  }
0xff: {  	[tilespmem:s28+$0x340] =	vst v8;
	v8 =	vmul.f32 v11, v13;
	v11 =	vld [tilespmem:s28+$0x3B0]  }
0x100: {  	[tilespmem:s28+$0x350] =	vst v9;
	v9 =	vmul.f32 v12, v13;
	v12 =	vld [tilespmem:s28+$0x3C0]  }
0x101: {  	[tilespmem:s28+$0x360] =	vst v8;
	v8 =	vmul.f32 v15, v7;
	v13 =	vld [tilespmem:s28+$0x3D0]  }
0x102: {  	[tilespmem:s28+$0x370] =	vst v9;
	v9 =	vmul.f32 v10, v7;
	v10 =	vld [tilespmem:s28+$0x3E0]  }
0x103: {  	[tilespmem:s28+$0x380] =	vst v8;
	v8 =	vmul.f32 v14, v7;
	v14 =	vld [tilespmem:s28+$0x3F0]  }
0x104: {  	[tilespmem:s28+$0x390] =	vst v9;
	v9 =	vmul.f32 v11, v7;
	v11 =	vld [tilespmem:s28+$0x400]  }
0x105: {  	[tilespmem:s28+$0x3A0] =	vst v8;
	v8 =	vmul.f32 v12, v7;
	v12 =	vld [tilespmem:s28+$0x410]  }
0x106: {  	[tilespmem:s28+$0x3B0] =	vst v9;
	v9 =	vmul.f32 v13, v7;
	v13 =	vld [tilespmem:s28+$0x420]  }
0x107: {  	[tilespmem:s28+$0x3C0] =	vst v8;
	v8 =	vmul.f32 v10, v7;
	v10 =	vbroadcast v1, $0x5;
	v15 =	vld [tilespmem:s28+$0x430]  }
0x108: {  	[tilespmem:s28+$0x3D0] =	vst v9;
	v7 =	vmul.f32 v14, v7;
	v9 =	vld [tilespmem:s28+$0x440]  }
0x109: {  	[tilespmem:s28+$0x3E0] =	vst v8;
	v8 =	vmul.f32 v11, v10;
	v11 =	vld [tilespmem:s28+$0x450]  }
0x10a: {  	[tilespmem:s28+$0x3F0] =	vst v7;
	v7 =	vmul.f32 v12, v10;
	v12 =	vld [tilespmem:s28+$0x460]  }
0x10b: {  	[tilespmem:s28+$0x400] =	vst v8;
	v8 =	vmul.f32 v13, v10;
	v13 =	vld [tilespmem:s28+$0x470]  }
0x10c: {  	[tilespmem:s28+$0x410] =	vst v7;
	v7 =	vmul.f32 v15, v10;
	v14 =	vld [tilespmem:s28+$0x480]  }
0x10d: {  	[tilespmem:s28+$0x420] =	vst v8;
	v8 =	vmul.f32 v9, v10;
	v9 =	vld [tilespmem:s28+$0x490]  }
0x10e: {  	[tilespmem:s28+$0x430] =	vst v7;
	v7 =	vmul.f32 v11, v10;
	v11 =	vld [tilespmem:s28+$0x4A0]  }
0x10f: {  	[tilespmem:s28+$0x440] =	vst v8;
	v8 =	vmul.f32 v12, v10;
	v12 =	vbroadcast v1, $0x6;
	v15 =	vld [tilespmem:s28+$0x4B0]  }
0x110: {  	[tilespmem:s28+$0x450] =	vst v7;
	v7 =	vmul.f32 v13, v10;
	v10 =	vld [tilespmem:s28+$0x4C0]  }
0x111: {  	[tilespmem:s28+$0x460] =	vst v8;
	v8 =	vmul.f32 v14, v12;
	v13 =	vld [tilespmem:s28+$0x4D0]  }
0x112: {  	[tilespmem:s28+$0x470] =	vst v7;
	v7 =	vmul.f32 v9, v12;
	v9 =	vld [tilespmem:s28+$0x4E0]  }
0x113: {  	[tilespmem:s28+$0x480] =	vst v8;
	v8 =	vmul.f32 v11, v12;
	v11 =	vld [tilespmem:s28+$0x4F0]  }
0x114: {  	[tilespmem:s28+$0x490] =	vst v7;
	v7 =	vmul.f32 v15, v12;
	v14 =	vld [tilespmem:s28+$0x500]  }
0x115: {  	[tilespmem:s28+$0x4A0] =	vst v8;
	v8 =	vmul.f32 v10, v12;
	v10 =	vld [tilespmem:s28+$0x510]  }
0x116: {  	[tilespmem:s28+$0x4B0] =	vst v7;
	v7 =	vmul.f32 v13, v12;
	v13 =	vld [tilespmem:s28+$0x520]  }
0x117: {  	[tilespmem:s28+$0x4C0] =	vst v8;
	v8 =	vmul.f32 v9, v12;
	v9 =	vbroadcast v1, $0x7;
	v15 =	vld [tilespmem:s28+$0x530]  }
0x118: {  	[tilespmem:s28+$0x4D0] =	vst v7;
	v7 =	vmul.f32 v11, v12;
	v11 =	vld [tilespmem:s28+$0x540]  }
0x119: {  	[tilespmem:s28+$0x4E0] =	vst v8;
	v8 =	vmul.f32 v14, v9;
	v12 =	vld [tilespmem:s28+$0x550]  }
0x11a: {  	[tilespmem:s28+$0x4F0] =	vst v7;
	v7 =	vmul.f32 v10, v9;
	v10 =	vld [tilespmem:s28+$0x560]  }
0x11b: {  	[tilespmem:s28+$0x500] =	vst v8;
	v8 =	vmul.f32 v13, v9;
	v13 =	vld [tilespmem:s28+$0x570]  }
0x11c: {  	[tilespmem:s28+$0x510] =	vst v7;
	v7 =	vmul.f32 v15, v9;
	v14 =	vld [tilespmem:s28+$0x580]  }
0x11d: {  	[tilespmem:s28+$0x520] =	vst v8;
	v8 =	vmul.f32 v11, v9;
	v11 =	vld [tilespmem:s28+$0x590]  }
0x11e: {  	[tilespmem:s28+$0x530] =	vst v7;
	v7 =	vmul.f32 v12, v9;
	v12 =	vld [tilespmem:s28+$0x5A0]  }
0x11f: {  	[tilespmem:s28+$0x540] =	vst v8;
	v8 =	vmul.f32 v10, v9;
	v10 =	vbroadcast v1, $0x8;
	v15 =	vld [tilespmem:s28+$0x5B0]  }
0x120: {  	[tilespmem:s28+$0x550] =	vst v7;
	v7 =	vmul.f32 v13, v9;
	v9 =	vld [tilespmem:s28+$0x5C0]  }
0x121: {  	[tilespmem:s28+$0x560] =	vst v8;
	v8 =	vmul.f32 v14, v10;
	v13 =	vld [tilespmem:s28+$0x5D0]  }
0x122: {  	[tilespmem:s28+$0x570] =	vst v7;
	v7 =	vmul.f32 v11, v10;
	v11 =	vld [tilespmem:s28+$0x5E0]  }
0x123: {  	[tilespmem:s28+$0x580] =	vst v8;
	v8 =	vmul.f32 v12, v10;
	v12 =	vld [tilespmem:s28+$0x5F0]  }
0x124: {  	[tilespmem:s28+$0x590] =	vst v7;
	v7 =	vmul.f32 v15, v10;
	v14 =	vld [tilespmem:s28+$0x600]  }
0x125: {  	[tilespmem:s28+$0x5A0] =	vst v8;
	v8 =	vmul.f32 v9, v10;
	v9 =	vld [tilespmem:s28+$0x610]  }
0x126: {  	[tilespmem:s28+$0x5B0] =	vst v7;
	v7 =	vmul.f32 v13, v10;
	v13 =	vld [tilespmem:s28+$0x620]  }
0x127: {  	[tilespmem:s28+$0x5C0] =	vst v8;
	v8 =	vmul.f32 v11, v10;
	v11 =	vbroadcast v1, $0x9;
	v15 =	vld [tilespmem:s28+$0x630]  }
0x128: {  	[tilespmem:s28+$0x5D0] =	vst v7;
	v7 =	vmul.f32 v12, v10;
	v10 =	vld [tilespmem:s28+$0x640]  }
0x129: {  	[tilespmem:s28+$0x5E0] =	vst v8;
	v8 =	vmul.f32 v14, v11;
	v12 =	vld [tilespmem:s28+$0x650]  }
0x12a: {  	[tilespmem:s28+$0x5F0] =	vst v7;
	v7 =	vmul.f32 v9, v11;
	v9 =	vld [tilespmem:s28+$0x660]  }
0x12b: {  	[tilespmem:s28+$0x600] =	vst v8;
	v8 =	vmul.f32 v13, v11;
	v13 =	vld [tilespmem:s28+$0x670]  }
0x12c: {  	[tilespmem:s28+$0x610] =	vst v7;
	v7 =	vmul.f32 v15, v11;
	v14 =	vld [tilespmem:s28+$0x680]  }
0x12d: {  	[tilespmem:s28+$0x620] =	vst v8;
	v8 =	vmul.f32 v10, v11;
	v10 =	vld [tilespmem:s28+$0x690]  }
0x12e: {  	[tilespmem:s28+$0x630] =	vst v7;
	v7 =	vmul.f32 v12, v11;
	v12 =	vld [tilespmem:s28+$0x6A0]  }
0x12f: {  	[tilespmem:s28+$0x640] =	vst v8;
	v8 =	vmul.f32 v9, v11;
	v9 =	vld [tilespmem:s28+$0x6B0]  }
0x130: {  	[tilespmem:s28+$0x650] =	vst v7;
	v7 =	vmul.f32 v13, v11;
	v11 =	vld [tilespmem:s28+$0x6C0]  }
0x131: {  	[tilespmem:s28+$0x660] =	vst v8;
	v8 =	vmul.f32 v14, v4;
	v13 =	vld [tilespmem:s28+$0x6D0]  }
0x132: {  	[tilespmem:s28+$0x670] =	vst v7;
	v7 =	vmul.f32 v10, v4;
	v10 =	vld [tilespmem:s28+$0x6E0]  }
0x133: {  	v14 =	vld [tilespmem:s28+$0x180];
	[tilespmem:s28+$0x680] =	vst v8;
	v8 =	vmul.f32 v12, v4  }
0x134: {  	v12 =	vld [tilespmem:s28+$0x190];
	[tilespmem:s28+$0x690] =	vst v7;
	v7 =	vmul.f32 v9, v4  }
0x135: {  	v9 =	vld [tilespmem:s28+$0x1C0];
	[tilespmem:s28+$0x6A0] =	vst v8;
	v8 =	vmul.f32 v11, v4  }
0x136: {  	v11 =	vld [tilespmem:s28+$0x1D0];
	[tilespmem:s28+$0x6B0] =	vst v7;
	v7 =	vmul.f32 v13, v4  }
0x137: {  	[tilespmem:s28+$0x6C0] =	vst v8;
	v8 =	vmul.f32 v10, v4;
	v10 =	vbroadcast v1, $0xB;
	v13 =	vld [tilespmem:s28+$0x720]  }
0x138: {  	v4 =	vbroadcast v1, $0xF;
	v14 =	vmul.f32 v2, v14;
	[tilespmem:s28+$0x6D0] =	vst v7;
	v7 =	vld [tilespmem:s28+$0x730]  }
0x139: {  	v12 =	vmul.f32 v12, v2;
	[tilespmem:s28+$0x6E0] =	vst v8;
	v5 =	vmul.f32 v5, v10;
	v8 =	vld [tilespmem:s28+$0x740]  }
0x13a: {  	v6 =	vmul.f32 v6, v10;
	[tilespmem:s28+$0x180] =	vst v14;
	v9 =	vmul.f32 v9, v2;
	v14 =	vld [tilespmem:s28+$0x750]  }
0x13b: {  	v3 =	vmul.f32 v3, v4;
	v11 =	vmul.f32 v11, v2;
	[tilespmem:s28+$0x700] =	vst v5;
	v2 =	vld [tilespmem:s28+$0x760]  }
0x13c: {  	[tilespmem:s28+$0x710] =	vst v6;
	v5 =	vmul.f32 v13, v10;
	v6 =	vld [tilespmem:s28+$0x770]  }
0x13d: {  	v7 =	vmul.f32 v7, v10;
	v13 =	vld [tilespmem:s28+$0x780];
	[tilespmem:s28+$0x950] =	vst v3  }
0x13e: {  	[tilespmem:s28+$0x190] =	vst v12;
	v3 =	vmul.f32 v8, v10;
	v8 =	vld [tilespmem:s28+$0x790]  }
0x13f: {  	[tilespmem:s28+$0x1C0] =	vst v9;
	v9 =	vmul.f32 v14, v10;
	v12 =	vld [tilespmem:s28+$0x7A0]  }
0x140: {  	v14 =	vbroadcast v1, $0xC;
	[tilespmem:s28+$0x720] =	vst v5;
	v5 =	vmul.f32 v2, v10;
	v15 =	vld [tilespmem:s28+$0x7B0]  }
0x141: {  	[tilespmem:s28+$0x750] =	vst v9;
	v6 =	vmul.f32 v6, v10;
	v9 =	vld [tilespmem:s28+$0x7C0]  }
0x142: {  	[tilespmem:s28+$0x730] =	vst v7;
	v2 =	vmul.f32 v13, v14;
	v7 =	vld [tilespmem:s28+$0x7D0]  }
0x143: {  	[tilespmem:s28+$0x740] =	vst v3;
	v3 =	vmul.f32 v8, v14;
	v8 =	vld [tilespmem:s28+$0x7E0]  }
0x144: {  	[tilespmem:s28+$0x780] =	vst v2;
	v2 =	vmul.f32 v12, v14;
	v10 =	vld [tilespmem:s28+$0x7F0]  }
0x145: {  	[tilespmem:s28+$0x790] =	vst v3;
	v3 =	vld [tilespmem:s28+$0x800]  }
0x146: {  	[tilespmem:s28+$0x1D0] =	vst v11;
	v9 =	vmul.f32 v9, v14;
	v11 =	vld [tilespmem:s28+$0x810]  }
0x147: {  	[tilespmem:s28+$0x760] =	vst v5;
	v5 =	vmul.f32 v7, v14;
	v7 =	vld [tilespmem:s28+$0x820]  }
0x148: {  	[tilespmem:s28+$0x7C0] =	vst v9;
	v8 =	vmul.f32 v8, v14;
	v9 =	vbroadcast v1, $0xD;
	v12 =	vld [tilespmem:s28+$0x830]  }
0x149: {  	[tilespmem:s28+$0x7D0] =	vst v5;
	v5 =	vmul.f32 v10, v14;
	v10 =	vld [tilespmem:s28+$0x840]  }
0x14a: {  	[tilespmem:s28+$0x7E0] =	vst v8;
	v3 =	vmul.f32 v3, v9;
	v8 =	vld [tilespmem:s28+$0x850]  }
0x14b: {  	[tilespmem:s28+$0x7F0] =	vst v5;
	v5 =	vmul.f32 v11, v9;
	v11 =	vld [tilespmem:s28+$0x860]  }
0x14c: {  	[tilespmem:s28+$0x800] =	vst v3;
	v3 =	vmul.f32 v7, v9;
	v7 =	vld [tilespmem:s28+$0x870]  }
0x14d: {  	[tilespmem:s28+$0x810] =	vst v5;
	v5 =	vmul.f32 v12, v9;
	v12 =	vld [tilespmem:s28+$0x880]  }
0x14e: {  	[tilespmem:s28+$0x820] =	vst v3;
	v3 =	vmul.f32 v10, v9;
	v10 =	vld [tilespmem:s28+$0x890]  }
0x14f: {  	[tilespmem:s28+$0x830] =	vst v5;
	v5 =	vmul.f32 v8, v9;
	v8 =	vld [tilespmem:s28+$0x8A0]  }
0x150: {  	v1 =	vbroadcast v1, $0xE;
	[tilespmem:s28+$0x770] =	vst v6;
	v6 =	vmul.f32 v11, v9;
	v11 =	vld [tilespmem:s28+$0x8B0]  }
0x151: {  	[tilespmem:s28+$0x850] =	vst v5;
	v5 =	vmul.f32 v7, v9;
	v7 =	vld [tilespmem:s28+$0x8C0]  }
0x152: {  	[tilespmem:s28+$0x860] =	vst v6;
	v6 =	vmul.f32 v12, v1;
	v9 =	vld [tilespmem:s28+$0x8D0]  }
0x153: {  	[tilespmem:s28+$0x870] =	vst v5;
	v5 =	vmul.f32 v10, v1;
	v10 =	vld [tilespmem:s28+$0x8E0]  }
0x154: {  	[tilespmem:s28+$0x880] =	vst v6;
	v6 =	vmul.f32 v8, v1;
	v8 =	vld [tilespmem:s28+$0x8F0]  }
0x155: {  	[tilespmem:s28+$0x890] =	vst v5;
	v5 =	vmul.f32 v11, v1;
	v11 =	vld [tilespmem:s28+$0x900]  }
0x156: {  	[tilespmem:s28+$0x8A0] =	vst v6;
	v6 =	vmul.f32 v7, v1;
	v7 =	vld [tilespmem:s28+$0x910]  }
0x157: {  	[tilespmem:s28+$0x8B0] =	vst v5;
	v5 =	vmul.f32 v9, v1;
	v9 =	vld [tilespmem:s28+$0x920]  }
0x158: {  	[tilespmem:s28+$0x8C0] =	vst v6;
	v6 =	vmul.f32 v10, v1;
	v10 =	vld [tilespmem:s28+$0x930]  }
0x159: {  	[tilespmem:s28+$0x840] =	vst v3;
	v1 =	vmul.f32 v8, v1;
	v3 =	vld [tilespmem:s28+$0x940]  }
0x15a: {  	[tilespmem:s28+$0x8E0] =	vst v6;
	v6 =	vmul.f32 v11, v4;
	v8 =	vld [tilespmem:s28+$0x960]  }
0x15b: {  	[tilespmem:s28+$0x8F0] =	vst v1;
	v1 =	vmul.f32 v7, v4;
	v7 =	vld [tilespmem:s28+$0x970]  }
0x15c: {  	[tilespmem:s28+$0x900] =	vst v6;
	v6 =	vmul.f32 v9, v4  }
0x15d: {  	[tilespmem:s28+$0x910] =	vst v1;
	v1 =	vmul.f32 v10, v4  }
0x15e: {  	v9 =	vmul.f32 v15, v14;
	[tilespmem:s28+$0x920] =	vst v6  }
0x15f: {  	[tilespmem:s28+$0x930] =	vst v1;
	v1 =	vmul.f32 v3, v4  }
.Ltmp1:
0x160: {  	[tilespmem:s28+$0x7B0] =	vst v9;
	v3 =	vmul.f32 v7, v4;
	(pc) =	sbr.rel @p0 .LBB2_5-.Ltmp1, $4  }
0x161: {  	[tilespmem:s28+$0x940] =	vst v1  }
0x162: {  	v1 =	vmul.f32 v8, v4;
	[tilespmem:s28+$0x970] =	vst v3  }
0x163: {  	[tilespmem:s28+$0x8D0] =	vst v5  }
0x164: {  	[tilespmem:s28+$0x960] =	vst v1  }
0x165: {  	s26 =	sadd.s32 $0x1, s26  }
0x166: {  	p0 =	sne.s32 s26, $0x4F  }
.Ltmp2:
0x167: {  	[tilespmem:s28+$0x7A0] =	vst v2;
	(pc) =	sbr.rel @p0 .LBB2_4-.Ltmp2, $4  }
0x168: {  	[spmem:s4] =	stream.indirect.scatter.add.f32 [tilespmem:s21], [sflag:$0x3], $0x80, s18, s18, $0xb8;
	[tilespmem:$0x1C180] =	vst v63  }
0x169: {  	_ =	swait.ge [sflag:s17], $0x4000  }
0x16a: {  	[sflag:s17] =	ssyncset.done $0x0  }
0x16b: {  	[sflag:s17] =	ssyncadd.s32 $0xFFFFC000  }
0x16c: {  	s5 =	sadd.s32 $0x1, s5  }
0x16d: {  	s25 =	sshll.u32 s2, $0x6;
	[bflag:$0x0] =	sbarrier.arrive $0xFFFF;
	p0 =	sne.s32 s5, s15  }
.Ltmp3:
0x16e: {  	s26 =	sshrl.u32 s8, $0x3;
	s25 =	sor.u32 $0x1C03, s25;
	(pc) =	sbr.rel @p0 .LBB2_1-.Ltmp3, $4  }
0x16f: {  	[hbm:s14], [sflag:s25] =	dma.local [spmem:s26], $0x2800  }
0x170: {  	_ =	swait.ge [sflag:s17], $0x2800  }
0x171: {  	[sflag:s17] =	ssyncset.done $0x0  }
0x172: {  	[sflag:s17] =	ssyncadd.s32 $0xFFFFD800  }
0x173: {  	_ =	sfence.sel $0x180000  }
0x174: {  	[bflag:$0x0] =	sbarrier.arrive $0xFFFF  }
0x175: {  	p0 =	sne.s32 s2, $0x0;
	_ =	strace $0x90000047  }
0x176: {  	s0 =	sadd.s32 @!p0 $0x100000, s1;
	[bflag:$0x2] =	sbarrier.arrive $0xFFFF  }
0x177: {  	[sflag:s0] =	ssyncadd.tile.s32 @!p0 $0x1;
	_ =	shalt  }
.Lfunc_end2:
_tile_overlayer_lowered:
.L_overlay_start_2:
0x178: {  	(tag) =	ssettag $0x2  }
0x179: {  	s0 =	rddreg [dreg:$0x0];
	s2 =	stileid.u32  }
0x17a: {  	s1 =	rddreg [dreg:$0x1];
	p0 =	sne.s32 s2, $0x0  }
0x17b: {  	s3 =	rddreg [dreg:$0x2];
	[bflag:$0x3] =	sbarrier.arrive $0xFFFF;
	s2 =	simm.s32 @!p0 $0x1C03  }
0x17c: {  	[timem:s3], [sflag:s2] =	dma.local @!p0 [hbm:s0], s1  }
0x17d: {  	s0 =	simm.s32 @!p0 $0x3  }
0x17e: {  	_ =	swait.ge @!p0 [sflag:s0], s1  }
0x17f: {  	s1 =	ssub.s32 @!p0 $0x0, s1;
	[sflag:s0] =	ssyncset.done @!p0 $0x0  }
0x180: {  	[sflag:s0] =	ssyncadd.s32 @!p0 s1  }
0x181: {  	[bflag:$0x3] =	sbarrier.arrive $0xFFFF  }
0x182: {  	_ =	shalt  }

</sc_bundles>
